<compile_context>
chip_gen: v7x
topology: tpu7x:2x2x1
jax: 0.10.2.dev20260603
libtpu: 0.0.44.dev20260713+nightly
codegen_flags: <defaults>
</compile_context>

<pallas_src>
import functools

import jax
import jax.numpy as jnp
from jax import lax
from jax.experimental import pallas as pl
from jax.experimental.pallas import tpu as pltpu
from jax.experimental.pallas import tpu_sc as plsc

B, N, G, M = 16, 8192, 512, 32
QT = 128
NT = 32
NC = N // NT
BIG = 3.0e38


def _fps_body(x_ref, y_ref, z_ref, cx_ref, cy_ref, cz_ref, dists_ref):
    x = x_ref[...]
    y = y_ref[...]
    z = z_ref[...]
    iota = lax.broadcasted_iota(jnp.int32, (B, N), 1)
    col = lax.broadcasted_iota(jnp.int32, (B, G), 1)

    lx0 = x[:, 0:1]
    ly0 = y[:, 0:1]
    lz0 = z[:, 0:1]
    cx_ref[...] = jnp.where(col == 0, lx0, 0.0)
    cy_ref[...] = jnp.where(col == 0, ly0, 0.0)
    cz_ref[...] = jnp.where(col == 0, lz0, 0.0)
    dists_ref[...] = jnp.full((B, N), 1e10, dtype=jnp.float32)

    def body(i, carry):
        lx, ly, lz = carry
        dx = x - lx
        dy = y - ly
        dz = z - lz
        d = dx * dx + dy * dy
        d = d + dz * dz
        dmin = jnp.minimum(dists_ref[...], d)
        dists_ref[...] = dmin
        m = jnp.max(dmin, axis=1, keepdims=True)
        idx = jnp.min(jnp.where(dmin == m, iota, N), axis=1, keepdims=True)
        sel = iota == idx
        nlx = jnp.sum(jnp.where(sel, x, 0.0), axis=1, keepdims=True)
        nly = jnp.sum(jnp.where(sel, y, 0.0), axis=1, keepdims=True)
        nlz = jnp.sum(jnp.where(sel, z, 0.0), axis=1, keepdims=True)
        hit = col == i
        cx_ref[...] = jnp.where(hit, nlx, cx_ref[...])
        cy_ref[...] = jnp.where(hit, nly, cy_ref[...])
        cz_ref[...] = jnp.where(hit, nlz, cz_ref[...])
        return (nlx, nly, nlz)

    lax.fori_loop(1, G, body, (lx0, ly0, lz0))


def _fps_centers(x, y, z):
    return pl.pallas_call(
        _fps_body,
        out_shape=[
            jax.ShapeDtypeStruct((B, G), jnp.float32),
            jax.ShapeDtypeStruct((B, G), jnp.float32),
            jax.ShapeDtypeStruct((B, G), jnp.float32),
        ],
        scratch_shapes=[pltpu.VMEM((B, N), jnp.float32)],
    )(x, y, z)


def _knn_body(xyzT_ref, cx_ref, cy_ref, cz_ref, idx_ref, dm_ref):
    b = pl.program_id(0)
    x3 = xyzT_ref[0]
    iota_b = lax.broadcasted_iota(jnp.int32, (QT, B), 1)
    bsel = iota_b == b
    cx = jnp.sum(jnp.where(bsel, cx_ref[0], 0.0), axis=1, keepdims=True)
    cy = jnp.sum(jnp.where(bsel, cy_ref[0], 0.0), axis=1, keepdims=True)
    cz = jnp.sum(jnp.where(bsel, cz_ref[0], 0.0), axis=1, keepdims=True)
    q2 = cx * cx + cy * cy + cz * cz
    c3 = jnp.concatenate([cx, cy, cz], axis=1)
    cross = lax.dot_general(c3, x3, (((1,), (0,)), ((), ())),
                            preferred_element_type=jnp.float32)
    xb = x3[0:1, :]
    yb = x3[1:2, :]
    zb = x3[2:3, :]
    r2row = xb * xb + yb * yb + zb * zb

    for t in range(NT):
        dm_ref[:, t, :] = ((q2 - 2.0 * cross[:, t * NC:(t + 1) * NC])
                           + r2row[:, t * NC:(t + 1) * NC])

    c = dm_ref[:, 0, :]
    for t in range(1, NT):
        c = jnp.minimum(c, dm_ref[:, t, :])

    iota_c = lax.broadcasted_iota(jnp.int32, (QT, NC), 1)
    ids = []
    for _ in range(M):
        m = jnp.min(c, axis=1, keepdims=True)
        j = jnp.min(jnp.where(c == m, iota_c, NC), axis=1, keepdims=True)
        ids.append(j)
        c = jnp.where(iota_c == j, BIG, c)
    ids32 = jnp.concatenate(ids, axis=1)

    QB = 4
    iota_cc = lax.broadcasted_iota(jnp.int32, (NC, M), 0)
    iota_t = lax.broadcasted_iota(jnp.int32, (NT, M), 0)

    def scoped(gref, gidref, ids_ref):
        ids_ref[...] = ids32

        def qbody(qq, _):
            q0 = QB * qq
            idqs = [ids_ref[pl.ds(q0 + j, 1), :] for j in range(QB)]
            dq = jnp.concatenate([dm_ref[q0 + j] for j in range(QB)],
                                 axis=0)
            onehot = jnp.concatenate(
                [(iota_cc == idqs[j]).astype(jnp.float32) for j in range(QB)],
                axis=1)
            gq = jax.lax.dot_general(
                dq, onehot, (((1,), (0,)), ((), ())),
                precision=lax.Precision.HIGHEST,
                preferred_element_type=jnp.float32)
            for j in range(QB):
                gref[q0 + j] = gq[j * NT:(j + 1) * NT, j * M:(j + 1) * M]
                gidref[q0 + j] = idqs[j] + NC * iota_t
            return 0

        lax.fori_loop(0, QT // QB, qbody, 0)
        gv = gref[...].reshape(QT, NT * M)
        gid = gidref[...].reshape(QT, NT * M)
        cols = []
        for _ in range(M):
            m = jnp.min(gv, axis=1, keepdims=True)
            gcol = jnp.min(jnp.where(gv == m, gid, jnp.int32(2**30)),
                           axis=1, keepdims=True)
            cols.append(gcol)
            gv = jnp.where(gid == gcol, BIG, gv)
        idx_ref[0] = jnp.concatenate(cols, axis=1)

    pl.run_scoped(scoped,
                  pltpu.VMEM((QT, NT, M), jnp.float32),
                  pltpu.VMEM((QT, NT, M), jnp.int32),
                  pltpu.VMEM((QT, M), jnp.int32))


def _knn_topk_idx(xyzT, cxT, cyT, czT):
    grid = (B, G // QT)
    cx3 = cxT.reshape(G // QT, QT, B)
    cy3 = cyT.reshape(G // QT, QT, B)
    cz3 = czT.reshape(G // QT, QT, B)
    return pl.pallas_call(
        _knn_body,
        grid=grid,
        in_specs=[
            pl.BlockSpec((1, 3, N), lambda b, g: (b, 0, 0)),
            pl.BlockSpec((1, QT, B), lambda b, g: (g, 0, 0)),
            pl.BlockSpec((1, QT, B), lambda b, g: (g, 0, 0)),
            pl.BlockSpec((1, QT, B), lambda b, g: (g, 0, 0)),
        ],
        out_specs=pl.BlockSpec((1, QT, M), lambda b, g: (b, g, 0)),
        out_shape=jax.ShapeDtypeStruct((B, G, M), jnp.int32),
        scratch_shapes=[pltpu.VMEM((QT, NT, NC), jnp.float32)],
    )(xyzT, cx3, cy3, cz3)


NW = 32
QW = G // 2


def _sc_gather(xyzf, idxf, cenf):
    mesh = plsc.VectorSubcoreMesh(core_axis_name="c", subcore_axis_name="s")

    @functools.partial(
        pl.kernel, mesh=mesh,
        compiler_params=pltpu.CompilerParams(needs_layout_passes=False),
        out_type=jax.ShapeDtypeStruct((NW, QW * M * 3), jnp.float32),
        scratch_types=[
            pltpu.VMEM((N * 3,), jnp.float32),
            pltpu.VMEM((QW * M,), jnp.int32),
            pltpu.VMEM((QW * 3,), jnp.float32),
            pltpu.VMEM((QW * M * 3,), jnp.float32),
        ],
    )
    def k(xyz_hbm, idx_hbm, cen_hbm, out_hbm, xyzbuf, idsbuf, cbuf, outbuf):
        wid = lax.axis_index("s") * 2 + lax.axis_index("c")
        b = wid // 2
        half = wid % 2
        pltpu.sync_copy(xyz_hbm.at[b], xyzbuf)
        pltpu.sync_copy(idx_hbm.at[b, pl.ds(half * QW * M, QW * M)], idsbuf)
        pltpu.sync_copy(cen_hbm.at[b, pl.ds(half * QW * 3, QW * 3)], cbuf)

        l16 = lax.iota(jnp.int32, 16)
        div3 = [(l16 + 16 * v) // 3 for v in range(6)]
        mod3 = [(l16 + 16 * v) % 3 for v in range(6)]

        def qbody(q, _):
            idbase = jnp.full((16,), M * q, jnp.int32)
            cbase = jnp.full((16,), 3 * q, jnp.int32)
            for v in range(6):
                ksel = plsc.load_gather(idsbuf, [idbase + div3[v]])
                nb = plsc.load_gather(xyzbuf, [3 * ksel + mod3[v]])
                cpat = plsc.load_gather(cbuf, [cbase + mod3[v]])
                outbuf[pl.ds(96 * q + 16 * v, 16)] = nb - cpat
            return 0

        lax.fori_loop(0, QW, qbody, 0)
        pltpu.sync_copy(outbuf, out_hbm.at[wid])

    return k(xyzf, idxf, cenf)


def kernel(xyz):
    x = xyz[:, :, 0]
    y = xyz[:, :, 1]
    z = xyz[:, :, 2]
    cx, cy, cz = _fps_centers(x, y, z)
    center = jnp.stack([cx, cy, cz], axis=-1)

    idx = _knn_topk_idx(xyz.transpose(0, 2, 1), cx.T, cy.T, cz.T)

    nb = _sc_gather(xyz.reshape(B, N * 3), idx.reshape(B, G * M),
                    center.reshape(B, G * 3))
    neighborhood = nb.reshape(B, G, M, 3)
    return (neighborhood, center)

# --- scband reference (transcript-rebuilt; emitter-appended) ---
"""Pipeline reference for scband-group-80582176408180 (READ-ONLY COPY).

The authoritative reference and input builder live on the scoring server;
editing this copy changes nothing except your own understanding.
"""

import jax, jax.numpy as jnp
import numpy as np

NUM_GROUP = 512
GROUP_SIZE = 32


def setup_inputs(seed: int = 0) -> dict:
    key = jax.random.key(seed)
    xyz = jax.random.normal(key, (16, 8192, 3), dtype=jnp.float32)
    return {"xyz": xyz}


def _fps(xyz, n_samples):
    # farthest point sampling, xyz: [B, N, 3] -> idx [B, n_samples] int32
    def single(pts):
        N = pts.shape[0]
        idxs = jnp.zeros((n_samples,), dtype=jnp.int32)
        dists = jnp.full((N,), 1e10, dtype=pts.dtype)
        def body(i, state):
            idxs, dists, last = state
            d = jnp.sum((pts - pts[last]) ** 2, axis=-1)
            dists = jnp.minimum(dists, d)
            nxt = jnp.argmax(dists).astype(jnp.int32)
            idxs = idxs.at[i].set(nxt)
            return (idxs, dists, nxt)
        idxs, _, _ = jax.lax.fori_loop(1, n_samples, body, (idxs, dists, jnp.int32(0)))
        return idxs
    return jax.vmap(single)(xyz)


def _knn_idx(ref, query, k):
    # ref: [B, N, 3], query: [B, G, 3] -> idx [B, G, k] of nearest ref points
    q2 = jnp.sum(query ** 2, axis=-1, keepdims=True)            # [B, G, 1]
    r2 = jnp.sum(ref ** 2, axis=-1)[:, None, :]                 # [B, 1, N]
    cross = jnp.einsum('bgd,bnd->bgn', query, ref)              # [B, G, N]
    dist2 = q2 - 2.0 * cross + r2                               # [B, G, N]
    _, idx = jax.lax.top_k(-dist2, k)                           # [B, G, k]
    return idx


def reference(xyz):
    B, N, _ = xyz.shape
    fps_idx = _fps(jax.lax.stop_gradient(xyz), NUM_GROUP)        # [B, G]
    center = jnp.take_along_axis(xyz, fps_idx[..., None], axis=1)  # [B, G, 3]
    idx = _knn_idx(xyz, center, GROUP_SIZE)                      # [B, G, M]
    # gather neighborhood: xyz[b, idx[b]] -> [B, G, M, 3]
    neighborhood = jax.vmap(lambda p, i: p[i])(xyz, idx)
    neighborhood = neighborhood - center[:, :, None, :]
    return (neighborhood, center)

if __name__ == "__main__":
    import jax
    _d = setup_inputs()
    print(jax.jit(kernel)(*tuple(_d.values())))

</pallas_src>

<mosaic_0001>
#map = affine_map<(d0, d1) -> (0, 0)>
module attributes {stable_mosaic.version = 14 : i64} {
  func.func @k(%arg0: i32, %arg1: i32, %arg2: memref<16x24576xf32, #tpu.memory_space<hbm>>, %arg3: memref<16x16384xi32, #tpu.memory_space<hbm>>, %arg4: memref<16x1536xf32, #tpu.memory_space<hbm>>, %arg5: memref<32x24576xf32, #tpu.memory_space<hbm>>, %arg6: memref<24576xf32, #tpu.memory_space<vmem>>, %arg7: memref<8192xi32, #tpu.memory_space<vmem>>, %arg8: memref<768xf32, #tpu.memory_space<vmem>>, %arg9: memref<24576xf32, #tpu.memory_space<vmem>>) attributes {dimension_semantics = [#tpu.dimension_semantics<core_parallel>, #tpu.dimension_semantics<subcore_parallel>], iteration_bounds = array<i64: 2, 16>, scalar_prefetch = 0 : i64, scratch_operands = 4 : i64, tpu.core_type = #tpu.core_type<sc_vector_subcore>, window_params = [{transform_indices = #map}, {transform_indices = #map}, {transform_indices = #map}, {transform_indices = #map}]} {
    %mul3A = arith.constant 2 : i32
    %mul3A_0 = arith.muli %arg1, %mul3A : i32
    %add3A = arith.addi %mul3A_0, %arg0 : i32
    %jit3A = arith.constant 2 : i32
    %div3A = arith.divsi %add3A, %jit3A : i32
    %sign3A = arith.constant 0 : i32
    %sign3A_1 = arith.cmpi sgt, %add3A, %sign3A : i32
    %sign3A_2 = arith.extui %sign3A_1 : i1 to i32
    %sign3A_3 = arith.constant 0 : i32
    %sign3A_4 = arith.cmpi slt, %add3A, %sign3A_3 : i32
    %sign3A_5 = arith.extui %sign3A_4 : i1 to i32
    %sign3A_6 = arith.subi %sign3A_2, %sign3A_5 : i32
    %sign3A_7 = arith.constant 0 : i32
    %sign3A_8 = arith.cmpi sgt, %jit3A, %sign3A_7 : i32
    %sign3A_9 = arith.extui %sign3A_8 : i1 to i32
    %sign3A_10 = arith.constant 0 : i32
    %sign3A_11 = arith.cmpi slt, %jit3A, %sign3A_10 : i32
    %sign3A_12 = arith.extui %sign3A_11 : i1 to i32
    %sign3A_13 = arith.subi %sign3A_9, %sign3A_12 : i32
    %ne3A = arith.cmpi ne, %sign3A_6, %sign3A_13 : i32
    %rem3A = arith.remsi %add3A, %jit3A : i32
    %ne3A_14 = arith.constant 0 : i32
    %ne3A_15 = arith.cmpi ne, %rem3A, %ne3A_14 : i32
    %and3A = arith.andi %ne3A, %ne3A_15 : i1
    %sub3A = arith.constant 1 : i32
    %sub3A_16 = arith.subi %div3A, %sub3A : i32
    %select_n3A = arith.select %and3A, %sub3A_16, %div3A : i32
    %jit3A_17 = arith.constant 2 : i32
    %eq3A = arith.constant 0 : i32
    %eq3A_18 = arith.cmpi eq, %jit3A_17, %eq3A : i32
    %jit3A_19 = arith.constant 1 : i32
    %select_n3A_20 = arith.select %eq3A_18, %jit3A_19, %jit3A_17 : i32
    %rem3A_21 = arith.remsi %add3A, %select_n3A_20 : i32
    %ne3A_22 = arith.constant 0 : i32
    %ne3A_23 = arith.cmpi ne, %rem3A_21, %ne3A_22 : i32
    %lt3A = arith.constant 0 : i32
    %lt3A_24 = arith.cmpi slt, %rem3A_21, %lt3A : i32
    %lt3A_25 = arith.constant 0 : i32
    %lt3A_26 = arith.cmpi slt, %select_n3A_20, %lt3A_25 : i32
    %ne3A_27 = arith.xori %lt3A_24, %lt3A_26 : i1
    %and3A_28 = arith.andi %ne3A_27, %ne3A_23 : i1
    %add3A_29 = arith.addi %rem3A_21, %select_n3A_20 : i32
    %select_n3A_30 = arith.select %and3A_28, %add3A_29, %rem3A_21 : i32
    "tpu.region"() ({
      %run_scoped3A = tpu.sem_alloc : memref<!tpu.dma_semaphore, #tpu.memory_space<semaphore_mem>>
      %dma_start3A = arith.constant 0 : i32
      %dma_start3A_399 = tpu.memref_slice %arg2[%select_n3A, %dma_start3A] : memref<16x24576xf32, #tpu.memory_space<hbm>> -> memref<1x24576xf32, #tpu.memory_space<hbm>>
      %dma_start3A_400 = tpu.memref_squeeze %dma_start3A_399 : memref<1x24576xf32, #tpu.memory_space<hbm>> -> memref<24576xf32, #tpu.memory_space<hbm>>
      %dma_start3A_401 = arith.constant 0 : i32
      %dma_start3A_402 = tpu.memref_slice %arg2[%select_n3A, %dma_start3A_401] : memref<16x24576xf32, #tpu.memory_space<hbm>> -> memref<1x24576xf32, #tpu.memory_space<hbm>>
      %dma_start3A_403 = tpu.memref_squeeze %dma_start3A_402 : memref<1x24576xf32, #tpu.memory_space<hbm>> -> memref<24576xf32, #tpu.memory_space<hbm>>
      tpu.enqueue_dma source(%dma_start3A_403 : memref<24576xf32, #tpu.memory_space<hbm>>) target(%arg6 : memref<24576xf32, #tpu.memory_space<vmem>>) target_semaphore(%run_scoped3A : memref<!tpu.dma_semaphore, #tpu.memory_space<semaphore_mem>>)
      %dma_wait3A = arith.constant 0 : i32
      %dma_wait3A_404 = tpu.memref_slice %arg2[%select_n3A, %dma_wait3A] : memref<16x24576xf32, #tpu.memory_space<hbm>> -> memref<1x24576xf32, #tpu.memory_space<hbm>>
      %dma_wait3A_405 = tpu.memref_squeeze %dma_wait3A_404 : memref<1x24576xf32, #tpu.memory_space<hbm>> -> memref<24576xf32, #tpu.memory_space<hbm>>
      %dma_wait3A_406 = arith.constant 0 : i32
      %dma_wait3A_407 = tpu.memref_slice %arg2[%select_n3A, %dma_wait3A_406] : memref<16x24576xf32, #tpu.memory_space<hbm>> -> memref<1x24576xf32, #tpu.memory_space<hbm>>
      %dma_wait3A_408 = tpu.memref_squeeze %dma_wait3A_407 : memref<1x24576xf32, #tpu.memory_space<hbm>> -> memref<24576xf32, #tpu.memory_space<hbm>>
      tpu.wait_dma2 semaphore(%run_scoped3A : memref<!tpu.dma_semaphore, #tpu.memory_space<semaphore_mem>>) src(%dma_wait3A_408 : memref<24576xf32, #tpu.memory_space<hbm>>) dst(%arg6 : memref<24576xf32, #tpu.memory_space<vmem>>)
      tpu.yield
    }) : () -> ()
    %mul3A_31 = arith.constant 256 : i32
    %mul3A_32 = arith.muli %select_n3A_30, %mul3A_31 : i32
    %mul3A_33 = arith.constant 32 : i32
    %mul3A_34 = arith.muli %mul3A_32, %mul3A_33 : i32
    "tpu.region"() ({
      %run_scoped3A = tpu.sem_alloc : memref<!tpu.dma_semaphore, #tpu.memory_space<semaphore_mem>>
      %dma_start3A = tpu.memref_slice %arg3[%select_n3A, %mul3A_34] : memref<16x16384xi32, #tpu.memory_space<hbm>> -> memref<1x8192xi32, #tpu.memory_space<hbm>>
      %dma_start3A_399 = tpu.memref_squeeze %dma_start3A : memref<1x8192xi32, #tpu.memory_space<hbm>> -> memref<8192xi32, #tpu.memory_space<hbm>>
      %dma_start3A_400 = tpu.memref_slice %arg3[%select_n3A, %mul3A_34] : memref<16x16384xi32, #tpu.memory_space<hbm>> -> memref<1x8192xi32, #tpu.memory_space<hbm>>
      %dma_start3A_401 = tpu.memref_squeeze %dma_start3A_400 : memref<1x8192xi32, #tpu.memory_space<hbm>> -> memref<8192xi32, #tpu.memory_space<hbm>>
      tpu.enqueue_dma source(%dma_start3A_401 : memref<8192xi32, #tpu.memory_space<hbm>>) target(%arg7 : memref<8192xi32, #tpu.memory_space<vmem>>) target_semaphore(%run_scoped3A : memref<!tpu.dma_semaphore, #tpu.memory_space<semaphore_mem>>)
      %dma_wait3A = tpu.memref_slice %arg3[%select_n3A, %mul3A_34] : memref<16x16384xi32, #tpu.memory_space<hbm>> -> memref<1x8192xi32, #tpu.memory_space<hbm>>
      %dma_wait3A_402 = tpu.memref_squeeze %dma_wait3A : memref<1x8192xi32, #tpu.memory_space<hbm>> -> memref<8192xi32, #tpu.memory_space<hbm>>
      %dma_wait3A_403 = tpu.memref_slice %arg3[%select_n3A, %mul3A_34] : memref<16x16384xi32, #tpu.memory_space<hbm>> -> memref<1x8192xi32, #tpu.memory_space<hbm>>
      %dma_wait3A_404 = tpu.memref_squeeze %dma_wait3A_403 : memref<1x8192xi32, #tpu.memory_space<hbm>> -> memref<8192xi32, #tpu.memory_space<hbm>>
      tpu.wait_dma2 semaphore(%run_scoped3A : memref<!tpu.dma_semaphore, #tpu.memory_space<semaphore_mem>>) src(%dma_wait3A_404 : memref<8192xi32, #tpu.memory_space<hbm>>) dst(%arg7 : memref<8192xi32, #tpu.memory_space<vmem>>)
      tpu.yield
    }) : () -> ()
    %mul3A_35 = arith.constant 256 : i32
    %mul3A_36 = arith.muli %select_n3A_30, %mul3A_35 : i32
    %mul3A_37 = arith.constant 3 : i32
    %mul3A_38 = arith.muli %mul3A_36, %mul3A_37 : i32
    "tpu.region"() ({
      %run_scoped3A = tpu.sem_alloc : memref<!tpu.dma_semaphore, #tpu.memory_space<semaphore_mem>>
      %dma_start3A = tpu.memref_slice %arg4[%select_n3A, %mul3A_38] : memref<16x1536xf32, #tpu.memory_space<hbm>> -> memref<1x768xf32, #tpu.memory_space<hbm>>
      %dma_start3A_399 = tpu.memref_squeeze %dma_start3A : memref<1x768xf32, #tpu.memory_space<hbm>> -> memref<768xf32, #tpu.memory_space<hbm>>
      %dma_start3A_400 = tpu.memref_slice %arg4[%select_n3A, %mul3A_38] : memref<16x1536xf32, #tpu.memory_space<hbm>> -> memref<1x768xf32, #tpu.memory_space<hbm>>
      %dma_start3A_401 = tpu.memref_squeeze %dma_start3A_400 : memref<1x768xf32, #tpu.memory_space<hbm>> -> memref<768xf32, #tpu.memory_space<hbm>>
      tpu.enqueue_dma source(%dma_start3A_401 : memref<768xf32, #tpu.memory_space<hbm>>) target(%arg8 : memref<768xf32, #tpu.memory_space<vmem>>) target_semaphore(%run_scoped3A : memref<!tpu.dma_semaphore, #tpu.memory_space<semaphore_mem>>)
      %dma_wait3A = tpu.memref_slice %arg4[%select_n3A, %mul3A_38] : memref<16x1536xf32, #tpu.memory_space<hbm>> -> memref<1x768xf32, #tpu.memory_space<hbm>>
      %dma_wait3A_402 = tpu.memref_squeeze %dma_wait3A : memref<1x768xf32, #tpu.memory_space<hbm>> -> memref<768xf32, #tpu.memory_space<hbm>>
      %dma_wait3A_403 = tpu.memref_slice %arg4[%select_n3A, %mul3A_38] : memref<16x1536xf32, #tpu.memory_space<hbm>> -> memref<1x768xf32, #tpu.memory_space<hbm>>
      %dma_wait3A_404 = tpu.memref_squeeze %dma_wait3A_403 : memref<1x768xf32, #tpu.memory_space<hbm>> -> memref<768xf32, #tpu.memory_space<hbm>>
      tpu.wait_dma2 semaphore(%run_scoped3A : memref<!tpu.dma_semaphore, #tpu.memory_space<semaphore_mem>>) src(%dma_wait3A_404 : memref<768xf32, #tpu.memory_space<hbm>>) dst(%arg8 : memref<768xf32, #tpu.memory_space<vmem>>)
      tpu.yield
    }) : () -> ()
    %iota3A = tpu.iota {dimensions = array<i32: 0>} : vector<16xi32>
    %add3A_39 = arith.constant 0 : i32
    %add3A_40 = vector.broadcast %add3A_39 : i32 to vector<16xi32>
    %add3A_41 = arith.addi %iota3A, %add3A_40 : vector<16xi32>
    %jit3A_42 = arith.constant 3 : i32
    %div3A_43 = vector.broadcast %jit3A_42 : i32 to vector<16xi32>
    %div3A_44 = arith.divsi %add3A_41, %div3A_43 : vector<16xi32>
    %sign3A_45 = arith.constant 0 : i32
    %sign3A_46 = vector.broadcast %sign3A_45 : i32 to vector<16xi32>
    %sign3A_47 = arith.cmpi sgt, %add3A_41, %sign3A_46 : vector<16xi32>
    %sign3A_48 = arith.extui %sign3A_47 : vector<16xi1> to vector<16xi32>
    %sign3A_49 = arith.constant 0 : i32
    %sign3A_50 = vector.broadcast %sign3A_49 : i32 to vector<16xi32>
    %sign3A_51 = arith.cmpi slt, %add3A_41, %sign3A_50 : vector<16xi32>
    %sign3A_52 = arith.extui %sign3A_51 : vector<16xi1> to vector<16xi32>
    %sign3A_53 = arith.subi %sign3A_48, %sign3A_52 : vector<16xi32>
    %sign3A_54 = arith.constant 0 : i32
    %sign3A_55 = arith.cmpi sgt, %jit3A_42, %sign3A_54 : i32
    %sign3A_56 = arith.extui %sign3A_55 : i1 to i32
    %sign3A_57 = arith.constant 0 : i32
    %sign3A_58 = arith.cmpi slt, %jit3A_42, %sign3A_57 : i32
    %sign3A_59 = arith.extui %sign3A_58 : i1 to i32
    %sign3A_60 = arith.subi %sign3A_56, %sign3A_59 : i32
    %ne3A_61 = vector.broadcast %sign3A_60 : i32 to vector<16xi32>
    %ne3A_62 = arith.cmpi ne, %sign3A_53, %ne3A_61 : vector<16xi32>
    %rem3A_63 = vector.broadcast %jit3A_42 : i32 to vector<16xi32>
    %rem3A_64 = arith.remsi %add3A_41, %rem3A_63 : vector<16xi32>
    %ne3A_65 = arith.constant 0 : i32
    %ne3A_66 = vector.broadcast %ne3A_65 : i32 to vector<16xi32>
    %ne3A_67 = arith.cmpi ne, %rem3A_64, %ne3A_66 : vector<16xi32>
    %and3A_68 = arith.andi %ne3A_62, %ne3A_67 : vector<16xi1>
    %sub3A_69 = arith.constant 1 : i32
    %sub3A_70 = vector.broadcast %sub3A_69 : i32 to vector<16xi32>
    %sub3A_71 = arith.subi %div3A_44, %sub3A_70 : vector<16xi32>
    %select_n3A_72 = arith.select %and3A_68, %sub3A_71, %div3A_44 : vector<16xi1>, vector<16xi32>
    %add3A_73 = arith.constant 16 : i32
    %add3A_74 = vector.broadcast %add3A_73 : i32 to vector<16xi32>
    %add3A_75 = arith.addi %iota3A, %add3A_74 : vector<16xi32>
    %jit3A_76 = arith.constant 3 : i32
    %div3A_77 = vector.broadcast %jit3A_76 : i32 to vector<16xi32>
    %div3A_78 = arith.divsi %add3A_75, %div3A_77 : vector<16xi32>
    %sign3A_79 = arith.constant 0 : i32
    %sign3A_80 = vector.broadcast %sign3A_79 : i32 to vector<16xi32>
    %sign3A_81 = arith.cmpi sgt, %add3A_75, %sign3A_80 : vector<16xi32>
    %sign3A_82 = arith.extui %sign3A_81 : vector<16xi1> to vector<16xi32>
    %sign3A_83 = arith.constant 0 : i32
    %sign3A_84 = vector.broadcast %sign3A_83 : i32 to vector<16xi32>
    %sign3A_85 = arith.cmpi slt, %add3A_75, %sign3A_84 : vector<16xi32>
    %sign3A_86 = arith.extui %sign3A_85 : vector<16xi1> to vector<16xi32>
    %sign3A_87 = arith.subi %sign3A_82, %sign3A_86 : vector<16xi32>
    %sign3A_88 = arith.constant 0 : i32
    %sign3A_89 = arith.cmpi sgt, %jit3A_76, %sign3A_88 : i32
    %sign3A_90 = arith.extui %sign3A_89 : i1 to i32
    %sign3A_91 = arith.constant 0 : i32
    %sign3A_92 = arith.cmpi slt, %jit3A_76, %sign3A_91 : i32
    %sign3A_93 = arith.extui %sign3A_92 : i1 to i32
    %sign3A_94 = arith.subi %sign3A_90, %sign3A_93 : i32
    %ne3A_95 = vector.broadcast %sign3A_94 : i32 to vector<16xi32>
    %ne3A_96 = arith.cmpi ne, %sign3A_87, %ne3A_95 : vector<16xi32>
    %rem3A_97 = vector.broadcast %jit3A_76 : i32 to vector<16xi32>
    %rem3A_98 = arith.remsi %add3A_75, %rem3A_97 : vector<16xi32>
    %ne3A_99 = arith.constant 0 : i32
    %ne3A_100 = vector.broadcast %ne3A_99 : i32 to vector<16xi32>
    %ne3A_101 = arith.cmpi ne, %rem3A_98, %ne3A_100 : vector<16xi32>
    %and3A_102 = arith.andi %ne3A_96, %ne3A_101 : vector<16xi1>
    %sub3A_103 = arith.constant 1 : i32
    %sub3A_104 = vector.broadcast %sub3A_103 : i32 to vector<16xi32>
    %sub3A_105 = arith.subi %div3A_78, %sub3A_104 : vector<16xi32>
    %select_n3A_106 = arith.select %and3A_102, %sub3A_105, %div3A_78 : vector<16xi1>, vector<16xi32>
    %add3A_107 = arith.constant 32 : i32
    %add3A_108 = vector.broadcast %add3A_107 : i32 to vector<16xi32>
    %add3A_109 = arith.addi %iota3A, %add3A_108 : vector<16xi32>
    %jit3A_110 = arith.constant 3 : i32
    %div3A_111 = vector.broadcast %jit3A_110 : i32 to vector<16xi32>
    %div3A_112 = arith.divsi %add3A_109, %div3A_111 : vector<16xi32>
    %sign3A_113 = arith.constant 0 : i32
    %sign3A_114 = vector.broadcast %sign3A_113 : i32 to vector<16xi32>
    %sign3A_115 = arith.cmpi sgt, %add3A_109, %sign3A_114 : vector<16xi32>
    %sign3A_116 = arith.extui %sign3A_115 : vector<16xi1> to vector<16xi32>
    %sign3A_117 = arith.constant 0 : i32
    %sign3A_118 = vector.broadcast %sign3A_117 : i32 to vector<16xi32>
    %sign3A_119 = arith.cmpi slt, %add3A_109, %sign3A_118 : vector<16xi32>
    %sign3A_120 = arith.extui %sign3A_119 : vector<16xi1> to vector<16xi32>
    %sign3A_121 = arith.subi %sign3A_116, %sign3A_120 : vector<16xi32>
    %sign3A_122 = arith.constant 0 : i32
    %sign3A_123 = arith.cmpi sgt, %jit3A_110, %sign3A_122 : i32
    %sign3A_124 = arith.extui %sign3A_123 : i1 to i32
    %sign3A_125 = arith.constant 0 : i32
    %sign3A_126 = arith.cmpi slt, %jit3A_110, %sign3A_125 : i32
    %sign3A_127 = arith.extui %sign3A_126 : i1 to i32
    %sign3A_128 = arith.subi %sign3A_124, %sign3A_127 : i32
    %ne3A_129 = vector.broadcast %sign3A_128 : i32 to vector<16xi32>
    %ne3A_130 = arith.cmpi ne, %sign3A_121, %ne3A_129 : vector<16xi32>
    %rem3A_131 = vector.broadcast %jit3A_110 : i32 to vector<16xi32>
    %rem3A_132 = arith.remsi %add3A_109, %rem3A_131 : vector<16xi32>
    %ne3A_133 = arith.constant 0 : i32
    %ne3A_134 = vector.broadcast %ne3A_133 : i32 to vector<16xi32>
    %ne3A_135 = arith.cmpi ne, %rem3A_132, %ne3A_134 : vector<16xi32>
    %and3A_136 = arith.andi %ne3A_130, %ne3A_135 : vector<16xi1>
    %sub3A_137 = arith.constant 1 : i32
    %sub3A_138 = vector.broadcast %sub3A_137 : i32 to vector<16xi32>
    %sub3A_139 = arith.subi %div3A_112, %sub3A_138 : vector<16xi32>
    %select_n3A_140 = arith.select %and3A_136, %sub3A_139, %div3A_112 : vector<16xi1>, vector<16xi32>
    %add3A_141 = arith.constant 48 : i32
    %add3A_142 = vector.broadcast %add3A_141 : i32 to vector<16xi32>
    %add3A_143 = arith.addi %iota3A, %add3A_142 : vector<16xi32>
    %jit3A_144 = arith.constant 3 : i32
    %div3A_145 = vector.broadcast %jit3A_144 : i32 to vector<16xi32>
    %div3A_146 = arith.divsi %add3A_143, %div3A_145 : vector<16xi32>
    %sign3A_147 = arith.constant 0 : i32
    %sign3A_148 = vector.broadcast %sign3A_147 : i32 to vector<16xi32>
    %sign3A_149 = arith.cmpi sgt, %add3A_143, %sign3A_148 : vector<16xi32>
    %sign3A_150 = arith.extui %sign3A_149 : vector<16xi1> to vector<16xi32>
    %sign3A_151 = arith.constant 0 : i32
    %sign3A_152 = vector.broadcast %sign3A_151 : i32 to vector<16xi32>
    %sign3A_153 = arith.cmpi slt, %add3A_143, %sign3A_152 : vector<16xi32>
    %sign3A_154 = arith.extui %sign3A_153 : vector<16xi1> to vector<16xi32>
    %sign3A_155 = arith.subi %sign3A_150, %sign3A_154 : vector<16xi32>
    %sign3A_156 = arith.constant 0 : i32
    %sign3A_157 = arith.cmpi sgt, %jit3A_144, %sign3A_156 : i32
    %sign3A_158 = arith.extui %sign3A_157 : i1 to i32
    %sign3A_159 = arith.constant 0 : i32
    %sign3A_160 = arith.cmpi slt, %jit3A_144, %sign3A_159 : i32
    %sign3A_161 = arith.extui %sign3A_160 : i1 to i32
    %sign3A_162 = arith.subi %sign3A_158, %sign3A_161 : i32
    %ne3A_163 = vector.broadcast %sign3A_162 : i32 to vector<16xi32>
    %ne3A_164 = arith.cmpi ne, %sign3A_155, %ne3A_163 : vector<16xi32>
    %rem3A_165 = vector.broadcast %jit3A_144 : i32 to vector<16xi32>
    %rem3A_166 = arith.remsi %add3A_143, %rem3A_165 : vector<16xi32>
    %ne3A_167 = arith.constant 0 : i32
    %ne3A_168 = vector.broadcast %ne3A_167 : i32 to vector<16xi32>
    %ne3A_169 = arith.cmpi ne, %rem3A_166, %ne3A_168 : vector<16xi32>
    %and3A_170 = arith.andi %ne3A_164, %ne3A_169 : vector<16xi1>
    %sub3A_171 = arith.constant 1 : i32
    %sub3A_172 = vector.broadcast %sub3A_171 : i32 to vector<16xi32>
    %sub3A_173 = arith.subi %div3A_146, %sub3A_172 : vector<16xi32>
    %select_n3A_174 = arith.select %and3A_170, %sub3A_173, %div3A_146 : vector<16xi1>, vector<16xi32>
    %add3A_175 = arith.constant 64 : i32
    %add3A_176 = vector.broadcast %add3A_175 : i32 to vector<16xi32>
    %add3A_177 = arith.addi %iota3A, %add3A_176 : vector<16xi32>
    %jit3A_178 = arith.constant 3 : i32
    %div3A_179 = vector.broadcast %jit3A_178 : i32 to vector<16xi32>
    %div3A_180 = arith.divsi %add3A_177, %div3A_179 : vector<16xi32>
    %sign3A_181 = arith.constant 0 : i32
    %sign3A_182 = vector.broadcast %sign3A_181 : i32 to vector<16xi32>
    %sign3A_183 = arith.cmpi sgt, %add3A_177, %sign3A_182 : vector<16xi32>
    %sign3A_184 = arith.extui %sign3A_183 : vector<16xi1> to vector<16xi32>
    %sign3A_185 = arith.constant 0 : i32
    %sign3A_186 = vector.broadcast %sign3A_185 : i32 to vector<16xi32>
    %sign3A_187 = arith.cmpi slt, %add3A_177, %sign3A_186 : vector<16xi32>
    %sign3A_188 = arith.extui %sign3A_187 : vector<16xi1> to vector<16xi32>
    %sign3A_189 = arith.subi %sign3A_184, %sign3A_188 : vector<16xi32>
    %sign3A_190 = arith.constant 0 : i32
    %sign3A_191 = arith.cmpi sgt, %jit3A_178, %sign3A_190 : i32
    %sign3A_192 = arith.extui %sign3A_191 : i1 to i32
    %sign3A_193 = arith.constant 0 : i32
    %sign3A_194 = arith.cmpi slt, %jit3A_178, %sign3A_193 : i32
    %sign3A_195 = arith.extui %sign3A_194 : i1 to i32
    %sign3A_196 = arith.subi %sign3A_192, %sign3A_195 : i32
    %ne3A_197 = vector.broadcast %sign3A_196 : i32 to vector<16xi32>
    %ne3A_198 = arith.cmpi ne, %sign3A_189, %ne3A_197 : vector<16xi32>
    %rem3A_199 = vector.broadcast %jit3A_178 : i32 to vector<16xi32>
    %rem3A_200 = arith.remsi %add3A_177, %rem3A_199 : vector<16xi32>
    %ne3A_201 = arith.constant 0 : i32
    %ne3A_202 = vector.broadcast %ne3A_201 : i32 to vector<16xi32>
    %ne3A_203 = arith.cmpi ne, %rem3A_200, %ne3A_202 : vector<16xi32>
    %and3A_204 = arith.andi %ne3A_198, %ne3A_203 : vector<16xi1>
    %sub3A_205 = arith.constant 1 : i32
    %sub3A_206 = vector.broadcast %sub3A_205 : i32 to vector<16xi32>
    %sub3A_207 = arith.subi %div3A_180, %sub3A_206 : vector<16xi32>
    %select_n3A_208 = arith.select %and3A_204, %sub3A_207, %div3A_180 : vector<16xi1>, vector<16xi32>
    %add3A_209 = arith.constant 80 : i32
    %add3A_210 = vector.broadcast %add3A_209 : i32 to vector<16xi32>
    %add3A_211 = arith.addi %iota3A, %add3A_210 : vector<16xi32>
    %jit3A_212 = arith.constant 3 : i32
    %div3A_213 = vector.broadcast %jit3A_212 : i32 to vector<16xi32>
    %div3A_214 = arith.divsi %add3A_211, %div3A_213 : vector<16xi32>
    %sign3A_215 = arith.constant 0 : i32
    %sign3A_216 = vector.broadcast %sign3A_215 : i32 to vector<16xi32>
    %sign3A_217 = arith.cmpi sgt, %add3A_211, %sign3A_216 : vector<16xi32>
    %sign3A_218 = arith.extui %sign3A_217 : vector<16xi1> to vector<16xi32>
    %sign3A_219 = arith.constant 0 : i32
    %sign3A_220 = vector.broadcast %sign3A_219 : i32 to vector<16xi32>
    %sign3A_221 = arith.cmpi slt, %add3A_211, %sign3A_220 : vector<16xi32>
    %sign3A_222 = arith.extui %sign3A_221 : vector<16xi1> to vector<16xi32>
    %sign3A_223 = arith.subi %sign3A_218, %sign3A_222 : vector<16xi32>
    %sign3A_224 = arith.constant 0 : i32
    %sign3A_225 = arith.cmpi sgt, %jit3A_212, %sign3A_224 : i32
    %sign3A_226 = arith.extui %sign3A_225 : i1 to i32
    %sign3A_227 = arith.constant 0 : i32
    %sign3A_228 = arith.cmpi slt, %jit3A_212, %sign3A_227 : i32
    %sign3A_229 = arith.extui %sign3A_228 : i1 to i32
    %sign3A_230 = arith.subi %sign3A_226, %sign3A_229 : i32
    %ne3A_231 = vector.broadcast %sign3A_230 : i32 to vector<16xi32>
    %ne3A_232 = arith.cmpi ne, %sign3A_223, %ne3A_231 : vector<16xi32>
    %rem3A_233 = vector.broadcast %jit3A_212 : i32 to vector<16xi32>
    %rem3A_234 = arith.remsi %add3A_211, %rem3A_233 : vector<16xi32>
    %ne3A_235 = arith.constant 0 : i32
    %ne3A_236 = vector.broadcast %ne3A_235 : i32 to vector<16xi32>
    %ne3A_237 = arith.cmpi ne, %rem3A_234, %ne3A_236 : vector<16xi32>
    %and3A_238 = arith.andi %ne3A_232, %ne3A_237 : vector<16xi1>
    %sub3A_239 = arith.constant 1 : i32
    %sub3A_240 = vector.broadcast %sub3A_239 : i32 to vector<16xi32>
    %sub3A_241 = arith.subi %div3A_214, %sub3A_240 : vector<16xi32>
    %select_n3A_242 = arith.select %and3A_238, %sub3A_241, %div3A_214 : vector<16xi1>, vector<16xi32>
    %add3A_243 = arith.constant 0 : i32
    %add3A_244 = vector.broadcast %add3A_243 : i32 to vector<16xi32>
    %add3A_245 = arith.addi %iota3A, %add3A_244 : vector<16xi32>
    %jit3A_246 = arith.constant 3 : i32
    %eq3A_247 = arith.constant 0 : i32
    %eq3A_248 = arith.cmpi eq, %jit3A_246, %eq3A_247 : i32
    %jit3A_249 = arith.constant 1 : i32
    %select_n3A_250 = arith.select %eq3A_248, %jit3A_249, %jit3A_246 : i32
    %rem3A_251 = vector.broadcast %select_n3A_250 : i32 to vector<16xi32>
    %rem3A_252 = arith.remsi %add3A_245, %rem3A_251 : vector<16xi32>
    %ne3A_253 = arith.constant 0 : i32
    %ne3A_254 = vector.broadcast %ne3A_253 : i32 to vector<16xi32>
    %ne3A_255 = arith.cmpi ne, %rem3A_252, %ne3A_254 : vector<16xi32>
    %lt3A_256 = arith.constant 0 : i32
    %lt3A_257 = vector.broadcast %lt3A_256 : i32 to vector<16xi32>
    %lt3A_258 = arith.cmpi slt, %rem3A_252, %lt3A_257 : vector<16xi32>
    %lt3A_259 = arith.constant 0 : i32
    %lt3A_260 = arith.cmpi slt, %select_n3A_250, %lt3A_259 : i32
    %ne3A_261 = vector.broadcast %lt3A_260 : i1 to vector<16xi1>
    %ne3A_262 = vector.broadcast %ne3A_261 : vector<16xi1> to vector<16xi1>
    %ne3A_263 = arith.xori %lt3A_258, %ne3A_262 : vector<16xi1>
    %and3A_264 = arith.andi %ne3A_263, %ne3A_255 : vector<16xi1>
    %add3A_265 = vector.broadcast %select_n3A_250 : i32 to vector<16xi32>
    %add3A_266 = arith.addi %rem3A_252, %add3A_265 : vector<16xi32>
    %select_n3A_267 = arith.select %and3A_264, %add3A_266, %rem3A_252 : vector<16xi1>, vector<16xi32>
    %add3A_268 = arith.constant 16 : i32
    %add3A_269 = vector.broadcast %add3A_268 : i32 to vector<16xi32>
    %add3A_270 = arith.addi %iota3A, %add3A_269 : vector<16xi32>
    %jit3A_271 = arith.constant 3 : i32
    %eq3A_272 = arith.constant 0 : i32
    %eq3A_273 = arith.cmpi eq, %jit3A_271, %eq3A_272 : i32
    %jit3A_274 = arith.constant 1 : i32
    %select_n3A_275 = arith.select %eq3A_273, %jit3A_274, %jit3A_271 : i32
    %rem3A_276 = vector.broadcast %select_n3A_275 : i32 to vector<16xi32>
    %rem3A_277 = arith.remsi %add3A_270, %rem3A_276 : vector<16xi32>
    %ne3A_278 = arith.constant 0 : i32
    %ne3A_279 = vector.broadcast %ne3A_278 : i32 to vector<16xi32>
    %ne3A_280 = arith.cmpi ne, %rem3A_277, %ne3A_279 : vector<16xi32>
    %lt3A_281 = arith.constant 0 : i32
    %lt3A_282 = vector.broadcast %lt3A_281 : i32 to vector<16xi32>
    %lt3A_283 = arith.cmpi slt, %rem3A_277, %lt3A_282 : vector<16xi32>
    %lt3A_284 = arith.constant 0 : i32
    %lt3A_285 = arith.cmpi slt, %select_n3A_275, %lt3A_284 : i32
    %ne3A_286 = vector.broadcast %lt3A_285 : i1 to vector<16xi1>
    %ne3A_287 = vector.broadcast %ne3A_286 : vector<16xi1> to vector<16xi1>
    %ne3A_288 = arith.xori %lt3A_283, %ne3A_287 : vector<16xi1>
    %and3A_289 = arith.andi %ne3A_288, %ne3A_280 : vector<16xi1>
    %add3A_290 = vector.broadcast %select_n3A_275 : i32 to vector<16xi32>
    %add3A_291 = arith.addi %rem3A_277, %add3A_290 : vector<16xi32>
    %select_n3A_292 = arith.select %and3A_289, %add3A_291, %rem3A_277 : vector<16xi1>, vector<16xi32>
    %add3A_293 = arith.constant 32 : i32
    %add3A_294 = vector.broadcast %add3A_293 : i32 to vector<16xi32>
    %add3A_295 = arith.addi %iota3A, %add3A_294 : vector<16xi32>
    %jit3A_296 = arith.constant 3 : i32
    %eq3A_297 = arith.constant 0 : i32
    %eq3A_298 = arith.cmpi eq, %jit3A_296, %eq3A_297 : i32
    %jit3A_299 = arith.constant 1 : i32
    %select_n3A_300 = arith.select %eq3A_298, %jit3A_299, %jit3A_296 : i32
    %rem3A_301 = vector.broadcast %select_n3A_300 : i32 to vector<16xi32>
    %rem3A_302 = arith.remsi %add3A_295, %rem3A_301 : vector<16xi32>
    %ne3A_303 = arith.constant 0 : i32
    %ne3A_304 = vector.broadcast %ne3A_303 : i32 to vector<16xi32>
    %ne3A_305 = arith.cmpi ne, %rem3A_302, %ne3A_304 : vector<16xi32>
    %lt3A_306 = arith.constant 0 : i32
    %lt3A_307 = vector.broadcast %lt3A_306 : i32 to vector<16xi32>
    %lt3A_308 = arith.cmpi slt, %rem3A_302, %lt3A_307 : vector<16xi32>
    %lt3A_309 = arith.constant 0 : i32
    %lt3A_310 = arith.cmpi slt, %select_n3A_300, %lt3A_309 : i32
    %ne3A_311 = vector.broadcast %lt3A_310 : i1 to vector<16xi1>
    %ne3A_312 = vector.broadcast %ne3A_311 : vector<16xi1> to vector<16xi1>
    %ne3A_313 = arith.xori %lt3A_308, %ne3A_312 : vector<16xi1>
    %and3A_314 = arith.andi %ne3A_313, %ne3A_305 : vector<16xi1>
    %add3A_315 = vector.broadcast %select_n3A_300 : i32 to vector<16xi32>
    %add3A_316 = arith.addi %rem3A_302, %add3A_315 : vector<16xi32>
    %select_n3A_317 = arith.select %and3A_314, %add3A_316, %rem3A_302 : vector<16xi1>, vector<16xi32>
    %add3A_318 = arith.constant 48 : i32
    %add3A_319 = vector.broadcast %add3A_318 : i32 to vector<16xi32>
    %add3A_320 = arith.addi %iota3A, %add3A_319 : vector<16xi32>
    %jit3A_321 = arith.constant 3 : i32
    %eq3A_322 = arith.constant 0 : i32
    %eq3A_323 = arith.cmpi eq, %jit3A_321, %eq3A_322 : i32
    %jit3A_324 = arith.constant 1 : i32
    %select_n3A_325 = arith.select %eq3A_323, %jit3A_324, %jit3A_321 : i32
    %rem3A_326 = vector.broadcast %select_n3A_325 : i32 to vector<16xi32>
    %rem3A_327 = arith.remsi %add3A_320, %rem3A_326 : vector<16xi32>
    %ne3A_328 = arith.constant 0 : i32
    %ne3A_329 = vector.broadcast %ne3A_328 : i32 to vector<16xi32>
    %ne3A_330 = arith.cmpi ne, %rem3A_327, %ne3A_329 : vector<16xi32>
    %lt3A_331 = arith.constant 0 : i32
    %lt3A_332 = vector.broadcast %lt3A_331 : i32 to vector<16xi32>
    %lt3A_333 = arith.cmpi slt, %rem3A_327, %lt3A_332 : vector<16xi32>
    %lt3A_334 = arith.constant 0 : i32
    %lt3A_335 = arith.cmpi slt, %select_n3A_325, %lt3A_334 : i32
    %ne3A_336 = vector.broadcast %lt3A_335 : i1 to vector<16xi1>
    %ne3A_337 = vector.broadcast %ne3A_336 : vector<16xi1> to vector<16xi1>
    %ne3A_338 = arith.xori %lt3A_333, %ne3A_337 : vector<16xi1>
    %and3A_339 = arith.andi %ne3A_338, %ne3A_330 : vector<16xi1>
    %add3A_340 = vector.broadcast %select_n3A_325 : i32 to vector<16xi32>
    %add3A_341 = arith.addi %rem3A_327, %add3A_340 : vector<16xi32>
    %select_n3A_342 = arith.select %and3A_339, %add3A_341, %rem3A_327 : vector<16xi1>, vector<16xi32>
    %add3A_343 = arith.constant 64 : i32
    %add3A_344 = vector.broadcast %add3A_343 : i32 to vector<16xi32>
    %add3A_345 = arith.addi %iota3A, %add3A_344 : vector<16xi32>
    %jit3A_346 = arith.constant 3 : i32
    %eq3A_347 = arith.constant 0 : i32
    %eq3A_348 = arith.cmpi eq, %jit3A_346, %eq3A_347 : i32
    %jit3A_349 = arith.constant 1 : i32
    %select_n3A_350 = arith.select %eq3A_348, %jit3A_349, %jit3A_346 : i32
    %rem3A_351 = vector.broadcast %select_n3A_350 : i32 to vector<16xi32>
    %rem3A_352 = arith.remsi %add3A_345, %rem3A_351 : vector<16xi32>
    %ne3A_353 = arith.constant 0 : i32
    %ne3A_354 = vector.broadcast %ne3A_353 : i32 to vector<16xi32>
    %ne3A_355 = arith.cmpi ne, %rem3A_352, %ne3A_354 : vector<16xi32>
    %lt3A_356 = arith.constant 0 : i32
    %lt3A_357 = vector.broadcast %lt3A_356 : i32 to vector<16xi32>
    %lt3A_358 = arith.cmpi slt, %rem3A_352, %lt3A_357 : vector<16xi32>
    %lt3A_359 = arith.constant 0 : i32
    %lt3A_360 = arith.cmpi slt, %select_n3A_350, %lt3A_359 : i32
    %ne3A_361 = vector.broadcast %lt3A_360 : i1 to vector<16xi1>
    %ne3A_362 = vector.broadcast %ne3A_361 : vector<16xi1> to vector<16xi1>
    %ne3A_363 = arith.xori %lt3A_358, %ne3A_362 : vector<16xi1>
    %and3A_364 = arith.andi %ne3A_363, %ne3A_355 : vector<16xi1>
    %add3A_365 = vector.broadcast %select_n3A_350 : i32 to vector<16xi32>
    %add3A_366 = arith.addi %rem3A_352, %add3A_365 : vector<16xi32>
    %select_n3A_367 = arith.select %and3A_364, %add3A_366, %rem3A_352 : vector<16xi1>, vector<16xi32>
    %add3A_368 = arith.constant 80 : i32
    %add3A_369 = vector.broadcast %add3A_368 : i32 to vector<16xi32>
    %add3A_370 = arith.addi %iota3A, %add3A_369 : vector<16xi32>
    %jit3A_371 = arith.constant 3 : i32
    %eq3A_372 = arith.constant 0 : i32
    %eq3A_373 = arith.cmpi eq, %jit3A_371, %eq3A_372 : i32
    %jit3A_374 = arith.constant 1 : i32
    %select_n3A_375 = arith.select %eq3A_373, %jit3A_374, %jit3A_371 : i32
    %rem3A_376 = vector.broadcast %select_n3A_375 : i32 to vector<16xi32>
    %rem3A_377 = arith.remsi %add3A_370, %rem3A_376 : vector<16xi32>
    %ne3A_378 = arith.constant 0 : i32
    %ne3A_379 = vector.broadcast %ne3A_378 : i32 to vector<16xi32>
    %ne3A_380 = arith.cmpi ne, %rem3A_377, %ne3A_379 : vector<16xi32>
    %lt3A_381 = arith.constant 0 : i32
    %lt3A_382 = vector.broadcast %lt3A_381 : i32 to vector<16xi32>
    %lt3A_383 = arith.cmpi slt, %rem3A_377, %lt3A_382 : vector<16xi32>
    %lt3A_384 = arith.constant 0 : i32
    %lt3A_385 = arith.cmpi slt, %select_n3A_375, %lt3A_384 : i32
    %ne3A_386 = vector.broadcast %lt3A_385 : i1 to vector<16xi1>
    %ne3A_387 = vector.broadcast %ne3A_386 : vector<16xi1> to vector<16xi1>
    %ne3A_388 = arith.xori %lt3A_383, %ne3A_387 : vector<16xi1>
    %and3A_389 = arith.andi %ne3A_388, %ne3A_380 : vector<16xi1>
    %add3A_390 = vector.broadcast %select_n3A_375 : i32 to vector<16xi32>
    %add3A_391 = arith.addi %rem3A_377, %add3A_390 : vector<16xi32>
    %select_n3A_392 = arith.select %and3A_389, %add3A_391, %rem3A_377 : vector<16xi1>, vector<16xi32>
    %scan3A = arith.constant 0 : i32
    %scan3A_393 = arith.constant 0 : i32
    %scan3A_394 = arith.constant 256 : i32
    %scan3A_395 = arith.addi %scan3A_393, %scan3A_394 : i32
    %scan3A_396 = arith.constant 1 : i32
    %scan3A_397 = scf.for %scan3A_399 = %scan3A_393 to %scan3A_395 step %scan3A_396 iter_args(%scan3A_400 = %scan3A) -> (i32)  : i32 {
      %mul3A_401 = arith.constant 32 : i32
      %mul3A_402 = arith.muli %mul3A_401, %scan3A_399 : i32
      %broadcast_in_dim3A = vector.broadcast %mul3A_402 : i32 to vector<16xi32>
      %mul3A_403 = arith.constant 3 : i32
      %mul3A_404 = arith.muli %mul3A_403, %scan3A_399 : i32
      %broadcast_in_dim3A_405 = vector.broadcast %mul3A_404 : i32 to vector<16xi32>
      %add3A_406 = arith.addi %broadcast_in_dim3A, %select_n3A_72 : vector<16xi32>
      %gather3A = tpu.vector_load_idx %arg7[%add3A_406] : memref<8192xi32, #tpu.memory_space<vmem>>[vector<16xi32>], vector<16xi32>,
      %mul3A_407 = arith.constant 3 : i32
      %mul3A_408 = vector.broadcast %mul3A_407 : i32 to vector<16xi32>
      %mul3A_409 = arith.muli %mul3A_408, %gather3A : vector<16xi32>
      %add3A_410 = arith.addi %mul3A_409, %select_n3A_267 : vector<16xi32>
      %gather3A_411 = tpu.vector_load_idx %arg6[%add3A_410] : memref<24576xf32, #tpu.memory_space<vmem>>[vector<16xi32>], vector<16xf32>,
      %add3A_412 = arith.addi %broadcast_in_dim3A_405, %select_n3A_267 : vector<16xi32>
      %gather3A_413 = tpu.vector_load_idx %arg8[%add3A_412] : memref<768xf32, #tpu.memory_space<vmem>>[vector<16xi32>], vector<16xf32>,
      %sub3A_414 = arith.subf %gather3A_411, %gather3A_413 : vector<16xf32>
      %mul3A_415 = arith.constant 96 : i32
      %mul3A_416 = arith.muli %mul3A_415, %scan3A_399 : i32
      %add3A_417 = arith.constant 0 : i32
      %add3A_418 = arith.addi %mul3A_416, %add3A_417 : i32
      %swap3A = arith.index_cast %add3A_418 : i32 to index
      %swap3A_419 = tpu.vector_load %arg9[%swap3A] {strides = array<i32>} : memref<24576xf32, #tpu.memory_space<vmem>>, vector<16xf32>,
      tpu.vector_store %arg9[%swap3A], %sub3A_414 {strides = array<i32>} : memref<24576xf32, #tpu.memory_space<vmem>>, vector<16xf32>,
      %add3A_420 = arith.addi %broadcast_in_dim3A, %select_n3A_106 : vector<16xi32>
      %gather3A_421 = tpu.vector_load_idx %arg7[%add3A_420] : memref<8192xi32, #tpu.memory_space<vmem>>[vector<16xi32>], vector<16xi32>,
      %mul3A_422 = arith.constant 3 : i32
      %mul3A_423 = vector.broadcast %mul3A_422 : i32 to vector<16xi32>
      %mul3A_424 = arith.muli %mul3A_423, %gather3A_421 : vector<16xi32>
      %add3A_425 = arith.addi %mul3A_424, %select_n3A_292 : vector<16xi32>
      %gather3A_426 = tpu.vector_load_idx %arg6[%add3A_425] : memref<24576xf32, #tpu.memory_space<vmem>>[vector<16xi32>], vector<16xf32>,
      %add3A_427 = arith.addi %broadcast_in_dim3A_405, %select_n3A_292 : vector<16xi32>
      %gather3A_428 = tpu.vector_load_idx %arg8[%add3A_427] : memref<768xf32, #tpu.memory_space<vmem>>[vector<16xi32>], vector<16xf32>,
      %sub3A_429 = arith.subf %gather3A_426, %gather3A_428 : vector<16xf32>
      %mul3A_430 = arith.constant 96 : i32
      %mul3A_431 = arith.muli %mul3A_430, %scan3A_399 : i32
      %add3A_432 = arith.constant 16 : i32
      %add3A_433 = arith.addi %mul3A_431, %add3A_432 : i32
      %swap3A_434 = arith.index_cast %add3A_433 : i32 to index
      %swap3A_435 = tpu.vector_load %arg9[%swap3A_434] {strides = array<i32>} : memref<24576xf32, #tpu.memory_space<vmem>>, vector<16xf32>,
      tpu.vector_store %arg9[%swap3A_434], %sub3A_429 {strides = array<i32>} : memref<24576xf32, #tpu.memory_space<vmem>>, vector<16xf32>,
      %add3A_436 = arith.addi %broadcast_in_dim3A, %select_n3A_140 : vector<16xi32>
      %gather3A_437 = tpu.vector_load_idx %arg7[%add3A_436] : memref<8192xi32, #tpu.memory_space<vmem>>[vector<16xi32>], vector<16xi32>,
      %mul3A_438 = arith.constant 3 : i32
      %mul3A_439 = vector.broadcast %mul3A_438 : i32 to vector<16xi32>
      %mul3A_440 = arith.muli %mul3A_439, %gather3A_437 : vector<16xi32>
      %add3A_441 = arith.addi %mul3A_440, %select_n3A_317 : vector<16xi32>
      %gather3A_442 = tpu.vector_load_idx %arg6[%add3A_441] : memref<24576xf32, #tpu.memory_space<vmem>>[vector<16xi32>], vector<16xf32>,
      %add3A_443 = arith.addi %broadcast_in_dim3A_405, %select_n3A_317 : vector<16xi32>
      %gather3A_444 = tpu.vector_load_idx %arg8[%add3A_443] : memref<768xf32, #tpu.memory_space<vmem>>[vector<16xi32>], vector<16xf32>,
      %sub3A_445 = arith.subf %gather3A_442, %gather3A_444 : vector<16xf32>
      %mul3A_446 = arith.constant 96 : i32
      %mul3A_447 = arith.muli %mul3A_446, %scan3A_399 : i32
      %add3A_448 = arith.constant 32 : i32
      %add3A_449 = arith.addi %mul3A_447, %add3A_448 : i32
      %swap3A_450 = arith.index_cast %add3A_449 : i32 to index
      %swap3A_451 = tpu.vector_load %arg9[%swap3A_450] {strides = array<i32>} : memref<24576xf32, #tpu.memory_space<vmem>>, vector<16xf32>,
      tpu.vector_store %arg9[%swap3A_450], %sub3A_445 {strides = array<i32>} : memref<24576xf32, #tpu.memory_space<vmem>>, vector<16xf32>,
      %add3A_452 = arith.addi %broadcast_in_dim3A, %select_n3A_174 : vector<16xi32>
      %gather3A_453 = tpu.vector_load_idx %arg7[%add3A_452] : memref<8192xi32, #tpu.memory_space<vmem>>[vector<16xi32>], vector<16xi32>,
      %mul3A_454 = arith.constant 3 : i32
      %mul3A_455 = vector.broadcast %mul3A_454 : i32 to vector<16xi32>
      %mul3A_456 = arith.muli %mul3A_455, %gather3A_453 : vector<16xi32>
      %add3A_457 = arith.addi %mul3A_456, %select_n3A_342 : vector<16xi32>
      %gather3A_458 = tpu.vector_load_idx %arg6[%add3A_457] : memref<24576xf32, #tpu.memory_space<vmem>>[vector<16xi32>], vector<16xf32>,
      %add3A_459 = arith.addi %broadcast_in_dim3A_405, %select_n3A_342 : vector<16xi32>
      %gather3A_460 = tpu.vector_load_idx %arg8[%add3A_459] : memref<768xf32, #tpu.memory_space<vmem>>[vector<16xi32>], vector<16xf32>,
      %sub3A_461 = arith.subf %gather3A_458, %gather3A_460 : vector<16xf32>
      %mul3A_462 = arith.constant 96 : i32
      %mul3A_463 = arith.muli %mul3A_462, %scan3A_399 : i32
      %add3A_464 = arith.constant 48 : i32
      %add3A_465 = arith.addi %mul3A_463, %add3A_464 : i32
      %swap3A_466 = arith.index_cast %add3A_465 : i32 to index
      %swap3A_467 = tpu.vector_load %arg9[%swap3A_466] {strides = array<i32>} : memref<24576xf32, #tpu.memory_space<vmem>>, vector<16xf32>,
      tpu.vector_store %arg9[%swap3A_466], %sub3A_461 {strides = array<i32>} : memref<24576xf32, #tpu.memory_space<vmem>>, vector<16xf32>,
      %add3A_468 = arith.addi %broadcast_in_dim3A, %select_n3A_208 : vector<16xi32>
      %gather3A_469 = tpu.vector_load_idx %arg7[%add3A_468] : memref<8192xi32, #tpu.memory_space<vmem>>[vector<16xi32>], vector<16xi32>,
      %mul3A_470 = arith.constant 3 : i32
      %mul3A_471 = vector.broadcast %mul3A_470 : i32 to vector<16xi32>
      %mul3A_472 = arith.muli %mul3A_471, %gather3A_469 : vector<16xi32>
      %add3A_473 = arith.addi %mul3A_472, %select_n3A_367 : vector<16xi32>
      %gather3A_474 = tpu.vector_load_idx %arg6[%add3A_473] : memref<24576xf32, #tpu.memory_space<vmem>>[vector<16xi32>], vector<16xf32>,
      %add3A_475 = arith.addi %broadcast_in_dim3A_405, %select_n3A_367 : vector<16xi32>
      %gather3A_476 = tpu.vector_load_idx %arg8[%add3A_475] : memref<768xf32, #tpu.memory_space<vmem>>[vector<16xi32>], vector<16xf32>,
      %sub3A_477 = arith.subf %gather3A_474, %gather3A_476 : vector<16xf32>
      %mul3A_478 = arith.constant 96 : i32
      %mul3A_479 = arith.muli %mul3A_478, %scan3A_399 : i32
      %add3A_480 = arith.constant 64 : i32
      %add3A_481 = arith.addi %mul3A_479, %add3A_480 : i32
      %swap3A_482 = arith.index_cast %add3A_481 : i32 to index
      %swap3A_483 = tpu.vector_load %arg9[%swap3A_482] {strides = array<i32>} : memref<24576xf32, #tpu.memory_space<vmem>>, vector<16xf32>,
      tpu.vector_store %arg9[%swap3A_482], %sub3A_477 {strides = array<i32>} : memref<24576xf32, #tpu.memory_space<vmem>>, vector<16xf32>,
      %add3A_484 = arith.addi %broadcast_in_dim3A, %select_n3A_242 : vector<16xi32>
      %gather3A_485 = tpu.vector_load_idx %arg7[%add3A_484] : memref<8192xi32, #tpu.memory_space<vmem>>[vector<16xi32>], vector<16xi32>,
      %mul3A_486 = arith.constant 3 : i32
      %mul3A_487 = vector.broadcast %mul3A_486 : i32 to vector<16xi32>
      %mul3A_488 = arith.muli %mul3A_487, %gather3A_485 : vector<16xi32>
      %add3A_489 = arith.addi %mul3A_488, %select_n3A_392 : vector<16xi32>
      %gather3A_490 = tpu.vector_load_idx %arg6[%add3A_489] : memref<24576xf32, #tpu.memory_space<vmem>>[vector<16xi32>], vector<16xf32>,
      %add3A_491 = arith.addi %broadcast_in_dim3A_405, %select_n3A_392 : vector<16xi32>
      %gather3A_492 = tpu.vector_load_idx %arg8[%add3A_491] : memref<768xf32, #tpu.memory_space<vmem>>[vector<16xi32>], vector<16xf32>,
      %sub3A_493 = arith.subf %gather3A_490, %gather3A_492 : vector<16xf32>
      %mul3A_494 = arith.constant 96 : i32
      %mul3A_495 = arith.muli %mul3A_494, %scan3A_399 : i32
      %add3A_496 = arith.constant 80 : i32
      %add3A_497 = arith.addi %mul3A_495, %add3A_496 : i32
      %swap3A_498 = arith.index_cast %add3A_497 : i32 to index
      %swap3A_499 = tpu.vector_load %arg9[%swap3A_498] {strides = array<i32>} : memref<24576xf32, #tpu.memory_space<vmem>>, vector<16xf32>,
      tpu.vector_store %arg9[%swap3A_498], %sub3A_493 {strides = array<i32>} : memref<24576xf32, #tpu.memory_space<vmem>>, vector<16xf32>,
      %scan3A_500 = arith.constant 0 : i32
      scf.yield %scan3A_500 : i32
    }
    %scan3A_398 = arith.constant 256 : i32
    "tpu.region"() ({
      %run_scoped3A = tpu.sem_alloc : memref<!tpu.dma_semaphore, #tpu.memory_space<semaphore_mem>>
      %dma_start3A = arith.constant 0 : i32
      %dma_start3A_399 = tpu.memref_slice %arg5[%add3A, %dma_start3A] : memref<32x24576xf32, #tpu.memory_space<hbm>> -> memref<1x24576xf32, #tpu.memory_space<hbm>>
      %dma_start3A_400 = tpu.memref_squeeze %dma_start3A_399 : memref<1x24576xf32, #tpu.memory_space<hbm>> -> memref<24576xf32, #tpu.memory_space<hbm>>
      %dma_start3A_401 = arith.constant 0 : i32
      %dma_start3A_402 = tpu.memref_slice %arg5[%add3A, %dma_start3A_401] : memref<32x24576xf32, #tpu.memory_space<hbm>> -> memref<1x24576xf32, #tpu.memory_space<hbm>>
      %dma_start3A_403 = tpu.memref_squeeze %dma_start3A_402 : memref<1x24576xf32, #tpu.memory_space<hbm>> -> memref<24576xf32, #tpu.memory_space<hbm>>
      tpu.enqueue_dma source(%arg9 : memref<24576xf32, #tpu.memory_space<vmem>>) target(%dma_start3A_403 : memref<24576xf32, #tpu.memory_space<hbm>>) target_semaphore(%run_scoped3A : memref<!tpu.dma_semaphore, #tpu.memory_space<semaphore_mem>>)
      %dma_wait3A = arith.constant 0 : i32
      %dma_wait3A_404 = tpu.memref_slice %arg5[%add3A, %dma_wait3A] : memref<32x24576xf32, #tpu.memory_space<hbm>> -> memref<1x24576xf32, #tpu.memory_space<hbm>>
      %dma_wait3A_405 = tpu.memref_squeeze %dma_wait3A_404 : memref<1x24576xf32, #tpu.memory_space<hbm>> -> memref<24576xf32, #tpu.memory_space<hbm>>
      %dma_wait3A_406 = arith.constant 0 : i32
      %dma_wait3A_407 = tpu.memref_slice %arg5[%add3A, %dma_wait3A_406] : memref<32x24576xf32, #tpu.memory_space<hbm>> -> memref<1x24576xf32, #tpu.memory_space<hbm>>
      %dma_wait3A_408 = tpu.memref_squeeze %dma_wait3A_407 : memref<1x24576xf32, #tpu.memory_space<hbm>> -> memref<24576xf32, #tpu.memory_space<hbm>>
      tpu.wait_dma2 semaphore(%run_scoped3A : memref<!tpu.dma_semaphore, #tpu.memory_space<semaphore_mem>>) src(%arg9 : memref<24576xf32, #tpu.memory_space<vmem>>) dst(%dma_wait3A_408 : memref<24576xf32, #tpu.memory_space<hbm>>)
      tpu.yield
    }) : () -> ()
    return
  }
}

module attributes {stable_mosaic.version = 14 : i64} {
  func.func @_fps_body(%arg0: memref<16x8192xf32, #tpu.memory_space<vmem>>, %arg1: memref<16x8192xf32, #tpu.memory_space<vmem>>, %arg2: memref<16x8192xf32, #tpu.memory_space<vmem>>, %arg3: memref<16x512xf32, #tpu.memory_space<vmem>>, %arg4: memref<16x512xf32, #tpu.memory_space<vmem>>, %arg5: memref<16x512xf32, #tpu.memory_space<vmem>>, %arg6: memref<16x8192xf32, #tpu.memory_space<vmem>>) attributes {dimension_semantics = [], scalar_prefetch = 0 : i64, scratch_operands = 1 : i64, tpu.core_type = #tpu.core_type<tc>} {
    %get3A = arith.constant 0 : index
    %get3A_0 = arith.constant 0 : index
    %get3A_1 = vector.load %arg0[%get3A, %get3A_0] : memref<16x8192xf32, #tpu.memory_space<vmem>>, vector<16x8192xf32>
    %get3A_2 = arith.constant 0 : index
    %get3A_3 = arith.constant 0 : index
    %get3A_4 = vector.load %arg1[%get3A_2, %get3A_3] : memref<16x8192xf32, #tpu.memory_space<vmem>>, vector<16x8192xf32>
    %get3A_5 = arith.constant 0 : index
    %get3A_6 = arith.constant 0 : index
    %get3A_7 = vector.load %arg2[%get3A_5, %get3A_6] : memref<16x8192xf32, #tpu.memory_space<vmem>>, vector<16x8192xf32>
    %iota3A = tpu.iota {dimensions = array<i32: 1>} : vector<16x8192xi32>
    %iota3A_8 = tpu.iota {dimensions = array<i32: 1>} : vector<16x512xi32>
    %slice3A = vector.extract_strided_slice %get3A_1 {offsets = [0, 0], sizes = [16, 1], strides = [1, 1]} : vector<16x8192xf32> to vector<16x1xf32>
    %slice3A_9 = vector.extract_strided_slice %get3A_4 {offsets = [0, 0], sizes = [16, 1], strides = [1, 1]} : vector<16x8192xf32> to vector<16x1xf32>
    %slice3A_10 = vector.extract_strided_slice %get3A_7 {offsets = [0, 0], sizes = [16, 1], strides = [1, 1]} : vector<16x8192xf32> to vector<16x1xf32>
    %eq3A = arith.constant 0 : i32
    %eq3A_11 = vector.broadcast %eq3A : i32 to vector<16x512xi32>
    %eq3A_12 = arith.cmpi eq, %iota3A_8, %eq3A_11 : vector<16x512xi32>
    %jit3A = arith.constant 0.000000e+00 : f32
    %broadcast_in_dim3A = vector.shape_cast %slice3A : vector<16x1xf32> to vector<16x1xf32>
    %broadcast_in_dim3A_13 = vector.broadcast %broadcast_in_dim3A : vector<16x1xf32> to vector<16x512xf32>
    %broadcast_in_dim3A_14 = vector.broadcast %jit3A : f32 to vector<16x512xf32>
    %select_n3A = arith.select %eq3A_12, %broadcast_in_dim3A_13, %broadcast_in_dim3A_14 : vector<16x512xi1>, vector<16x512xf32>
    %swap3A = arith.constant 0 : index
    %swap3A_15 = arith.constant 0 : index
    %swap3A_16 = vector.load %arg3[%swap3A, %swap3A_15] : memref<16x512xf32, #tpu.memory_space<vmem>>, vector<16x512xf32>
    tpu.vector_store %arg3[%swap3A, %swap3A_15], %select_n3A {strides = array<i32>} : memref<16x512xf32, #tpu.memory_space<vmem>>, vector<16x512xf32>,
    %eq3A_17 = arith.constant 0 : i32
    %eq3A_18 = vector.broadcast %eq3A_17 : i32 to vector<16x512xi32>
    %eq3A_19 = arith.cmpi eq, %iota3A_8, %eq3A_18 : vector<16x512xi32>
    %jit3A_20 = arith.constant 0.000000e+00 : f32
    %broadcast_in_dim3A_21 = vector.shape_cast %slice3A_9 : vector<16x1xf32> to vector<16x1xf32>
    %broadcast_in_dim3A_22 = vector.broadcast %broadcast_in_dim3A_21 : vector<16x1xf32> to vector<16x512xf32>
    %broadcast_in_dim3A_23 = vector.broadcast %jit3A_20 : f32 to vector<16x512xf32>
    %select_n3A_24 = arith.select %eq3A_19, %broadcast_in_dim3A_22, %broadcast_in_dim3A_23 : vector<16x512xi1>, vector<16x512xf32>
    %swap3A_25 = arith.constant 0 : index
    %swap3A_26 = arith.constant 0 : index
    %swap3A_27 = vector.load %arg4[%swap3A_25, %swap3A_26] : memref<16x512xf32, #tpu.memory_space<vmem>>, vector<16x512xf32>
    tpu.vector_store %arg4[%swap3A_25, %swap3A_26], %select_n3A_24 {strides = array<i32>} : memref<16x512xf32, #tpu.memory_space<vmem>>, vector<16x512xf32>,
    %eq3A_28 = arith.constant 0 : i32
    %eq3A_29 = vector.broadcast %eq3A_28 : i32 to vector<16x512xi32>
    %eq3A_30 = arith.cmpi eq, %iota3A_8, %eq3A_29 : vector<16x512xi32>
    %jit3A_31 = arith.constant 0.000000e+00 : f32
    %broadcast_in_dim3A_32 = vector.shape_cast %slice3A_10 : vector<16x1xf32> to vector<16x1xf32>
    %broadcast_in_dim3A_33 = vector.broadcast %broadcast_in_dim3A_32 : vector<16x1xf32> to vector<16x512xf32>
    %broadcast_in_dim3A_34 = vector.broadcast %jit3A_31 : f32 to vector<16x512xf32>
    %select_n3A_35 = arith.select %eq3A_30, %broadcast_in_dim3A_33, %broadcast_in_dim3A_34 : vector<16x512xi1>, vector<16x512xf32>
    %swap3A_36 = arith.constant 0 : index
    %swap3A_37 = arith.constant 0 : index
    %swap3A_38 = vector.load %arg5[%swap3A_36, %swap3A_37] : memref<16x512xf32, #tpu.memory_space<vmem>>, vector<16x512xf32>
    tpu.vector_store %arg5[%swap3A_36, %swap3A_37], %select_n3A_35 {strides = array<i32>} : memref<16x512xf32, #tpu.memory_space<vmem>>, vector<16x512xf32>,
    %broadcast_in_dim3A_39 = arith.constant 1.000000e+10 : f32
    %broadcast_in_dim3A_40 = vector.broadcast %broadcast_in_dim3A_39 : f32 to vector<16x8192xf32>
    %swap3A_41 = arith.constant 0 : index
    %swap3A_42 = arith.constant 0 : index
    %swap3A_43 = vector.load %arg6[%swap3A_41, %swap3A_42] : memref<16x8192xf32, #tpu.memory_space<vmem>>, vector<16x8192xf32>
    tpu.vector_store %arg6[%swap3A_41, %swap3A_42], %broadcast_in_dim3A_40 {strides = array<i32>} : memref<16x8192xf32, #tpu.memory_space<vmem>>, vector<16x8192xf32>,
    %scan3A = arith.constant 1 : i32
    %scan3A_44 = arith.constant 511 : i32
    %scan3A_45 = arith.addi %scan3A, %scan3A_44 : i32
    %scan3A_46 = arith.constant 1 : i32
    %scan3A_47:3 = scf.for %scan3A_49 = %scan3A to %scan3A_45 step %scan3A_46 iter_args(%scan3A_50 = %slice3A, %scan3A_51 = %slice3A_9, %scan3A_52 = %slice3A_10) -> (vector<16x1xf32>, vector<16x1xf32>, vector<16x1xf32>)  : i32 {
      %sub3A = vector.broadcast %scan3A_50 : vector<16x1xf32> to vector<16x8192xf32>
      %sub3A_53 = arith.subf %get3A_1, %sub3A : vector<16x8192xf32>
      %sub3A_54 = vector.broadcast %scan3A_51 : vector<16x1xf32> to vector<16x8192xf32>
      %sub3A_55 = arith.subf %get3A_4, %sub3A_54 : vector<16x8192xf32>
      %sub3A_56 = vector.broadcast %scan3A_52 : vector<16x1xf32> to vector<16x8192xf32>
      %sub3A_57 = arith.subf %get3A_7, %sub3A_56 : vector<16x8192xf32>
      %mul3A = arith.mulf %sub3A_53, %sub3A_53 : vector<16x8192xf32>
      %mul3A_58 = arith.mulf %sub3A_55, %sub3A_55 : vector<16x8192xf32>
      %add3A = arith.addf %mul3A, %mul3A_58 : vector<16x8192xf32>
      %mul3A_59 = arith.mulf %sub3A_57, %sub3A_57 : vector<16x8192xf32>
      %add3A_60 = arith.addf %add3A, %mul3A_59 : vector<16x8192xf32>
      %get3A_61 = arith.constant 0 : index
      %get3A_62 = arith.constant 0 : index
      %get3A_63 = vector.load %arg6[%get3A_61, %get3A_62] : memref<16x8192xf32, #tpu.memory_space<vmem>>, vector<16x8192xf32>
      %min3A = arith.minimumf %get3A_63, %add3A_60 : vector<16x8192xf32>
      %swap3A_64 = arith.constant 0 : index
      %swap3A_65 = arith.constant 0 : index
      %swap3A_66 = vector.load %arg6[%swap3A_64, %swap3A_65] : memref<16x8192xf32, #tpu.memory_space<vmem>>, vector<16x8192xf32>
      tpu.vector_store %arg6[%swap3A_64, %swap3A_65], %min3A {strides = array<i32>} : memref<16x8192xf32, #tpu.memory_space<vmem>>, vector<16x8192xf32>,
      %reduce_max3A = arith.constant dense<0xFF800000> : vector<16xf32>
      %reduce_max3A_67 = vector.multi_reduction <maximumf>, %min3A, %reduce_max3A [1] : vector<16x8192xf32> to vector<16xf32>
      %broadcast_in_dim3A_68 = vector.shape_cast %reduce_max3A_67 : vector<16xf32> to vector<16x1xf32>
      %eq3A_69 = vector.broadcast %broadcast_in_dim3A_68 : vector<16x1xf32> to vector<16x8192xf32>
      %eq3A_70 = arith.cmpf oeq, %min3A, %eq3A_69 : vector<16x8192xf32>
      %jit3A_71 = arith.constant 8192 : i32
      %broadcast_in_dim3A_72 = vector.broadcast %jit3A_71 : i32 to vector<16x8192xi32>
      %select_n3A_73 = arith.select %eq3A_70, %iota3A, %broadcast_in_dim3A_72 : vector<16x8192xi1>, vector<16x8192xi32>
      %reduce_min3A = arith.constant dense<2147483647> : vector<16xi32>
      %reduce_min3A_74 = vector.multi_reduction <minsi>, %select_n3A_73, %reduce_min3A [1] : vector<16x8192xi32> to vector<16xi32>
      %broadcast_in_dim3A_75 = vector.shape_cast %reduce_min3A_74 : vector<16xi32> to vector<16x1xi32>
      %eq3A_76 = vector.broadcast %broadcast_in_dim3A_75 : vector<16x1xi32> to vector<16x8192xi32>
      %eq3A_77 = arith.cmpi eq, %iota3A, %eq3A_76 : vector<16x8192xi32>
      %jit3A_78 = arith.constant 0.000000e+00 : f32
      %broadcast_in_dim3A_79 = vector.broadcast %jit3A_78 : f32 to vector<16x8192xf32>
      %select_n3A_80 = arith.select %eq3A_77, %get3A_1, %broadcast_in_dim3A_79 : vector<16x8192xi1>, vector<16x8192xf32>
      %reduce_sum3A = arith.constant dense<0.000000e+00> : vector<16xf32>
      %reduce_sum3A_81 = vector.multi_reduction <add>, %select_n3A_80, %reduce_sum3A [1] : vector<16x8192xf32> to vector<16xf32>
      %broadcast_in_dim3A_82 = vector.shape_cast %reduce_sum3A_81 : vector<16xf32> to vector<16x1xf32>
      %jit3A_83 = arith.constant 0.000000e+00 : f32
      %broadcast_in_dim3A_84 = vector.broadcast %jit3A_83 : f32 to vector<16x8192xf32>
      %select_n3A_85 = arith.select %eq3A_77, %get3A_4, %broadcast_in_dim3A_84 : vector<16x8192xi1>, vector<16x8192xf32>
      %reduce_sum3A_86 = arith.constant dense<0.000000e+00> : vector<16xf32>
      %reduce_sum3A_87 = vector.multi_reduction <add>, %select_n3A_85, %reduce_sum3A_86 [1] : vector<16x8192xf32> to vector<16xf32>
      %broadcast_in_dim3A_88 = vector.shape_cast %reduce_sum3A_87 : vector<16xf32> to vector<16x1xf32>
      %jit3A_89 = arith.constant 0.000000e+00 : f32
      %broadcast_in_dim3A_90 = vector.broadcast %jit3A_89 : f32 to vector<16x8192xf32>
      %select_n3A_91 = arith.select %eq3A_77, %get3A_7, %broadcast_in_dim3A_90 : vector<16x8192xi1>, vector<16x8192xf32>
      %reduce_sum3A_92 = arith.constant dense<0.000000e+00> : vector<16xf32>
      %reduce_sum3A_93 = vector.multi_reduction <add>, %select_n3A_91, %reduce_sum3A_92 [1] : vector<16x8192xf32> to vector<16xf32>
      %broadcast_in_dim3A_94 = vector.shape_cast %reduce_sum3A_93 : vector<16xf32> to vector<16x1xf32>
      %eq3A_95 = vector.broadcast %scan3A_49 : i32 to vector<16x512xi32>
      %eq3A_96 = arith.cmpi eq, %iota3A_8, %eq3A_95 : vector<16x512xi32>
      %get3A_97 = arith.constant 0 : index
      %get3A_98 = arith.constant 0 : index
      %get3A_99 = vector.load %arg3[%get3A_97, %get3A_98] : memref<16x512xf32, #tpu.memory_space<vmem>>, vector<16x512xf32>
      %broadcast_in_dim3A_100 = vector.shape_cast %broadcast_in_dim3A_82 : vector<16x1xf32> to vector<16x1xf32>
      %broadcast_in_dim3A_101 = vector.broadcast %broadcast_in_dim3A_100 : vector<16x1xf32> to vector<16x512xf32>
      %select_n3A_102 = arith.select %eq3A_96, %broadcast_in_dim3A_101, %get3A_99 : vector<16x512xi1>, vector<16x512xf32>
      %swap3A_103 = arith.constant 0 : index
      %swap3A_104 = arith.constant 0 : index
      %swap3A_105 = vector.load %arg3[%swap3A_103, %swap3A_104] : memref<16x512xf32, #tpu.memory_space<vmem>>, vector<16x512xf32>
      tpu.vector_store %arg3[%swap3A_103, %swap3A_104], %select_n3A_102 {strides = array<i32>} : memref<16x512xf32, #tpu.memory_space<vmem>>, vector<16x512xf32>,
      %get3A_106 = arith.constant 0 : index
      %get3A_107 = arith.constant 0 : index
      %get3A_108 = vector.load %arg4[%get3A_106, %get3A_107] : memref<16x512xf32, #tpu.memory_space<vmem>>, vector<16x512xf32>
      %broadcast_in_dim3A_109 = vector.shape_cast %broadcast_in_dim3A_88 : vector<16x1xf32> to vector<16x1xf32>
      %broadcast_in_dim3A_110 = vector.broadcast %broadcast_in_dim3A_109 : vector<16x1xf32> to vector<16x512xf32>
      %select_n3A_111 = arith.select %eq3A_96, %broadcast_in_dim3A_110, %get3A_108 : vector<16x512xi1>, vector<16x512xf32>
      %swap3A_112 = arith.constant 0 : index
      %swap3A_113 = arith.constant 0 : index
      %swap3A_114 = vector.load %arg4[%swap3A_112, %swap3A_113] : memref<16x512xf32, #tpu.memory_space<vmem>>, vector<16x512xf32>
      tpu.vector_store %arg4[%swap3A_112, %swap3A_113], %select_n3A_111 {strides = array<i32>} : memref<16x512xf32, #tpu.memory_space<vmem>>, vector<16x512xf32>,
      %get3A_115 = arith.constant 0 : index
      %get3A_116 = arith.constant 0 : index
      %get3A_117 = vector.load %arg5[%get3A_115, %get3A_116] : memref<16x512xf32, #tpu.memory_space<vmem>>, vector<16x512xf32>
      %broadcast_in_dim3A_118 = vector.shape_cast %broadcast_in_dim3A_94 : vector<16x1xf32> to vector<16x1xf32>
      %broadcast_in_dim3A_119 = vector.broadcast %broadcast_in_dim3A_118 : vector<16x1xf32> to vector<16x512xf32>
      %select_n3A_120 = arith.select %eq3A_96, %broadcast_in_dim3A_119, %get3A_117 : vector<16x512xi1>, vector<16x512xf32>
      %swap3A_121 = arith.constant 0 : index
      %swap3A_122 = arith.constant 0 : index
      %swap3A_123 = vector.load %arg5[%swap3A_121, %swap3A_122] : memref<16x512xf32, #tpu.memory_space<vmem>>, vector<16x512xf32>
      tpu.vector_store %arg5[%swap3A_121, %swap3A_122], %select_n3A_120 {strides = array<i32>} : memref<16x512xf32, #tpu.memory_space<vmem>>, vector<16x512xf32>,
      scf.yield %broadcast_in_dim3A_82, %broadcast_in_dim3A_88, %broadcast_in_dim3A_94 : vector<16x1xf32>, vector<16x1xf32>, vector<16x1xf32>
    }
    %scan3A_48 = arith.constant 511 : i32
    return
  }
}

module attributes {stable_mosaic.version = 14 : i64} {
  func.func @_knn_body(%arg0: i32, %arg1: i32, %arg2: memref<1x3x8192xf32, #tpu.memory_space<vmem>>, %arg3: memref<1x128x16xf32, #tpu.memory_space<vmem>>, %arg4: memref<1x128x16xf32, #tpu.memory_space<vmem>>, %arg5: memref<1x128x16xf32, #tpu.memory_space<vmem>>, %arg6: memref<1x128x32xi32, #tpu.memory_space<vmem>>, %arg7: memref<128x32x256xf32, #tpu.memory_space<vmem>>) attributes {dimension_semantics = [#tpu.dimension_semantics<arbitrary>, #tpu.dimension_semantics<arbitrary>], iteration_bounds = array<i64: 16, 4>, scalar_prefetch = 0 : i64, scratch_operands = 1 : i64, tpu.core_type = #tpu.core_type<tc>, window_params = [{transform_indices = @transform_0, window_bounds = array<i64: 1, 3, 8192>}, {transform_indices = @transform_1, window_bounds = array<i64: 1, 128, 16>}, {transform_indices = @transform_2, window_bounds = array<i64: 1, 128, 16>}, {transform_indices = @transform_3, window_bounds = array<i64: 1, 128, 16>}, {transform_indices = @transform_4, window_bounds = array<i64: 1, 128, 32>}]} {
    %get3A = arith.constant 0 : index
    %get3A_0 = arith.constant 0 : index
    %get3A_1 = arith.constant 0 : index
    %get3A_2 = vector.load %arg2[%get3A, %get3A_0, %get3A_1] : memref<1x3x8192xf32, #tpu.memory_space<vmem>>, vector<1x3x8192xf32>
    %get3A_3 = vector.shape_cast %get3A_2 : vector<1x3x8192xf32> to vector<3x8192xf32>
    %iota3A = tpu.iota {dimensions = array<i32: 1>} : vector<128x16xi32>
    %eq3A = vector.broadcast %arg0 : i32 to vector<128x16xi32>
    %eq3A_4 = arith.cmpi eq, %iota3A, %eq3A : vector<128x16xi32>
    %get3A_5 = arith.constant 0 : index
    %get3A_6 = arith.constant 0 : index
    %get3A_7 = arith.constant 0 : index
    %get3A_8 = vector.load %arg3[%get3A_5, %get3A_6, %get3A_7] : memref<1x128x16xf32, #tpu.memory_space<vmem>>, vector<1x128x16xf32>
    %get3A_9 = vector.shape_cast %get3A_8 : vector<1x128x16xf32> to vector<128x16xf32>
    %jit3A = arith.constant 0.000000e+00 : f32
    %broadcast_in_dim3A = vector.broadcast %jit3A : f32 to vector<128x16xf32>
    %select_n3A = arith.select %eq3A_4, %get3A_9, %broadcast_in_dim3A : vector<128x16xi1>, vector<128x16xf32>
    %reduce_sum3A = arith.constant dense<0.000000e+00> : vector<128xf32>
    %reduce_sum3A_10 = vector.multi_reduction <add>, %select_n3A, %reduce_sum3A [1] : vector<128x16xf32> to vector<128xf32>
    %broadcast_in_dim3A_11 = vector.shape_cast %reduce_sum3A_10 : vector<128xf32> to vector<128x1xf32>
    %get3A_12 = arith.constant 0 : index
    %get3A_13 = arith.constant 0 : index
    %get3A_14 = arith.constant 0 : index
    %get3A_15 = vector.load %arg4[%get3A_12, %get3A_13, %get3A_14] : memref<1x128x16xf32, #tpu.memory_space<vmem>>, vector<1x128x16xf32>
    %get3A_16 = vector.shape_cast %get3A_15 : vector<1x128x16xf32> to vector<128x16xf32>
    %jit3A_17 = arith.constant 0.000000e+00 : f32
    %broadcast_in_dim3A_18 = vector.broadcast %jit3A_17 : f32 to vector<128x16xf32>
    %select_n3A_19 = arith.select %eq3A_4, %get3A_16, %broadcast_in_dim3A_18 : vector<128x16xi1>, vector<128x16xf32>
    %reduce_sum3A_20 = arith.constant dense<0.000000e+00> : vector<128xf32>
    %reduce_sum3A_21 = vector.multi_reduction <add>, %select_n3A_19, %reduce_sum3A_20 [1] : vector<128x16xf32> to vector<128xf32>
    %broadcast_in_dim3A_22 = vector.shape_cast %reduce_sum3A_21 : vector<128xf32> to vector<128x1xf32>
    %get3A_23 = arith.constant 0 : index
    %get3A_24 = arith.constant 0 : index
    %get3A_25 = arith.constant 0 : index
    %get3A_26 = vector.load %arg5[%get3A_23, %get3A_24, %get3A_25] : memref<1x128x16xf32, #tpu.memory_space<vmem>>, vector<1x128x16xf32>
    %get3A_27 = vector.shape_cast %get3A_26 : vector<1x128x16xf32> to vector<128x16xf32>
    %jit3A_28 = arith.constant 0.000000e+00 : f32
    %broadcast_in_dim3A_29 = vector.broadcast %jit3A_28 : f32 to vector<128x16xf32>
    %select_n3A_30 = arith.select %eq3A_4, %get3A_27, %broadcast_in_dim3A_29 : vector<128x16xi1>, vector<128x16xf32>
    %reduce_sum3A_31 = arith.constant dense<0.000000e+00> : vector<128xf32>
    %reduce_sum3A_32 = vector.multi_reduction <add>, %select_n3A_30, %reduce_sum3A_31 [1] : vector<128x16xf32> to vector<128xf32>
    %broadcast_in_dim3A_33 = vector.shape_cast %reduce_sum3A_32 : vector<128xf32> to vector<128x1xf32>
    %mul3A = arith.mulf %broadcast_in_dim3A_11, %broadcast_in_dim3A_11 : vector<128x1xf32>
    %mul3A_34 = arith.mulf %broadcast_in_dim3A_22, %broadcast_in_dim3A_22 : vector<128x1xf32>
    %add3A = arith.addf %mul3A, %mul3A_34 : vector<128x1xf32>
    %mul3A_35 = arith.mulf %broadcast_in_dim3A_33, %broadcast_in_dim3A_33 : vector<128x1xf32>
    %add3A_36 = arith.addf %add3A, %mul3A_35 : vector<128x1xf32>
    %concatenate3A = tpu.concatenate %broadcast_in_dim3A_11, %broadcast_in_dim3A_22, %broadcast_in_dim3A_33 in 1 : vector<128x1xf32>, vector<128x1xf32>, vector<128x1xf32> -> vector<128x3xf32>
    %dot_general3A = arith.constant dense<0.000000e+00> : vector<128x8192xf32>
    %dot_general3A_37 = tpu.matmul %concatenate3A, %get3A_3, %dot_general3A {dimension_numbers = #tpu.dot_dimension_numbers<[1], [0], [0], [1], [0, 0, 1, 1], [], []>, transpose_lhs_hint = false} : vector<128x3xf32>, vector<3x8192xf32>, vector<128x8192xf32> -> vector<128x8192xf32>
    %slice3A = vector.extract_strided_slice %get3A_3 {offsets = [0, 0], sizes = [1, 8192], strides = [1, 1]} : vector<3x8192xf32> to vector<1x8192xf32>
    %slice3A_38 = vector.extract_strided_slice %get3A_3 {offsets = [1, 0], sizes = [1, 8192], strides = [1, 1]} : vector<3x8192xf32> to vector<1x8192xf32>
    %slice3A_39 = vector.extract_strided_slice %get3A_3 {offsets = [2, 0], sizes = [1, 8192], strides = [1, 1]} : vector<3x8192xf32> to vector<1x8192xf32>
    %mul3A_40 = arith.mulf %slice3A, %slice3A : vector<1x8192xf32>
    %mul3A_41 = arith.mulf %slice3A_38, %slice3A_38 : vector<1x8192xf32>
    %add3A_42 = arith.addf %mul3A_40, %mul3A_41 : vector<1x8192xf32>
    %mul3A_43 = arith.mulf %slice3A_39, %slice3A_39 : vector<1x8192xf32>
    %add3A_44 = arith.addf %add3A_42, %mul3A_43 : vector<1x8192xf32>
    %slice3A_45 = vector.extract_strided_slice %dot_general3A_37 {offsets = [0, 0], sizes = [128, 256], strides = [1, 1]} : vector<128x8192xf32> to vector<128x256xf32>
    %mul3A_46 = arith.constant 2.000000e+00 : f32
    %mul3A_47 = vector.broadcast %mul3A_46 : f32 to vector<128x256xf32>
    %mul3A_48 = arith.mulf %mul3A_47, %slice3A_45 : vector<128x256xf32>
    %sub3A = vector.broadcast %add3A_36 : vector<128x1xf32> to vector<128x256xf32>
    %sub3A_49 = arith.subf %sub3A, %mul3A_48 : vector<128x256xf32>
    %slice3A_50 = vector.extract_strided_slice %add3A_44 {offsets = [0, 0], sizes = [1, 256], strides = [1, 1]} : vector<1x8192xf32> to vector<1x256xf32>
    %add3A_51 = vector.broadcast %slice3A_50 : vector<1x256xf32> to vector<128x256xf32>
    %add3A_52 = arith.addf %sub3A_49, %add3A_51 : vector<128x256xf32>
    %swap3A = arith.constant 0 : index
    %swap3A_53 = arith.constant 0 : index
    %swap3A_54 = arith.constant 0 : index
    %swap3A_55 = vector.load %arg7[%swap3A, %swap3A_53, %swap3A_54] : memref<128x32x256xf32, #tpu.memory_space<vmem>>, vector<128x1x256xf32>
    %swap3A_56 = vector.shape_cast %swap3A_55 : vector<128x1x256xf32> to vector<128x256xf32>
    %swap3A_57 = vector.shape_cast %add3A_52 : vector<128x256xf32> to vector<128x1x256xf32>
    tpu.vector_store %arg7[%swap3A, %swap3A_53, %swap3A_54], %swap3A_57 {strides = array<i32>} : memref<128x32x256xf32, #tpu.memory_space<vmem>>, vector<128x1x256xf32>,
    %slice3A_58 = vector.extract_strided_slice %dot_general3A_37 {offsets = [0, 256], sizes = [128, 256], strides = [1, 1]} : vector<128x8192xf32> to vector<128x256xf32>
    %mul3A_59 = arith.constant 2.000000e+00 : f32
    %mul3A_60 = vector.broadcast %mul3A_59 : f32 to vector<128x256xf32>
    %mul3A_61 = arith.mulf %mul3A_60, %slice3A_58 : vector<128x256xf32>
    %sub3A_62 = vector.broadcast %add3A_36 : vector<128x1xf32> to vector<128x256xf32>
    %sub3A_63 = arith.subf %sub3A_62, %mul3A_61 : vector<128x256xf32>
    %slice3A_64 = vector.extract_strided_slice %add3A_44 {offsets = [0, 256], sizes = [1, 256], strides = [1, 1]} : vector<1x8192xf32> to vector<1x256xf32>
    %add3A_65 = vector.broadcast %slice3A_64 : vector<1x256xf32> to vector<128x256xf32>
    %add3A_66 = arith.addf %sub3A_63, %add3A_65 : vector<128x256xf32>
    %swap3A_67 = arith.constant 0 : index
    %swap3A_68 = arith.constant 1 : index
    %swap3A_69 = arith.constant 0 : index
    %swap3A_70 = vector.load %arg7[%swap3A_67, %swap3A_68, %swap3A_69] : memref<128x32x256xf32, #tpu.memory_space<vmem>>, vector<128x1x256xf32>
    %swap3A_71 = vector.shape_cast %swap3A_70 : vector<128x1x256xf32> to vector<128x256xf32>
    %swap3A_72 = vector.shape_cast %add3A_66 : vector<128x256xf32> to vector<128x1x256xf32>
    tpu.vector_store %arg7[%swap3A_67, %swap3A_68, %swap3A_69], %swap3A_72 {strides = array<i32>} : memref<128x32x256xf32, #tpu.memory_space<vmem>>, vector<128x1x256xf32>,
    %slice3A_73 = vector.extract_strided_slice %dot_general3A_37 {offsets = [0, 512], sizes = [128, 256], strides = [1, 1]} : vector<128x8192xf32> to vector<128x256xf32>
    %mul3A_74 = arith.constant 2.000000e+00 : f32
    %mul3A_75 = vector.broadcast %mul3A_74 : f32 to vector<128x256xf32>
    %mul3A_76 = arith.mulf %mul3A_75, %slice3A_73 : vector<128x256xf32>
    %sub3A_77 = vector.broadcast %add3A_36 : vector<128x1xf32> to vector<128x256xf32>
    %sub3A_78 = arith.subf %sub3A_77, %mul3A_76 : vector<128x256xf32>
    %slice3A_79 = vector.extract_strided_slice %add3A_44 {offsets = [0, 512], sizes = [1, 256], strides = [1, 1]} : vector<1x8192xf32> to vector<1x256xf32>
    %add3A_80 = vector.broadcast %slice3A_79 : vector<1x256xf32> to vector<128x256xf32>
    %add3A_81 = arith.addf %sub3A_78, %add3A_80 : vector<128x256xf32>
    %swap3A_82 = arith.constant 0 : index
    %swap3A_83 = arith.constant 2 : index
    %swap3A_84 = arith.constant 0 : index
    %swap3A_85 = vector.load %arg7[%swap3A_82, %swap3A_83, %swap3A_84] : memref<128x32x256xf32, #tpu.memory_space<vmem>>, vector<128x1x256xf32>
    %swap3A_86 = vector.shape_cast %swap3A_85 : vector<128x1x256xf32> to vector<128x256xf32>
    %swap3A_87 = vector.shape_cast %add3A_81 : vector<128x256xf32> to vector<128x1x256xf32>
    tpu.vector_store %arg7[%swap3A_82, %swap3A_83, %swap3A_84], %swap3A_87 {strides = array<i32>} : memref<128x32x256xf32, #tpu.memory_space<vmem>>, vector<128x1x256xf32>,
    %slice3A_88 = vector.extract_strided_slice %dot_general3A_37 {offsets = [0, 768], sizes = [128, 256], strides = [1, 1]} : vector<128x8192xf32> to vector<128x256xf32>
    %mul3A_89 = arith.constant 2.000000e+00 : f32
    %mul3A_90 = vector.broadcast %mul3A_89 : f32 to vector<128x256xf32>
    %mul3A_91 = arith.mulf %mul3A_90, %slice3A_88 : vector<128x256xf32>
    %sub3A_92 = vector.broadcast %add3A_36 : vector<128x1xf32> to vector<128x256xf32>
    %sub3A_93 = arith.subf %sub3A_92, %mul3A_91 : vector<128x256xf32>
    %slice3A_94 = vector.extract_strided_slice %add3A_44 {offsets = [0, 768], sizes = [1, 256], strides = [1, 1]} : vector<1x8192xf32> to vector<1x256xf32>
    %add3A_95 = vector.broadcast %slice3A_94 : vector<1x256xf32> to vector<128x256xf32>
    %add3A_96 = arith.addf %sub3A_93, %add3A_95 : vector<128x256xf32>
    %swap3A_97 = arith.constant 0 : index
    %swap3A_98 = arith.constant 3 : index
    %swap3A_99 = arith.constant 0 : index
    %swap3A_100 = vector.load %arg7[%swap3A_97, %swap3A_98, %swap3A_99] : memref<128x32x256xf32, #tpu.memory_space<vmem>>, vector<128x1x256xf32>
    %swap3A_101 = vector.shape_cast %swap3A_100 : vector<128x1x256xf32> to vector<128x256xf32>
    %swap3A_102 = vector.shape_cast %add3A_96 : vector<128x256xf32> to vector<128x1x256xf32>
    tpu.vector_store %arg7[%swap3A_97, %swap3A_98, %swap3A_99], %swap3A_102 {strides = array<i32>} : memref<128x32x256xf32, #tpu.memory_space<vmem>>, vector<128x1x256xf32>,
    %slice3A_103 = vector.extract_strided_slice %dot_general3A_37 {offsets = [0, 1024], sizes = [128, 256], strides = [1, 1]} : vector<128x8192xf32> to vector<128x256xf32>
    %mul3A_104 = arith.constant 2.000000e+00 : f32
    %mul3A_105 = vector.broadcast %mul3A_104 : f32 to vector<128x256xf32>
    %mul3A_106 = arith.mulf %mul3A_105, %slice3A_103 : vector<128x256xf32>
    %sub3A_107 = vector.broadcast %add3A_36 : vector<128x1xf32> to vector<128x256xf32>
    %sub3A_108 = arith.subf %sub3A_107, %mul3A_106 : vector<128x256xf32>
    %slice3A_109 = vector.extract_strided_slice %add3A_44 {offsets = [0, 1024], sizes = [1, 256], strides = [1, 1]} : vector<1x8192xf32> to vector<1x256xf32>
    %add3A_110 = vector.broadcast %slice3A_109 : vector<1x256xf32> to vector<128x256xf32>
    %add3A_111 = arith.addf %sub3A_108, %add3A_110 : vector<128x256xf32>
    %swap3A_112 = arith.constant 0 : index
    %swap3A_113 = arith.constant 4 : index
    %swap3A_114 = arith.constant 0 : index
    %swap3A_115 = vector.load %arg7[%swap3A_112, %swap3A_113, %swap3A_114] : memref<128x32x256xf32, #tpu.memory_space<vmem>>, vector<128x1x256xf32>
    %swap3A_116 = vector.shape_cast %swap3A_115 : vector<128x1x256xf32> to vector<128x256xf32>
    %swap3A_117 = vector.shape_cast %add3A_111 : vector<128x256xf32> to vector<128x1x256xf32>
    tpu.vector_store %arg7[%swap3A_112, %swap3A_113, %swap3A_114], %swap3A_117 {strides = array<i32>} : memref<128x32x256xf32, #tpu.memory_space<vmem>>, vector<128x1x256xf32>,
    %slice3A_118 = vector.extract_strided_slice %dot_general3A_37 {offsets = [0, 1280], sizes = [128, 256], strides = [1, 1]} : vector<128x8192xf32> to vector<128x256xf32>
    %mul3A_119 = arith.constant 2.000000e+00 : f32
    %mul3A_120 = vector.broadcast %mul3A_119 : f32 to vector<128x256xf32>
    %mul3A_121 = arith.mulf %mul3A_120, %slice3A_118 : vector<128x256xf32>
    %sub3A_122 = vector.broadcast %add3A_36 : vector<128x1xf32> to vector<128x256xf32>
    %sub3A_123 = arith.subf %sub3A_122, %mul3A_121 : vector<128x256xf32>
    %slice3A_124 = vector.extract_strided_slice %add3A_44 {offsets = [0, 1280], sizes = [1, 256], strides = [1, 1]} : vector<1x8192xf32> to vector<1x256xf32>
    %add3A_125 = vector.broadcast %slice3A_124 : vector<1x256xf32> to vector<128x256xf32>
    %add3A_126 = arith.addf %sub3A_123, %add3A_125 : vector<128x256xf32>
    %swap3A_127 = arith.constant 0 : index
    %swap3A_128 = arith.constant 5 : index
    %swap3A_129 = arith.constant 0 : index
    %swap3A_130 = vector.load %arg7[%swap3A_127, %swap3A_128, %swap3A_129] : memref<128x32x256xf32, #tpu.memory_space<vmem>>, vector<128x1x256xf32>
    %swap3A_131 = vector.shape_cast %swap3A_130 : vector<128x1x256xf32> to vector<128x256xf32>
    %swap3A_132 = vector.shape_cast %add3A_126 : vector<128x256xf32> to vector<128x1x256xf32>
    tpu.vector_store %arg7[%swap3A_127, %swap3A_128, %swap3A_129], %swap3A_132 {strides = array<i32>} : memref<128x32x256xf32, #tpu.memory_space<vmem>>, vector<128x1x256xf32>,
    %slice3A_133 = vector.extract_strided_slice %dot_general3A_37 {offsets = [0, 1536], sizes = [128, 256], strides = [1, 1]} : vector<128x8192xf32> to vector<128x256xf32>
    %mul3A_134 = arith.constant 2.000000e+00 : f32
    %mul3A_135 = vector.broadcast %mul3A_134 : f32 to vector<128x256xf32>
    %mul3A_136 = arith.mulf %mul3A_135, %slice3A_133 : vector<128x256xf32>
    %sub3A_137 = vector.broadcast %add3A_36 : vector<128x1xf32> to vector<128x256xf32>
    %sub3A_138 = arith.subf %sub3A_137, %mul3A_136 : vector<128x256xf32>
    %slice3A_139 = vector.extract_strided_slice %add3A_44 {offsets = [0, 1536], sizes = [1, 256], strides = [1, 1]} : vector<1x8192xf32> to vector<1x256xf32>
    %add3A_140 = vector.broadcast %slice3A_139 : vector<1x256xf32> to vector<128x256xf32>
    %add3A_141 = arith.addf %sub3A_138, %add3A_140 : vector<128x256xf32>
    %swap3A_142 = arith.constant 0 : index
    %swap3A_143 = arith.constant 6 : index
    %swap3A_144 = arith.constant 0 : index
    %swap3A_145 = vector.load %arg7[%swap3A_142, %swap3A_143, %swap3A_144] : memref<128x32x256xf32, #tpu.memory_space<vmem>>, vector<128x1x256xf32>
    %swap3A_146 = vector.shape_cast %swap3A_145 : vector<128x1x256xf32> to vector<128x256xf32>
    %swap3A_147 = vector.shape_cast %add3A_141 : vector<128x256xf32> to vector<128x1x256xf32>
    tpu.vector_store %arg7[%swap3A_142, %swap3A_143, %swap3A_144], %swap3A_147 {strides = array<i32>} : memref<128x32x256xf32, #tpu.memory_space<vmem>>, vector<128x1x256xf32>,
    %slice3A_148 = vector.extract_strided_slice %dot_general3A_37 {offsets = [0, 1792], sizes = [128, 256], strides = [1, 1]} : vector<128x8192xf32> to vector<128x256xf32>
    %mul3A_149 = arith.constant 2.000000e+00 : f32
    %mul3A_150 = vector.broadcast %mul3A_149 : f32 to vector<128x256xf32>
    %mul3A_151 = arith.mulf %mul3A_150, %slice3A_148 : vector<128x256xf32>
    %sub3A_152 = vector.broadcast %add3A_36 : vector<128x1xf32> to vector<128x256xf32>
    %sub3A_153 = arith.subf %sub3A_152, %mul3A_151 : vector<128x256xf32>
    %slice3A_154 = vector.extract_strided_slice %add3A_44 {offsets = [0, 1792], sizes = [1, 256], strides = [1, 1]} : vector<1x8192xf32> to vector<1x256xf32>
    %add3A_155 = vector.broadcast %slice3A_154 : vector<1x256xf32> to vector<128x256xf32>
    %add3A_156 = arith.addf %sub3A_153, %add3A_155 : vector<128x256xf32>
    %swap3A_157 = arith.constant 0 : index
    %swap3A_158 = arith.constant 7 : index
    %swap3A_159 = arith.constant 0 : index
    %swap3A_160 = vector.load %arg7[%swap3A_157, %swap3A_158, %swap3A_159] : memref<128x32x256xf32, #tpu.memory_space<vmem>>, vector<128x1x256xf32>
    %swap3A_161 = vector.shape_cast %swap3A_160 : vector<128x1x256xf32> to vector<128x256xf32>
    %swap3A_162 = vector.shape_cast %add3A_156 : vector<128x256xf32> to vector<128x1x256xf32>
    tpu.vector_store %arg7[%swap3A_157, %swap3A_158, %swap3A_159], %swap3A_162 {strides = array<i32>} : memref<128x32x256xf32, #tpu.memory_space<vmem>>, vector<128x1x256xf32>,
    %slice3A_163 = vector.extract_strided_slice %dot_general3A_37 {offsets = [0, 2048], sizes = [128, 256], strides = [1, 1]} : vector<128x8192xf32> to vector<128x256xf32>
    %mul3A_164 = arith.constant 2.000000e+00 : f32
    %mul3A_165 = vector.broadcast %mul3A_164 : f32 to vector<128x256xf32>
    %mul3A_166 = arith.mulf %mul3A_165, %slice3A_163 : vector<128x256xf32>
    %sub3A_167 = vector.broadcast %add3A_36 : vector<128x1xf32> to vector<128x256xf32>
    %sub3A_168 = arith.subf %sub3A_167, %mul3A_166 : vector<128x256xf32>
    %slice3A_169 = vector.extract_strided_slice %add3A_44 {offsets = [0, 2048], sizes = [1, 256], strides = [1, 1]} : vector<1x8192xf32> to vector<1x256xf32>
    %add3A_170 = vector.broadcast %slice3A_169 : vector<1x256xf32> to vector<128x256xf32>
    %add3A_171 = arith.addf %sub3A_168, %add3A_170 : vector<128x256xf32>
    %swap3A_172 = arith.constant 0 : index
    %swap3A_173 = arith.constant 8 : index
    %swap3A_174 = arith.constant 0 : index
    %swap3A_175 = vector.load %arg7[%swap3A_172, %swap3A_173, %swap3A_174] : memref<128x32x256xf32, #tpu.memory_space<vmem>>, vector<128x1x256xf32>
    %swap3A_176 = vector.shape_cast %swap3A_175 : vector<128x1x256xf32> to vector<128x256xf32>
    %swap3A_177 = vector.shape_cast %add3A_171 : vector<128x256xf32> to vector<128x1x256xf32>
    tpu.vector_store %arg7[%swap3A_172, %swap3A_173, %swap3A_174], %swap3A_177 {strides = array<i32>} : memref<128x32x256xf32, #tpu.memory_space<vmem>>, vector<128x1x256xf32>,
    %slice3A_178 = vector.extract_strided_slice %dot_general3A_37 {offsets = [0, 2304], sizes = [128, 256], strides = [1, 1]} : vector<128x8192xf32> to vector<128x256xf32>
    %mul3A_179 = arith.constant 2.000000e+00 : f32
    %mul3A_180 = vector.broadcast %mul3A_179 : f32 to vector<128x256xf32>
    %mul3A_181 = arith.mulf %mul3A_180, %slice3A_178 : vector<128x256xf32>
    %sub3A_182 = vector.broadcast %add3A_36 : vector<128x1xf32> to vector<128x256xf32>
    %sub3A_183 = arith.subf %sub3A_182, %mul3A_181 : vector<128x256xf32>
    %slice3A_184 = vector.extract_strided_slice %add3A_44 {offsets = [0, 2304], sizes = [1, 256], strides = [1, 1]} : vector<1x8192xf32> to vector<1x256xf32>
    %add3A_185 = vector.broadcast %slice3A_184 : vector<1x256xf32> to vector<128x256xf32>
    %add3A_186 = arith.addf %sub3A_183, %add3A_185 : vector<128x256xf32>
    %swap3A_187 = arith.constant 0 : index
    %swap3A_188 = arith.constant 9 : index
    %swap3A_189 = arith.constant 0 : index
    %swap3A_190 = vector.load %arg7[%swap3A_187, %swap3A_188, %swap3A_189] : memref<128x32x256xf32, #tpu.memory_space<vmem>>, vector<128x1x256xf32>
    %swap3A_191 = vector.shape_cast %swap3A_190 : vector<128x1x256xf32> to vector<128x256xf32>
    %swap3A_192 = vector.shape_cast %add3A_186 : vector<128x256xf32> to vector<128x1x256xf32>
    tpu.vector_store %arg7[%swap3A_187, %swap3A_188, %swap3A_189], %swap3A_192 {strides = array<i32>} : memref<128x32x256xf32, #tpu.memory_space<vmem>>, vector<128x1x256xf32>,
    %slice3A_193 = vector.extract_strided_slice %dot_general3A_37 {offsets = [0, 2560], sizes = [128, 256], strides = [1, 1]} : vector<128x8192xf32> to vector<128x256xf32>
    %mul3A_194 = arith.constant 2.000000e+00 : f32
    %mul3A_195 = vector.broadcast %mul3A_194 : f32 to vector<128x256xf32>
    %mul3A_196 = arith.mulf %mul3A_195, %slice3A_193 : vector<128x256xf32>
    %sub3A_197 = vector.broadcast %add3A_36 : vector<128x1xf32> to vector<128x256xf32>
    %sub3A_198 = arith.subf %sub3A_197, %mul3A_196 : vector<128x256xf32>
    %slice3A_199 = vector.extract_strided_slice %add3A_44 {offsets = [0, 2560], sizes = [1, 256], strides = [1, 1]} : vector<1x8192xf32> to vector<1x256xf32>
    %add3A_200 = vector.broadcast %slice3A_199 : vector<1x256xf32> to vector<128x256xf32>
    %add3A_201 = arith.addf %sub3A_198, %add3A_200 : vector<128x256xf32>
    %swap3A_202 = arith.constant 0 : index
    %swap3A_203 = arith.constant 10 : index
    %swap3A_204 = arith.constant 0 : index
    %swap3A_205 = vector.load %arg7[%swap3A_202, %swap3A_203, %swap3A_204] : memref<128x32x256xf32, #tpu.memory_space<vmem>>, vector<128x1x256xf32>
    %swap3A_206 = vector.shape_cast %swap3A_205 : vector<128x1x256xf32> to vector<128x256xf32>
    %swap3A_207 = vector.shape_cast %add3A_201 : vector<128x256xf32> to vector<128x1x256xf32>
    tpu.vector_store %arg7[%swap3A_202, %swap3A_203, %swap3A_204], %swap3A_207 {strides = array<i32>} : memref<128x32x256xf32, #tpu.memory_space<vmem>>, vector<128x1x256xf32>,
    %slice3A_208 = vector.extract_strided_slice %dot_general3A_37 {offsets = [0, 2816], sizes = [128, 256], strides = [1, 1]} : vector<128x8192xf32> to vector<128x256xf32>
    %mul3A_209 = arith.constant 2.000000e+00 : f32
    %mul3A_210 = vector.broadcast %mul3A_209 : f32 to vector<128x256xf32>
    %mul3A_211 = arith.mulf %mul3A_210, %slice3A_208 : vector<128x256xf32>
    %sub3A_212 = vector.broadcast %add3A_36 : vector<128x1xf32> to vector<128x256xf32>
    %sub3A_213 = arith.subf %sub3A_212, %mul3A_211 : vector<128x256xf32>
    %slice3A_214 = vector.extract_strided_slice %add3A_44 {offsets = [0, 2816], sizes = [1, 256], strides = [1, 1]} : vector<1x8192xf32> to vector<1x256xf32>
    %add3A_215 = vector.broadcast %slice3A_214 : vector<1x256xf32> to vector<128x256xf32>
    %add3A_216 = arith.addf %sub3A_213, %add3A_215 : vector<128x256xf32>
    %swap3A_217 = arith.constant 0 : index
    %swap3A_218 = arith.constant 11 : index
    %swap3A_219 = arith.constant 0 : index
    %swap3A_220 = vector.load %arg7[%swap3A_217, %swap3A_218, %swap3A_219] : memref<128x32x256xf32, #tpu.memory_space<vmem>>, vector<128x1x256xf32>
    %swap3A_221 = vector.shape_cast %swap3A_220 : vector<128x1x256xf32> to vector<128x256xf32>
    %swap3A_222 = vector.shape_cast %add3A_216 : vector<128x256xf32> to vector<128x1x256xf32>
    tpu.vector_store %arg7[%swap3A_217, %swap3A_218, %swap3A_219], %swap3A_222 {strides = array<i32>} : memref<128x32x256xf32, #tpu.memory_space<vmem>>, vector<128x1x256xf32>,
    %slice3A_223 = vector.extract_strided_slice %dot_general3A_37 {offsets = [0, 3072], sizes = [128, 256], strides = [1, 1]} : vector<128x8192xf32> to vector<128x256xf32>
    %mul3A_224 = arith.constant 2.000000e+00 : f32
    %mul3A_225 = vector.broadcast %mul3A_224 : f32 to vector<128x256xf32>
    %mul3A_226 = arith.mulf %mul3A_225, %slice3A_223 : vector<128x256xf32>
    %sub3A_227 = vector.broadcast %add3A_36 : vector<128x1xf32> to vector<128x256xf32>
    %sub3A_228 = arith.subf %sub3A_227, %mul3A_226 : vector<128x256xf32>
    %slice3A_229 = vector.extract_strided_slice %add3A_44 {offsets = [0, 3072], sizes = [1, 256], strides = [1, 1]} : vector<1x8192xf32> to vector<1x256xf32>
    %add3A_230 = vector.broadcast %slice3A_229 : vector<1x256xf32> to vector<128x256xf32>
    %add3A_231 = arith.addf %sub3A_228, %add3A_230 : vector<128x256xf32>
    %swap3A_232 = arith.constant 0 : index
    %swap3A_233 = arith.constant 12 : index
    %swap3A_234 = arith.constant 0 : index
    %swap3A_235 = vector.load %arg7[%swap3A_232, %swap3A_233, %swap3A_234] : memref<128x32x256xf32, #tpu.memory_space<vmem>>, vector<128x1x256xf32>
    %swap3A_236 = vector.shape_cast %swap3A_235 : vector<128x1x256xf32> to vector<128x256xf32>
    %swap3A_237 = vector.shape_cast %add3A_231 : vector<128x256xf32> to vector<128x1x256xf32>
    tpu.vector_store %arg7[%swap3A_232, %swap3A_233, %swap3A_234], %swap3A_237 {strides = array<i32>} : memref<128x32x256xf32, #tpu.memory_space<vmem>>, vector<128x1x256xf32>,
    %slice3A_238 = vector.extract_strided_slice %dot_general3A_37 {offsets = [0, 3328], sizes = [128, 256], strides = [1, 1]} : vector<128x8192xf32> to vector<128x256xf32>
    %mul3A_239 = arith.constant 2.000000e+00 : f32
    %mul3A_240 = vector.broadcast %mul3A_239 : f32 to vector<128x256xf32>
    %mul3A_241 = arith.mulf %mul3A_240, %slice3A_238 : vector<128x256xf32>
    %sub3A_242 = vector.broadcast %add3A_36 : vector<128x1xf32> to vector<128x256xf32>
    %sub3A_243 = arith.subf %sub3A_242, %mul3A_241 : vector<128x256xf32>
    %slice3A_244 = vector.extract_strided_slice %add3A_44 {offsets = [0, 3328], sizes = [1, 256], strides = [1, 1]} : vector<1x8192xf32> to vector<1x256xf32>
    %add3A_245 = vector.broadcast %slice3A_244 : vector<1x256xf32> to vector<128x256xf32>
    %add3A_246 = arith.addf %sub3A_243, %add3A_245 : vector<128x256xf32>
    %swap3A_247 = arith.constant 0 : index
    %swap3A_248 = arith.constant 13 : index
    %swap3A_249 = arith.constant 0 : index
    %swap3A_250 = vector.load %arg7[%swap3A_247, %swap3A_248, %swap3A_249] : memref<128x32x256xf32, #tpu.memory_space<vmem>>, vector<128x1x256xf32>
    %swap3A_251 = vector.shape_cast %swap3A_250 : vector<128x1x256xf32> to vector<128x256xf32>
    %swap3A_252 = vector.shape_cast %add3A_246 : vector<128x256xf32> to vector<128x1x256xf32>
    tpu.vector_store %arg7[%swap3A_247, %swap3A_248, %swap3A_249], %swap3A_252 {strides = array<i32>} : memref<128x32x256xf32, #tpu.memory_space<vmem>>, vector<128x1x256xf32>,
    %slice3A_253 = vector.extract_strided_slice %dot_general3A_37 {offsets = [0, 3584], sizes = [128, 256], strides = [1, 1]} : vector<128x8192xf32> to vector<128x256xf32>
    %mul3A_254 = arith.constant 2.000000e+00 : f32
    %mul3A_255 = vector.broadcast %mul3A_254 : f32 to vector<128x256xf32>
    %mul3A_256 = arith.mulf %mul3A_255, %slice3A_253 : vector<128x256xf32>
    %sub3A_257 = vector.broadcast %add3A_36 : vector<128x1xf32> to vector<128x256xf32>
    %sub3A_258 = arith.subf %sub3A_257, %mul3A_256 : vector<128x256xf32>
    %slice3A_259 = vector.extract_strided_slice %add3A_44 {offsets = [0, 3584], sizes = [1, 256], strides = [1, 1]} : vector<1x8192xf32> to vector<1x256xf32>
    %add3A_260 = vector.broadcast %slice3A_259 : vector<1x256xf32> to vector<128x256xf32>
    %add3A_261 = arith.addf %sub3A_258, %add3A_260 : vector<128x256xf32>
    %swap3A_262 = arith.constant 0 : index
    %swap3A_263 = arith.constant 14 : index
    %swap3A_264 = arith.constant 0 : index
    %swap3A_265 = vector.load %arg7[%swap3A_262, %swap3A_263, %swap3A_264] : memref<128x32x256xf32, #tpu.memory_space<vmem>>, vector<128x1x256xf32>
    %swap3A_266 = vector.shape_cast %swap3A_265 : vector<128x1x256xf32> to vector<128x256xf32>
    %swap3A_267 = vector.shape_cast %add3A_261 : vector<128x256xf32> to vector<128x1x256xf32>
    tpu.vector_store %arg7[%swap3A_262, %swap3A_263, %swap3A_264], %swap3A_267 {strides = array<i32>} : memref<128x32x256xf32, #tpu.memory_space<vmem>>, vector<128x1x256xf32>,
    %slice3A_268 = vector.extract_strided_slice %dot_general3A_37 {offsets = [0, 3840], sizes = [128, 256], strides = [1, 1]} : vector<128x8192xf32> to vector<128x256xf32>
    %mul3A_269 = arith.constant 2.000000e+00 : f32
    %mul3A_270 = vector.broadcast %mul3A_269 : f32 to vector<128x256xf32>
    %mul3A_271 = arith.mulf %mul3A_270, %slice3A_268 : vector<128x256xf32>
    %sub3A_272 = vector.broadcast %add3A_36 : vector<128x1xf32> to vector<128x256xf32>
    %sub3A_273 = arith.subf %sub3A_272, %mul3A_271 : vector<128x256xf32>
    %slice3A_274 = vector.extract_strided_slice %add3A_44 {offsets = [0, 3840], sizes = [1, 256], strides = [1, 1]} : vector<1x8192xf32> to vector<1x256xf32>
    %add3A_275 = vector.broadcast %slice3A_274 : vector<1x256xf32> to vector<128x256xf32>
    %add3A_276 = arith.addf %sub3A_273, %add3A_275 : vector<128x256xf32>
    %swap3A_277 = arith.constant 0 : index
    %swap3A_278 = arith.constant 15 : index
    %swap3A_279 = arith.constant 0 : index
    %swap3A_280 = vector.load %arg7[%swap3A_277, %swap3A_278, %swap3A_279] : memref<128x32x256xf32, #tpu.memory_space<vmem>>, vector<128x1x256xf32>
    %swap3A_281 = vector.shape_cast %swap3A_280 : vector<128x1x256xf32> to vector<128x256xf32>
    %swap3A_282 = vector.shape_cast %add3A_276 : vector<128x256xf32> to vector<128x1x256xf32>
    tpu.vector_store %arg7[%swap3A_277, %swap3A_278, %swap3A_279], %swap3A_282 {strides = array<i32>} : memref<128x32x256xf32, #tpu.memory_space<vmem>>, vector<128x1x256xf32>,
    %slice3A_283 = vector.extract_strided_slice %dot_general3A_37 {offsets = [0, 4096], sizes = [128, 256], strides = [1, 1]} : vector<128x8192xf32> to vector<128x256xf32>
    %mul3A_284 = arith.constant 2.000000e+00 : f32
    %mul3A_285 = vector.broadcast %mul3A_284 : f32 to vector<128x256xf32>
    %mul3A_286 = arith.mulf %mul3A_285, %slice3A_283 : vector<128x256xf32>
    %sub3A_287 = vector.broadcast %add3A_36 : vector<128x1xf32> to vector<128x256xf32>
    %sub3A_288 = arith.subf %sub3A_287, %mul3A_286 : vector<128x256xf32>
    %slice3A_289 = vector.extract_strided_slice %add3A_44 {offsets = [0, 4096], sizes = [1, 256], strides = [1, 1]} : vector<1x8192xf32> to vector<1x256xf32>
    %add3A_290 = vector.broadcast %slice3A_289 : vector<1x256xf32> to vector<128x256xf32>
    %add3A_291 = arith.addf %sub3A_288, %add3A_290 : vector<128x256xf32>
    %swap3A_292 = arith.constant 0 : index
    %swap3A_293 = arith.constant 16 : index
    %swap3A_294 = arith.constant 0 : index
    %swap3A_295 = vector.load %arg7[%swap3A_292, %swap3A_293, %swap3A_294] : memref<128x32x256xf32, #tpu.memory_space<vmem>>, vector<128x1x256xf32>
    %swap3A_296 = vector.shape_cast %swap3A_295 : vector<128x1x256xf32> to vector<128x256xf32>
    %swap3A_297 = vector.shape_cast %add3A_291 : vector<128x256xf32> to vector<128x1x256xf32>
    tpu.vector_store %arg7[%swap3A_292, %swap3A_293, %swap3A_294], %swap3A_297 {strides = array<i32>} : memref<128x32x256xf32, #tpu.memory_space<vmem>>, vector<128x1x256xf32>,
    %slice3A_298 = vector.extract_strided_slice %dot_general3A_37 {offsets = [0, 4352], sizes = [128, 256], strides = [1, 1]} : vector<128x8192xf32> to vector<128x256xf32>
    %mul3A_299 = arith.constant 2.000000e+00 : f32
    %mul3A_300 = vector.broadcast %mul3A_299 : f32 to vector<128x256xf32>
    %mul3A_301 = arith.mulf %mul3A_300, %slice3A_298 : vector<128x256xf32>
    %sub3A_302 = vector.broadcast %add3A_36 : vector<128x1xf32> to vector<128x256xf32>
    %sub3A_303 = arith.subf %sub3A_302, %mul3A_301 : vector<128x256xf32>
    %slice3A_304 = vector.extract_strided_slice %add3A_44 {offsets = [0, 4352], sizes = [1, 256], strides = [1, 1]} : vector<1x8192xf32> to vector<1x256xf32>
    %add3A_305 = vector.broadcast %slice3A_304 : vector<1x256xf32> to vector<128x256xf32>
    %add3A_306 = arith.addf %sub3A_303, %add3A_305 : vector<128x256xf32>
    %swap3A_307 = arith.constant 0 : index
    %swap3A_308 = arith.constant 17 : index
    %swap3A_309 = arith.constant 0 : index
    %swap3A_310 = vector.load %arg7[%swap3A_307, %swap3A_308, %swap3A_309] : memref<128x32x256xf32, #tpu.memory_space<vmem>>, vector<128x1x256xf32>
    %swap3A_311 = vector.shape_cast %swap3A_310 : vector<128x1x256xf32> to vector<128x256xf32>
    %swap3A_312 = vector.shape_cast %add3A_306 : vector<128x256xf32> to vector<128x1x256xf32>
    tpu.vector_store %arg7[%swap3A_307, %swap3A_308, %swap3A_309], %swap3A_312 {strides = array<i32>} : memref<128x32x256xf32, #tpu.memory_space<vmem>>, vector<128x1x256xf32>,
    %slice3A_313 = vector.extract_strided_slice %dot_general3A_37 {offsets = [0, 4608], sizes = [128, 256], strides = [1, 1]} : vector<128x8192xf32> to vector<128x256xf32>
    %mul3A_314 = arith.constant 2.000000e+00 : f32
    %mul3A_315 = vector.broadcast %mul3A_314 : f32 to vector<128x256xf32>
    %mul3A_316 = arith.mulf %mul3A_315, %slice3A_313 : vector<128x256xf32>
    %sub3A_317 = vector.broadcast %add3A_36 : vector<128x1xf32> to vector<128x256xf32>
    %sub3A_318 = arith.subf %sub3A_317, %mul3A_316 : vector<128x256xf32>
    %slice3A_319 = vector.extract_strided_slice %add3A_44 {offsets = [0, 4608], sizes = [1, 256], strides = [1, 1]} : vector<1x8192xf32> to vector<1x256xf32>
    %add3A_320 = vector.broadcast %slice3A_319 : vector<1x256xf32> to vector<128x256xf32>
    %add3A_321 = arith.addf %sub3A_318, %add3A_320 : vector<128x256xf32>
    %swap3A_322 = arith.constant 0 : index
    %swap3A_323 = arith.constant 18 : index
    %swap3A_324 = arith.constant 0 : index
    %swap3A_325 = vector.load %arg7[%swap3A_322, %swap3A_323, %swap3A_324] : memref<128x32x256xf32, #tpu.memory_space<vmem>>, vector<128x1x256xf32>
    %swap3A_326 = vector.shape_cast %swap3A_325 : vector<128x1x256xf32> to vector<128x256xf32>
    %swap3A_327 = vector.shape_cast %add3A_321 : vector<128x256xf32> to vector<128x1x256xf32>
    tpu.vector_store %arg7[%swap3A_322, %swap3A_323, %swap3A_324], %swap3A_327 {strides = array<i32>} : memref<128x32x256xf32, #tpu.memory_space<vmem>>, vector<128x1x256xf32>,
    %slice3A_328 = vector.extract_strided_slice %dot_general3A_37 {offsets = [0, 4864], sizes = [128, 256], strides = [1, 1]} : vector<128x8192xf32> to vector<128x256xf32>
    %mul3A_329 = arith.constant 2.000000e+00 : f32
    %mul3A_330 = vector.broadcast %mul3A_329 : f32 to vector<128x256xf32>
    %mul3A_331 = arith.mulf %mul3A_330, %slice3A_328 : vector<128x256xf32>
    %sub3A_332 = vector.broadcast %add3A_36 : vector<128x1xf32> to vector<128x256xf32>
    %sub3A_333 = arith.subf %sub3A_332, %mul3A_331 : vector<128x256xf32>
    %slice3A_334 = vector.extract_strided_slice %add3A_44 {offsets = [0, 4864], sizes = [1, 256], strides = [1, 1]} : vector<1x8192xf32> to vector<1x256xf32>
    %add3A_335 = vector.broadcast %slice3A_334 : vector<1x256xf32> to vector<128x256xf32>
    %add3A_336 = arith.addf %sub3A_333, %add3A_335 : vector<128x256xf32>
    %swap3A_337 = arith.constant 0 : index
    %swap3A_338 = arith.constant 19 : index
    %swap3A_339 = arith.constant 0 : index
    %swap3A_340 = vector.load %arg7[%swap3A_337, %swap3A_338, %swap3A_339] : memref<128x32x256xf32, #tpu.memory_space<vmem>>, vector<128x1x256xf32>
    %swap3A_341 = vector.shape_cast %swap3A_340 : vector<128x1x256xf32> to vector<128x256xf32>
    %swap3A_342 = vector.shape_cast %add3A_336 : vector<128x256xf32> to vector<128x1x256xf32>
    tpu.vector_store %arg7[%swap3A_337, %swap3A_338, %swap3A_339], %swap3A_342 {strides = array<i32>} : memref<128x32x256xf32, #tpu.memory_space<vmem>>, vector<128x1x256xf32>,
    %slice3A_343 = vector.extract_strided_slice %dot_general3A_37 {offsets = [0, 5120], sizes = [128, 256], strides = [1, 1]} : vector<128x8192xf32> to vector<128x256xf32>
    %mul3A_344 = arith.constant 2.000000e+00 : f32
    %mul3A_345 = vector.broadcast %mul3A_344 : f32 to vector<128x256xf32>
    %mul3A_346 = arith.mulf %mul3A_345, %slice3A_343 : vector<128x256xf32>
    %sub3A_347 = vector.broadcast %add3A_36 : vector<128x1xf32> to vector<128x256xf32>
    %sub3A_348 = arith.subf %sub3A_347, %mul3A_346 : vector<128x256xf32>
    %slice3A_349 = vector.extract_strided_slice %add3A_44 {offsets = [0, 5120], sizes = [1, 256], strides = [1, 1]} : vector<1x8192xf32> to vector<1x256xf32>
    %add3A_350 = vector.broadcast %slice3A_349 : vector<1x256xf32> to vector<128x256xf32>
    %add3A_351 = arith.addf %sub3A_348, %add3A_350 : vector<128x256xf32>
    %swap3A_352 = arith.constant 0 : index
    %swap3A_353 = arith.constant 20 : index
    %swap3A_354 = arith.constant 0 : index
    %swap3A_355 = vector.load %arg7[%swap3A_352, %swap3A_353, %swap3A_354] : memref<128x32x256xf32, #tpu.memory_space<vmem>>, vector<128x1x256xf32>
    %swap3A_356 = vector.shape_cast %swap3A_355 : vector<128x1x256xf32> to vector<128x256xf32>
    %swap3A_357 = vector.shape_cast %add3A_351 : vector<128x256xf32> to vector<128x1x256xf32>
    tpu.vector_store %arg7[%swap3A_352, %swap3A_353, %swap3A_354], %swap3A_357 {strides = array<i32>} : memref<128x32x256xf32, #tpu.memory_space<vmem>>, vector<128x1x256xf32>,
    %slice3A_358 = vector.extract_strided_slice %dot_general3A_37 {offsets = [0, 5376], sizes = [128, 256], strides = [1, 1]} : vector<128x8192xf32> to vector<128x256xf32>
    %mul3A_359 = arith.constant 2.000000e+00 : f32
    %mul3A_360 = vector.broadcast %mul3A_359 : f32 to vector<128x256xf32>
    %mul3A_361 = arith.mulf %mul3A_360, %slice3A_358 : vector<128x256xf32>
    %sub3A_362 = vector.broadcast %add3A_36 : vector<128x1xf32> to vector<128x256xf32>
    %sub3A_363 = arith.subf %sub3A_362, %mul3A_361 : vector<128x256xf32>
    %slice3A_364 = vector.extract_strided_slice %add3A_44 {offsets = [0, 5376], sizes = [1, 256], strides = [1, 1]} : vector<1x8192xf32> to vector<1x256xf32>
    %add3A_365 = vector.broadcast %slice3A_364 : vector<1x256xf32> to vector<128x256xf32>
    %add3A_366 = arith.addf %sub3A_363, %add3A_365 : vector<128x256xf32>
    %swap3A_367 = arith.constant 0 : index
    %swap3A_368 = arith.constant 21 : index
    %swap3A_369 = arith.constant 0 : index
    %swap3A_370 = vector.load %arg7[%swap3A_367, %swap3A_368, %swap3A_369] : memref<128x32x256xf32, #tpu.memory_space<vmem>>, vector<128x1x256xf32>
    %swap3A_371 = vector.shape_cast %swap3A_370 : vector<128x1x256xf32> to vector<128x256xf32>
    %swap3A_372 = vector.shape_cast %add3A_366 : vector<128x256xf32> to vector<128x1x256xf32>
    tpu.vector_store %arg7[%swap3A_367, %swap3A_368, %swap3A_369], %swap3A_372 {strides = array<i32>} : memref<128x32x256xf32, #tpu.memory_space<vmem>>, vector<128x1x256xf32>,
    %slice3A_373 = vector.extract_strided_slice %dot_general3A_37 {offsets = [0, 5632], sizes = [128, 256], strides = [1, 1]} : vector<128x8192xf32> to vector<128x256xf32>
    %mul3A_374 = arith.constant 2.000000e+00 : f32
    %mul3A_375 = vector.broadcast %mul3A_374 : f32 to vector<128x256xf32>
    %mul3A_376 = arith.mulf %mul3A_375, %slice3A_373 : vector<128x256xf32>
    %sub3A_377 = vector.broadcast %add3A_36 : vector<128x1xf32> to vector<128x256xf32>
    %sub3A_378 = arith.subf %sub3A_377, %mul3A_376 : vector<128x256xf32>
    %slice3A_379 = vector.extract_strided_slice %add3A_44 {offsets = [0, 5632], sizes = [1, 256], strides = [1, 1]} : vector<1x8192xf32> to vector<1x256xf32>
    %add3A_380 = vector.broadcast %slice3A_379 : vector<1x256xf32> to vector<128x256xf32>
    %add3A_381 = arith.addf %sub3A_378, %add3A_380 : vector<128x256xf32>
    %swap3A_382 = arith.constant 0 : index
    %swap3A_383 = arith.constant 22 : index
    %swap3A_384 = arith.constant 0 : index
    %swap3A_385 = vector.load %arg7[%swap3A_382, %swap3A_383, %swap3A_384] : memref<128x32x256xf32, #tpu.memory_space<vmem>>, vector<128x1x256xf32>
    %swap3A_386 = vector.shape_cast %swap3A_385 : vector<128x1x256xf32> to vector<128x256xf32>
    %swap3A_387 = vector.shape_cast %add3A_381 : vector<128x256xf32> to vector<128x1x256xf32>
    tpu.vector_store %arg7[%swap3A_382, %swap3A_383, %swap3A_384], %swap3A_387 {strides = array<i32>} : memref<128x32x256xf32, #tpu.memory_space<vmem>>, vector<128x1x256xf32>,
    %slice3A_388 = vector.extract_strided_slice %dot_general3A_37 {offsets = [0, 5888], sizes = [128, 256], strides = [1, 1]} : vector<128x8192xf32> to vector<128x256xf32>
    %mul3A_389 = arith.constant 2.000000e+00 : f32
    %mul3A_390 = vector.broadcast %mul3A_389 : f32 to vector<128x256xf32>
    %mul3A_391 = arith.mulf %mul3A_390, %slice3A_388 : vector<128x256xf32>
    %sub3A_392 = vector.broadcast %add3A_36 : vector<128x1xf32> to vector<128x256xf32>
    %sub3A_393 = arith.subf %sub3A_392, %mul3A_391 : vector<128x256xf32>
    %slice3A_394 = vector.extract_strided_slice %add3A_44 {offsets = [0, 5888], sizes = [1, 256], strides = [1, 1]} : vector<1x8192xf32> to vector<1x256xf32>
    %add3A_395 = vector.broadcast %slice3A_394 : vector<1x256xf32> to vector<128x256xf32>
    %add3A_396 = arith.addf %sub3A_393, %add3A_395 : vector<128x256xf32>
    %swap3A_397 = arith.constant 0 : index
    %swap3A_398 = arith.constant 23 : index
    %swap3A_399 = arith.constant 0 : index
    %swap3A_400 = vector.load %arg7[%swap3A_397, %swap3A_398, %swap3A_399] : memref<128x32x256xf32, #tpu.memory_space<vmem>>, vector<128x1x256xf32>
    %swap3A_401 = vector.shape_cast %swap3A_400 : vector<128x1x256xf32> to vector<128x256xf32>
    %swap3A_402 = vector.shape_cast %add3A_396 : vector<128x256xf32> to vector<128x1x256xf32>
    tpu.vector_store %arg7[%swap3A_397, %swap3A_398, %swap3A_399], %swap3A_402 {strides = array<i32>} : memref<128x32x256xf32, #tpu.memory_space<vmem>>, vector<128x1x256xf32>,
    %slice3A_403 = vector.extract_strided_slice %dot_general3A_37 {offsets = [0, 6144], sizes = [128, 256], strides = [1, 1]} : vector<128x8192xf32> to vector<128x256xf32>
    %mul3A_404 = arith.constant 2.000000e+00 : f32
    %mul3A_405 = vector.broadcast %mul3A_404 : f32 to vector<128x256xf32>
    %mul3A_406 = arith.mulf %mul3A_405, %slice3A_403 : vector<128x256xf32>
    %sub3A_407 = vector.broadcast %add3A_36 : vector<128x1xf32> to vector<128x256xf32>
    %sub3A_408 = arith.subf %sub3A_407, %mul3A_406 : vector<128x256xf32>
    %slice3A_409 = vector.extract_strided_slice %add3A_44 {offsets = [0, 6144], sizes = [1, 256], strides = [1, 1]} : vector<1x8192xf32> to vector<1x256xf32>
    %add3A_410 = vector.broadcast %slice3A_409 : vector<1x256xf32> to vector<128x256xf32>
    %add3A_411 = arith.addf %sub3A_408, %add3A_410 : vector<128x256xf32>
    %swap3A_412 = arith.constant 0 : index
    %swap3A_413 = arith.constant 24 : index
    %swap3A_414 = arith.constant 0 : index
    %swap3A_415 = vector.load %arg7[%swap3A_412, %swap3A_413, %swap3A_414] : memref<128x32x256xf32, #tpu.memory_space<vmem>>, vector<128x1x256xf32>
    %swap3A_416 = vector.shape_cast %swap3A_415 : vector<128x1x256xf32> to vector<128x256xf32>
    %swap3A_417 = vector.shape_cast %add3A_411 : vector<128x256xf32> to vector<128x1x256xf32>
    tpu.vector_store %arg7[%swap3A_412, %swap3A_413, %swap3A_414], %swap3A_417 {strides = array<i32>} : memref<128x32x256xf32, #tpu.memory_space<vmem>>, vector<128x1x256xf32>,
    %slice3A_418 = vector.extract_strided_slice %dot_general3A_37 {offsets = [0, 6400], sizes = [128, 256], strides = [1, 1]} : vector<128x8192xf32> to vector<128x256xf32>
    %mul3A_419 = arith.constant 2.000000e+00 : f32
    %mul3A_420 = vector.broadcast %mul3A_419 : f32 to vector<128x256xf32>
    %mul3A_421 = arith.mulf %mul3A_420, %slice3A_418 : vector<128x256xf32>
    %sub3A_422 = vector.broadcast %add3A_36 : vector<128x1xf32> to vector<128x256xf32>
    %sub3A_423 = arith.subf %sub3A_422, %mul3A_421 : vector<128x256xf32>
    %slice3A_424 = vector.extract_strided_slice %add3A_44 {offsets = [0, 6400], sizes = [1, 256], strides = [1, 1]} : vector<1x8192xf32> to vector<1x256xf32>
    %add3A_425 = vector.broadcast %slice3A_424 : vector<1x256xf32> to vector<128x256xf32>
    %add3A_426 = arith.addf %sub3A_423, %add3A_425 : vector<128x256xf32>
    %swap3A_427 = arith.constant 0 : index
    %swap3A_428 = arith.constant 25 : index
    %swap3A_429 = arith.constant 0 : index
    %swap3A_430 = vector.load %arg7[%swap3A_427, %swap3A_428, %swap3A_429] : memref<128x32x256xf32, #tpu.memory_space<vmem>>, vector<128x1x256xf32>
    %swap3A_431 = vector.shape_cast %swap3A_430 : vector<128x1x256xf32> to vector<128x256xf32>
    %swap3A_432 = vector.shape_cast %add3A_426 : vector<128x256xf32> to vector<128x1x256xf32>
    tpu.vector_store %arg7[%swap3A_427, %swap3A_428, %swap3A_429], %swap3A_432 {strides = array<i32>} : memref<128x32x256xf32, #tpu.memory_space<vmem>>, vector<128x1x256xf32>,
    %slice3A_433 = vector.extract_strided_slice %dot_general3A_37 {offsets = [0, 6656], sizes = [128, 256], strides = [1, 1]} : vector<128x8192xf32> to vector<128x256xf32>
    %mul3A_434 = arith.constant 2.000000e+00 : f32
    %mul3A_435 = vector.broadcast %mul3A_434 : f32 to vector<128x256xf32>
    %mul3A_436 = arith.mulf %mul3A_435, %slice3A_433 : vector<128x256xf32>
    %sub3A_437 = vector.broadcast %add3A_36 : vector<128x1xf32> to vector<128x256xf32>
    %sub3A_438 = arith.subf %sub3A_437, %mul3A_436 : vector<128x256xf32>
    %slice3A_439 = vector.extract_strided_slice %add3A_44 {offsets = [0, 6656], sizes = [1, 256], strides = [1, 1]} : vector<1x8192xf32> to vector<1x256xf32>
    %add3A_440 = vector.broadcast %slice3A_439 : vector<1x256xf32> to vector<128x256xf32>
    %add3A_441 = arith.addf %sub3A_438, %add3A_440 : vector<128x256xf32>
    %swap3A_442 = arith.constant 0 : index
    %swap3A_443 = arith.constant 26 : index
    %swap3A_444 = arith.constant 0 : index
    %swap3A_445 = vector.load %arg7[%swap3A_442, %swap3A_443, %swap3A_444] : memref<128x32x256xf32, #tpu.memory_space<vmem>>, vector<128x1x256xf32>
    %swap3A_446 = vector.shape_cast %swap3A_445 : vector<128x1x256xf32> to vector<128x256xf32>
    %swap3A_447 = vector.shape_cast %add3A_441 : vector<128x256xf32> to vector<128x1x256xf32>
    tpu.vector_store %arg7[%swap3A_442, %swap3A_443, %swap3A_444], %swap3A_447 {strides = array<i32>} : memref<128x32x256xf32, #tpu.memory_space<vmem>>, vector<128x1x256xf32>,
    %slice3A_448 = vector.extract_strided_slice %dot_general3A_37 {offsets = [0, 6912], sizes = [128, 256], strides = [1, 1]} : vector<128x8192xf32> to vector<128x256xf32>
    %mul3A_449 = arith.constant 2.000000e+00 : f32
    %mul3A_450 = vector.broadcast %mul3A_449 : f32 to vector<128x256xf32>
    %mul3A_451 = arith.mulf %mul3A_450, %slice3A_448 : vector<128x256xf32>
    %sub3A_452 = vector.broadcast %add3A_36 : vector<128x1xf32> to vector<128x256xf32>
    %sub3A_453 = arith.subf %sub3A_452, %mul3A_451 : vector<128x256xf32>
    %slice3A_454 = vector.extract_strided_slice %add3A_44 {offsets = [0, 6912], sizes = [1, 256], strides = [1, 1]} : vector<1x8192xf32> to vector<1x256xf32>
    %add3A_455 = vector.broadcast %slice3A_454 : vector<1x256xf32> to vector<128x256xf32>
    %add3A_456 = arith.addf %sub3A_453, %add3A_455 : vector<128x256xf32>
    %swap3A_457 = arith.constant 0 : index
    %swap3A_458 = arith.constant 27 : index
    %swap3A_459 = arith.constant 0 : index
    %swap3A_460 = vector.load %arg7[%swap3A_457, %swap3A_458, %swap3A_459] : memref<128x32x256xf32, #tpu.memory_space<vmem>>, vector<128x1x256xf32>
    %swap3A_461 = vector.shape_cast %swap3A_460 : vector<128x1x256xf32> to vector<128x256xf32>
    %swap3A_462 = vector.shape_cast %add3A_456 : vector<128x256xf32> to vector<128x1x256xf32>
    tpu.vector_store %arg7[%swap3A_457, %swap3A_458, %swap3A_459], %swap3A_462 {strides = array<i32>} : memref<128x32x256xf32, #tpu.memory_space<vmem>>, vector<128x1x256xf32>,
    %slice3A_463 = vector.extract_strided_slice %dot_general3A_37 {offsets = [0, 7168], sizes = [128, 256], strides = [1, 1]} : vector<128x8192xf32> to vector<128x256xf32>
    %mul3A_464 = arith.constant 2.000000e+00 : f32
    %mul3A_465 = vector.broadcast %mul3A_464 : f32 to vector<128x256xf32>
    %mul3A_466 = arith.mulf %mul3A_465, %slice3A_463 : vector<128x256xf32>
    %sub3A_467 = vector.broadcast %add3A_36 : vector<128x1xf32> to vector<128x256xf32>
    %sub3A_468 = arith.subf %sub3A_467, %mul3A_466 : vector<128x256xf32>
    %slice3A_469 = vector.extract_strided_slice %add3A_44 {offsets = [0, 7168], sizes = [1, 256], strides = [1, 1]} : vector<1x8192xf32> to vector<1x256xf32>
    %add3A_470 = vector.broadcast %slice3A_469 : vector<1x256xf32> to vector<128x256xf32>
    %add3A_471 = arith.addf %sub3A_468, %add3A_470 : vector<128x256xf32>
    %swap3A_472 = arith.constant 0 : index
    %swap3A_473 = arith.constant 28 : index
    %swap3A_474 = arith.constant 0 : index
    %swap3A_475 = vector.load %arg7[%swap3A_472, %swap3A_473, %swap3A_474] : memref<128x32x256xf32, #tpu.memory_space<vmem>>, vector<128x1x256xf32>
    %swap3A_476 = vector.shape_cast %swap3A_475 : vector<128x1x256xf32> to vector<128x256xf32>
    %swap3A_477 = vector.shape_cast %add3A_471 : vector<128x256xf32> to vector<128x1x256xf32>
    tpu.vector_store %arg7[%swap3A_472, %swap3A_473, %swap3A_474], %swap3A_477 {strides = array<i32>} : memref<128x32x256xf32, #tpu.memory_space<vmem>>, vector<128x1x256xf32>,
    %slice3A_478 = vector.extract_strided_slice %dot_general3A_37 {offsets = [0, 7424], sizes = [128, 256], strides = [1, 1]} : vector<128x8192xf32> to vector<128x256xf32>
    %mul3A_479 = arith.constant 2.000000e+00 : f32
    %mul3A_480 = vector.broadcast %mul3A_479 : f32 to vector<128x256xf32>
    %mul3A_481 = arith.mulf %mul3A_480, %slice3A_478 : vector<128x256xf32>
    %sub3A_482 = vector.broadcast %add3A_36 : vector<128x1xf32> to vector<128x256xf32>
    %sub3A_483 = arith.subf %sub3A_482, %mul3A_481 : vector<128x256xf32>
    %slice3A_484 = vector.extract_strided_slice %add3A_44 {offsets = [0, 7424], sizes = [1, 256], strides = [1, 1]} : vector<1x8192xf32> to vector<1x256xf32>
    %add3A_485 = vector.broadcast %slice3A_484 : vector<1x256xf32> to vector<128x256xf32>
    %add3A_486 = arith.addf %sub3A_483, %add3A_485 : vector<128x256xf32>
    %swap3A_487 = arith.constant 0 : index
    %swap3A_488 = arith.constant 29 : index
    %swap3A_489 = arith.constant 0 : index
    %swap3A_490 = vector.load %arg7[%swap3A_487, %swap3A_488, %swap3A_489] : memref<128x32x256xf32, #tpu.memory_space<vmem>>, vector<128x1x256xf32>
    %swap3A_491 = vector.shape_cast %swap3A_490 : vector<128x1x256xf32> to vector<128x256xf32>
    %swap3A_492 = vector.shape_cast %add3A_486 : vector<128x256xf32> to vector<128x1x256xf32>
    tpu.vector_store %arg7[%swap3A_487, %swap3A_488, %swap3A_489], %swap3A_492 {strides = array<i32>} : memref<128x32x256xf32, #tpu.memory_space<vmem>>, vector<128x1x256xf32>,
    %slice3A_493 = vector.extract_strided_slice %dot_general3A_37 {offsets = [0, 7680], sizes = [128, 256], strides = [1, 1]} : vector<128x8192xf32> to vector<128x256xf32>
    %mul3A_494 = arith.constant 2.000000e+00 : f32
    %mul3A_495 = vector.broadcast %mul3A_494 : f32 to vector<128x256xf32>
    %mul3A_496 = arith.mulf %mul3A_495, %slice3A_493 : vector<128x256xf32>
    %sub3A_497 = vector.broadcast %add3A_36 : vector<128x1xf32> to vector<128x256xf32>
    %sub3A_498 = arith.subf %sub3A_497, %mul3A_496 : vector<128x256xf32>
    %slice3A_499 = vector.extract_strided_slice %add3A_44 {offsets = [0, 7680], sizes = [1, 256], strides = [1, 1]} : vector<1x8192xf32> to vector<1x256xf32>
    %add3A_500 = vector.broadcast %slice3A_499 : vector<1x256xf32> to vector<128x256xf32>
    %add3A_501 = arith.addf %sub3A_498, %add3A_500 : vector<128x256xf32>
    %swap3A_502 = arith.constant 0 : index
    %swap3A_503 = arith.constant 30 : index
    %swap3A_504 = arith.constant 0 : index
    %swap3A_505 = vector.load %arg7[%swap3A_502, %swap3A_503, %swap3A_504] : memref<128x32x256xf32, #tpu.memory_space<vmem>>, vector<128x1x256xf32>
    %swap3A_506 = vector.shape_cast %swap3A_505 : vector<128x1x256xf32> to vector<128x256xf32>
    %swap3A_507 = vector.shape_cast %add3A_501 : vector<128x256xf32> to vector<128x1x256xf32>
    tpu.vector_store %arg7[%swap3A_502, %swap3A_503, %swap3A_504], %swap3A_507 {strides = array<i32>} : memref<128x32x256xf32, #tpu.memory_space<vmem>>, vector<128x1x256xf32>,
    %slice3A_508 = vector.extract_strided_slice %dot_general3A_37 {offsets = [0, 7936], sizes = [128, 256], strides = [1, 1]} : vector<128x8192xf32> to vector<128x256xf32>
    %mul3A_509 = arith.constant 2.000000e+00 : f32
    %mul3A_510 = vector.broadcast %mul3A_509 : f32 to vector<128x256xf32>
    %mul3A_511 = arith.mulf %mul3A_510, %slice3A_508 : vector<128x256xf32>
    %sub3A_512 = vector.broadcast %add3A_36 : vector<128x1xf32> to vector<128x256xf32>
    %sub3A_513 = arith.subf %sub3A_512, %mul3A_511 : vector<128x256xf32>
    %slice3A_514 = vector.extract_strided_slice %add3A_44 {offsets = [0, 7936], sizes = [1, 256], strides = [1, 1]} : vector<1x8192xf32> to vector<1x256xf32>
    %add3A_515 = vector.broadcast %slice3A_514 : vector<1x256xf32> to vector<128x256xf32>
    %add3A_516 = arith.addf %sub3A_513, %add3A_515 : vector<128x256xf32>
    %swap3A_517 = arith.constant 0 : index
    %swap3A_518 = arith.constant 31 : index
    %swap3A_519 = arith.constant 0 : index
    %swap3A_520 = vector.load %arg7[%swap3A_517, %swap3A_518, %swap3A_519] : memref<128x32x256xf32, #tpu.memory_space<vmem>>, vector<128x1x256xf32>
    %swap3A_521 = vector.shape_cast %swap3A_520 : vector<128x1x256xf32> to vector<128x256xf32>
    %swap3A_522 = vector.shape_cast %add3A_516 : vector<128x256xf32> to vector<128x1x256xf32>
    tpu.vector_store %arg7[%swap3A_517, %swap3A_518, %swap3A_519], %swap3A_522 {strides = array<i32>} : memref<128x32x256xf32, #tpu.memory_space<vmem>>, vector<128x1x256xf32>,
    %get3A_523 = arith.constant 0 : index
    %get3A_524 = arith.constant 0 : index
    %get3A_525 = arith.constant 0 : index
    %get3A_526 = vector.load %arg7[%get3A_523, %get3A_524, %get3A_525] : memref<128x32x256xf32, #tpu.memory_space<vmem>>, vector<128x1x256xf32>
    %get3A_527 = vector.shape_cast %get3A_526 : vector<128x1x256xf32> to vector<128x256xf32>
    %get3A_528 = arith.constant 0 : index
    %get3A_529 = arith.constant 1 : index
    %get3A_530 = arith.constant 0 : index
    %get3A_531 = vector.load %arg7[%get3A_528, %get3A_529, %get3A_530] : memref<128x32x256xf32, #tpu.memory_space<vmem>>, vector<128x1x256xf32>
    %get3A_532 = vector.shape_cast %get3A_531 : vector<128x1x256xf32> to vector<128x256xf32>
    %min3A = arith.minimumf %get3A_527, %get3A_532 : vector<128x256xf32>
    %get3A_533 = arith.constant 0 : index
    %get3A_534 = arith.constant 2 : index
    %get3A_535 = arith.constant 0 : index
    %get3A_536 = vector.load %arg7[%get3A_533, %get3A_534, %get3A_535] : memref<128x32x256xf32, #tpu.memory_space<vmem>>, vector<128x1x256xf32>
    %get3A_537 = vector.shape_cast %get3A_536 : vector<128x1x256xf32> to vector<128x256xf32>
    %min3A_538 = arith.minimumf %min3A, %get3A_537 : vector<128x256xf32>
    %get3A_539 = arith.constant 0 : index
    %get3A_540 = arith.constant 3 : index
    %get3A_541 = arith.constant 0 : index
    %get3A_542 = vector.load %arg7[%get3A_539, %get3A_540, %get3A_541] : memref<128x32x256xf32, #tpu.memory_space<vmem>>, vector<128x1x256xf32>
    %get3A_543 = vector.shape_cast %get3A_542 : vector<128x1x256xf32> to vector<128x256xf32>
    %min3A_544 = arith.minimumf %min3A_538, %get3A_543 : vector<128x256xf32>
    %get3A_545 = arith.constant 0 : index
    %get3A_546 = arith.constant 4 : index
    %get3A_547 = arith.constant 0 : index
    %get3A_548 = vector.load %arg7[%get3A_545, %get3A_546, %get3A_547] : memref<128x32x256xf32, #tpu.memory_space<vmem>>, vector<128x1x256xf32>
    %get3A_549 = vector.shape_cast %get3A_548 : vector<128x1x256xf32> to vector<128x256xf32>
    %min3A_550 = arith.minimumf %min3A_544, %get3A_549 : vector<128x256xf32>
    %get3A_551 = arith.constant 0 : index
    %get3A_552 = arith.constant 5 : index
    %get3A_553 = arith.constant 0 : index
    %get3A_554 = vector.load %arg7[%get3A_551, %get3A_552, %get3A_553] : memref<128x32x256xf32, #tpu.memory_space<vmem>>, vector<128x1x256xf32>
    %get3A_555 = vector.shape_cast %get3A_554 : vector<128x1x256xf32> to vector<128x256xf32>
    %min3A_556 = arith.minimumf %min3A_550, %get3A_555 : vector<128x256xf32>
    %get3A_557 = arith.constant 0 : index
    %get3A_558 = arith.constant 6 : index
    %get3A_559 = arith.constant 0 : index
    %get3A_560 = vector.load %arg7[%get3A_557, %get3A_558, %get3A_559] : memref<128x32x256xf32, #tpu.memory_space<vmem>>, vector<128x1x256xf32>
    %get3A_561 = vector.shape_cast %get3A_560 : vector<128x1x256xf32> to vector<128x256xf32>
    %min3A_562 = arith.minimumf %min3A_556, %get3A_561 : vector<128x256xf32>
    %get3A_563 = arith.constant 0 : index
    %get3A_564 = arith.constant 7 : index
    %get3A_565 = arith.constant 0 : index
    %get3A_566 = vector.load %arg7[%get3A_563, %get3A_564, %get3A_565] : memref<128x32x256xf32, #tpu.memory_space<vmem>>, vector<128x1x256xf32>
    %get3A_567 = vector.shape_cast %get3A_566 : vector<128x1x256xf32> to vector<128x256xf32>
    %min3A_568 = arith.minimumf %min3A_562, %get3A_567 : vector<128x256xf32>
    %get3A_569 = arith.constant 0 : index
    %get3A_570 = arith.constant 8 : index
    %get3A_571 = arith.constant 0 : index
    %get3A_572 = vector.load %arg7[%get3A_569, %get3A_570, %get3A_571] : memref<128x32x256xf32, #tpu.memory_space<vmem>>, vector<128x1x256xf32>
    %get3A_573 = vector.shape_cast %get3A_572 : vector<128x1x256xf32> to vector<128x256xf32>
    %min3A_574 = arith.minimumf %min3A_568, %get3A_573 : vector<128x256xf32>
    %get3A_575 = arith.constant 0 : index
    %get3A_576 = arith.constant 9 : index
    %get3A_577 = arith.constant 0 : index
    %get3A_578 = vector.load %arg7[%get3A_575, %get3A_576, %get3A_577] : memref<128x32x256xf32, #tpu.memory_space<vmem>>, vector<128x1x256xf32>
    %get3A_579 = vector.shape_cast %get3A_578 : vector<128x1x256xf32> to vector<128x256xf32>
    %min3A_580 = arith.minimumf %min3A_574, %get3A_579 : vector<128x256xf32>
    %get3A_581 = arith.constant 0 : index
    %get3A_582 = arith.constant 10 : index
    %get3A_583 = arith.constant 0 : index
    %get3A_584 = vector.load %arg7[%get3A_581, %get3A_582, %get3A_583] : memref<128x32x256xf32, #tpu.memory_space<vmem>>, vector<128x1x256xf32>
    %get3A_585 = vector.shape_cast %get3A_584 : vector<128x1x256xf32> to vector<128x256xf32>
    %min3A_586 = arith.minimumf %min3A_580, %get3A_585 : vector<128x256xf32>
    %get3A_587 = arith.constant 0 : index
    %get3A_588 = arith.constant 11 : index
    %get3A_589 = arith.constant 0 : index
    %get3A_590 = vector.load %arg7[%get3A_587, %get3A_588, %get3A_589] : memref<128x32x256xf32, #tpu.memory_space<vmem>>, vector<128x1x256xf32>
    %get3A_591 = vector.shape_cast %get3A_590 : vector<128x1x256xf32> to vector<128x256xf32>
    %min3A_592 = arith.minimumf %min3A_586, %get3A_591 : vector<128x256xf32>
    %get3A_593 = arith.constant 0 : index
    %get3A_594 = arith.constant 12 : index
    %get3A_595 = arith.constant 0 : index
    %get3A_596 = vector.load %arg7[%get3A_593, %get3A_594, %get3A_595] : memref<128x32x256xf32, #tpu.memory_space<vmem>>, vector<128x1x256xf32>
    %get3A_597 = vector.shape_cast %get3A_596 : vector<128x1x256xf32> to vector<128x256xf32>
    %min3A_598 = arith.minimumf %min3A_592, %get3A_597 : vector<128x256xf32>
    %get3A_599 = arith.constant 0 : index
    %get3A_600 = arith.constant 13 : index
    %get3A_601 = arith.constant 0 : index
    %get3A_602 = vector.load %arg7[%get3A_599, %get3A_600, %get3A_601] : memref<128x32x256xf32, #tpu.memory_space<vmem>>, vector<128x1x256xf32>
    %get3A_603 = vector.shape_cast %get3A_602 : vector<128x1x256xf32> to vector<128x256xf32>
    %min3A_604 = arith.minimumf %min3A_598, %get3A_603 : vector<128x256xf32>
    %get3A_605 = arith.constant 0 : index
    %get3A_606 = arith.constant 14 : index
    %get3A_607 = arith.constant 0 : index
    %get3A_608 = vector.load %arg7[%get3A_605, %get3A_606, %get3A_607] : memref<128x32x256xf32, #tpu.memory_space<vmem>>, vector<128x1x256xf32>
    %get3A_609 = vector.shape_cast %get3A_608 : vector<128x1x256xf32> to vector<128x256xf32>
    %min3A_610 = arith.minimumf %min3A_604, %get3A_609 : vector<128x256xf32>
    %get3A_611 = arith.constant 0 : index
    %get3A_612 = arith.constant 15 : index
    %get3A_613 = arith.constant 0 : index
    %get3A_614 = vector.load %arg7[%get3A_611, %get3A_612, %get3A_613] : memref<128x32x256xf32, #tpu.memory_space<vmem>>, vector<128x1x256xf32>
    %get3A_615 = vector.shape_cast %get3A_614 : vector<128x1x256xf32> to vector<128x256xf32>
    %min3A_616 = arith.minimumf %min3A_610, %get3A_615 : vector<128x256xf32>
    %get3A_617 = arith.constant 0 : index
    %get3A_618 = arith.constant 16 : index
    %get3A_619 = arith.constant 0 : index
    %get3A_620 = vector.load %arg7[%get3A_617, %get3A_618, %get3A_619] : memref<128x32x256xf32, #tpu.memory_space<vmem>>, vector<128x1x256xf32>
    %get3A_621 = vector.shape_cast %get3A_620 : vector<128x1x256xf32> to vector<128x256xf32>
    %min3A_622 = arith.minimumf %min3A_616, %get3A_621 : vector<128x256xf32>
    %get3A_623 = arith.constant 0 : index
    %get3A_624 = arith.constant 17 : index
    %get3A_625 = arith.constant 0 : index
    %get3A_626 = vector.load %arg7[%get3A_623, %get3A_624, %get3A_625] : memref<128x32x256xf32, #tpu.memory_space<vmem>>, vector<128x1x256xf32>
    %get3A_627 = vector.shape_cast %get3A_626 : vector<128x1x256xf32> to vector<128x256xf32>
    %min3A_628 = arith.minimumf %min3A_622, %get3A_627 : vector<128x256xf32>
    %get3A_629 = arith.constant 0 : index
    %get3A_630 = arith.constant 18 : index
    %get3A_631 = arith.constant 0 : index
    %get3A_632 = vector.load %arg7[%get3A_629, %get3A_630, %get3A_631] : memref<128x32x256xf32, #tpu.memory_space<vmem>>, vector<128x1x256xf32>
    %get3A_633 = vector.shape_cast %get3A_632 : vector<128x1x256xf32> to vector<128x256xf32>
    %min3A_634 = arith.minimumf %min3A_628, %get3A_633 : vector<128x256xf32>
    %get3A_635 = arith.constant 0 : index
    %get3A_636 = arith.constant 19 : index
    %get3A_637 = arith.constant 0 : index
    %get3A_638 = vector.load %arg7[%get3A_635, %get3A_636, %get3A_637] : memref<128x32x256xf32, #tpu.memory_space<vmem>>, vector<128x1x256xf32>
    %get3A_639 = vector.shape_cast %get3A_638 : vector<128x1x256xf32> to vector<128x256xf32>
    %min3A_640 = arith.minimumf %min3A_634, %get3A_639 : vector<128x256xf32>
    %get3A_641 = arith.constant 0 : index
    %get3A_642 = arith.constant 20 : index
    %get3A_643 = arith.constant 0 : index
    %get3A_644 = vector.load %arg7[%get3A_641, %get3A_642, %get3A_643] : memref<128x32x256xf32, #tpu.memory_space<vmem>>, vector<128x1x256xf32>
    %get3A_645 = vector.shape_cast %get3A_644 : vector<128x1x256xf32> to vector<128x256xf32>
    %min3A_646 = arith.minimumf %min3A_640, %get3A_645 : vector<128x256xf32>
    %get3A_647 = arith.constant 0 : index
    %get3A_648 = arith.constant 21 : index
    %get3A_649 = arith.constant 0 : index
    %get3A_650 = vector.load %arg7[%get3A_647, %get3A_648, %get3A_649] : memref<128x32x256xf32, #tpu.memory_space<vmem>>, vector<128x1x256xf32>
    %get3A_651 = vector.shape_cast %get3A_650 : vector<128x1x256xf32> to vector<128x256xf32>
    %min3A_652 = arith.minimumf %min3A_646, %get3A_651 : vector<128x256xf32>
    %get3A_653 = arith.constant 0 : index
    %get3A_654 = arith.constant 22 : index
    %get3A_655 = arith.constant 0 : index
    %get3A_656 = vector.load %arg7[%get3A_653, %get3A_654, %get3A_655] : memref<128x32x256xf32, #tpu.memory_space<vmem>>, vector<128x1x256xf32>
    %get3A_657 = vector.shape_cast %get3A_656 : vector<128x1x256xf32> to vector<128x256xf32>
    %min3A_658 = arith.minimumf %min3A_652, %get3A_657 : vector<128x256xf32>
    %get3A_659 = arith.constant 0 : index
    %get3A_660 = arith.constant 23 : index
    %get3A_661 = arith.constant 0 : index
    %get3A_662 = vector.load %arg7[%get3A_659, %get3A_660, %get3A_661] : memref<128x32x256xf32, #tpu.memory_space<vmem>>, vector<128x1x256xf32>
    %get3A_663 = vector.shape_cast %get3A_662 : vector<128x1x256xf32> to vector<128x256xf32>
    %min3A_664 = arith.minimumf %min3A_658, %get3A_663 : vector<128x256xf32>
    %get3A_665 = arith.constant 0 : index
    %get3A_666 = arith.constant 24 : index
    %get3A_667 = arith.constant 0 : index
    %get3A_668 = vector.load %arg7[%get3A_665, %get3A_666, %get3A_667] : memref<128x32x256xf32, #tpu.memory_space<vmem>>, vector<128x1x256xf32>
    %get3A_669 = vector.shape_cast %get3A_668 : vector<128x1x256xf32> to vector<128x256xf32>
    %min3A_670 = arith.minimumf %min3A_664, %get3A_669 : vector<128x256xf32>
    %get3A_671 = arith.constant 0 : index
    %get3A_672 = arith.constant 25 : index
    %get3A_673 = arith.constant 0 : index
    %get3A_674 = vector.load %arg7[%get3A_671, %get3A_672, %get3A_673] : memref<128x32x256xf32, #tpu.memory_space<vmem>>, vector<128x1x256xf32>
    %get3A_675 = vector.shape_cast %get3A_674 : vector<128x1x256xf32> to vector<128x256xf32>
    %min3A_676 = arith.minimumf %min3A_670, %get3A_675 : vector<128x256xf32>
    %get3A_677 = arith.constant 0 : index
    %get3A_678 = arith.constant 26 : index
    %get3A_679 = arith.constant 0 : index
    %get3A_680 = vector.load %arg7[%get3A_677, %get3A_678, %get3A_679] : memref<128x32x256xf32, #tpu.memory_space<vmem>>, vector<128x1x256xf32>
    %get3A_681 = vector.shape_cast %get3A_680 : vector<128x1x256xf32> to vector<128x256xf32>
    %min3A_682 = arith.minimumf %min3A_676, %get3A_681 : vector<128x256xf32>
    %get3A_683 = arith.constant 0 : index
    %get3A_684 = arith.constant 27 : index
    %get3A_685 = arith.constant 0 : index
    %get3A_686 = vector.load %arg7[%get3A_683, %get3A_684, %get3A_685] : memref<128x32x256xf32, #tpu.memory_space<vmem>>, vector<128x1x256xf32>
    %get3A_687 = vector.shape_cast %get3A_686 : vector<128x1x256xf32> to vector<128x256xf32>
    %min3A_688 = arith.minimumf %min3A_682, %get3A_687 : vector<128x256xf32>
    %get3A_689 = arith.constant 0 : index
    %get3A_690 = arith.constant 28 : index
    %get3A_691 = arith.constant 0 : index
    %get3A_692 = vector.load %arg7[%get3A_689, %get3A_690, %get3A_691] : memref<128x32x256xf32, #tpu.memory_space<vmem>>, vector<128x1x256xf32>
    %get3A_693 = vector.shape_cast %get3A_692 : vector<128x1x256xf32> to vector<128x256xf32>
    %min3A_694 = arith.minimumf %min3A_688, %get3A_693 : vector<128x256xf32>
    %get3A_695 = arith.constant 0 : index
    %get3A_696 = arith.constant 29 : index
    %get3A_697 = arith.constant 0 : index
    %get3A_698 = vector.load %arg7[%get3A_695, %get3A_696, %get3A_697] : memref<128x32x256xf32, #tpu.memory_space<vmem>>, vector<128x1x256xf32>
    %get3A_699 = vector.shape_cast %get3A_698 : vector<128x1x256xf32> to vector<128x256xf32>
    %min3A_700 = arith.minimumf %min3A_694, %get3A_699 : vector<128x256xf32>
    %get3A_701 = arith.constant 0 : index
    %get3A_702 = arith.constant 30 : index
    %get3A_703 = arith.constant 0 : index
    %get3A_704 = vector.load %arg7[%get3A_701, %get3A_702, %get3A_703] : memref<128x32x256xf32, #tpu.memory_space<vmem>>, vector<128x1x256xf32>
    %get3A_705 = vector.shape_cast %get3A_704 : vector<128x1x256xf32> to vector<128x256xf32>
    %min3A_706 = arith.minimumf %min3A_700, %get3A_705 : vector<128x256xf32>
    %get3A_707 = arith.constant 0 : index
    %get3A_708 = arith.constant 31 : index
    %get3A_709 = arith.constant 0 : index
    %get3A_710 = vector.load %arg7[%get3A_707, %get3A_708, %get3A_709] : memref<128x32x256xf32, #tpu.memory_space<vmem>>, vector<128x1x256xf32>
    %get3A_711 = vector.shape_cast %get3A_710 : vector<128x1x256xf32> to vector<128x256xf32>
    %min3A_712 = arith.minimumf %min3A_706, %get3A_711 : vector<128x256xf32>
    %iota3A_713 = tpu.iota {dimensions = array<i32: 1>} : vector<128x256xi32>
    %reduce_min3A = arith.constant dense<0x7F800000> : vector<128xf32>
    %reduce_min3A_714 = vector.multi_reduction <minimumf>, %min3A_712, %reduce_min3A [1] : vector<128x256xf32> to vector<128xf32>
    %broadcast_in_dim3A_715 = vector.shape_cast %reduce_min3A_714 : vector<128xf32> to vector<128x1xf32>
    %eq3A_716 = vector.broadcast %broadcast_in_dim3A_715 : vector<128x1xf32> to vector<128x256xf32>
    %eq3A_717 = arith.cmpf oeq, %min3A_712, %eq3A_716 : vector<128x256xf32>
    %jit3A_718 = arith.constant 256 : i32
    %broadcast_in_dim3A_719 = vector.broadcast %jit3A_718 : i32 to vector<128x256xi32>
    %select_n3A_720 = arith.select %eq3A_717, %iota3A_713, %broadcast_in_dim3A_719 : vector<128x256xi1>, vector<128x256xi32>
    %reduce_min3A_721 = arith.constant dense<2147483647> : vector<128xi32>
    %reduce_min3A_722 = vector.multi_reduction <minsi>, %select_n3A_720, %reduce_min3A_721 [1] : vector<128x256xi32> to vector<128xi32>
    %broadcast_in_dim3A_723 = vector.shape_cast %reduce_min3A_722 : vector<128xi32> to vector<128x1xi32>
    %eq3A_724 = vector.broadcast %broadcast_in_dim3A_723 : vector<128x1xi32> to vector<128x256xi32>
    %eq3A_725 = arith.cmpi eq, %iota3A_713, %eq3A_724 : vector<128x256xi32>
    %jit3A_726 = arith.constant 3.000000e+38 : f32
    %broadcast_in_dim3A_727 = vector.broadcast %jit3A_726 : f32 to vector<128x256xf32>
    %select_n3A_728 = arith.select %eq3A_725, %broadcast_in_dim3A_727, %min3A_712 : vector<128x256xi1>, vector<128x256xf32>
    %reduce_min3A_729 = arith.constant dense<0x7F800000> : vector<128xf32>
    %reduce_min3A_730 = vector.multi_reduction <minimumf>, %select_n3A_728, %reduce_min3A_729 [1] : vector<128x256xf32> to vector<128xf32>
    %broadcast_in_dim3A_731 = vector.shape_cast %reduce_min3A_730 : vector<128xf32> to vector<128x1xf32>
    %eq3A_732 = vector.broadcast %broadcast_in_dim3A_731 : vector<128x1xf32> to vector<128x256xf32>
    %eq3A_733 = arith.cmpf oeq, %select_n3A_728, %eq3A_732 : vector<128x256xf32>
    %jit3A_734 = arith.constant 256 : i32
    %broadcast_in_dim3A_735 = vector.broadcast %jit3A_734 : i32 to vector<128x256xi32>
    %select_n3A_736 = arith.select %eq3A_733, %iota3A_713, %broadcast_in_dim3A_735 : vector<128x256xi1>, vector<128x256xi32>
    %reduce_min3A_737 = arith.constant dense<2147483647> : vector<128xi32>
    %reduce_min3A_738 = vector.multi_reduction <minsi>, %select_n3A_736, %reduce_min3A_737 [1] : vector<128x256xi32> to vector<128xi32>
    %broadcast_in_dim3A_739 = vector.shape_cast %reduce_min3A_738 : vector<128xi32> to vector<128x1xi32>
    %eq3A_740 = vector.broadcast %broadcast_in_dim3A_739 : vector<128x1xi32> to vector<128x256xi32>
    %eq3A_741 = arith.cmpi eq, %iota3A_713, %eq3A_740 : vector<128x256xi32>
    %jit3A_742 = arith.constant 3.000000e+38 : f32
    %broadcast_in_dim3A_743 = vector.broadcast %jit3A_742 : f32 to vector<128x256xf32>
    %select_n3A_744 = arith.select %eq3A_741, %broadcast_in_dim3A_743, %select_n3A_728 : vector<128x256xi1>, vector<128x256xf32>
    %reduce_min3A_745 = arith.constant dense<0x7F800000> : vector<128xf32>
    %reduce_min3A_746 = vector.multi_reduction <minimumf>, %select_n3A_744, %reduce_min3A_745 [1] : vector<128x256xf32> to vector<128xf32>
    %broadcast_in_dim3A_747 = vector.shape_cast %reduce_min3A_746 : vector<128xf32> to vector<128x1xf32>
    %eq3A_748 = vector.broadcast %broadcast_in_dim3A_747 : vector<128x1xf32> to vector<128x256xf32>
    %eq3A_749 = arith.cmpf oeq, %select_n3A_744, %eq3A_748 : vector<128x256xf32>
    %jit3A_750 = arith.constant 256 : i32
    %broadcast_in_dim3A_751 = vector.broadcast %jit3A_750 : i32 to vector<128x256xi32>
    %select_n3A_752 = arith.select %eq3A_749, %iota3A_713, %broadcast_in_dim3A_751 : vector<128x256xi1>, vector<128x256xi32>
    %reduce_min3A_753 = arith.constant dense<2147483647> : vector<128xi32>
    %reduce_min3A_754 = vector.multi_reduction <minsi>, %select_n3A_752, %reduce_min3A_753 [1] : vector<128x256xi32> to vector<128xi32>
    %broadcast_in_dim3A_755 = vector.shape_cast %reduce_min3A_754 : vector<128xi32> to vector<128x1xi32>
    %eq3A_756 = vector.broadcast %broadcast_in_dim3A_755 : vector<128x1xi32> to vector<128x256xi32>
    %eq3A_757 = arith.cmpi eq, %iota3A_713, %eq3A_756 : vector<128x256xi32>
    %jit3A_758 = arith.constant 3.000000e+38 : f32
    %broadcast_in_dim3A_759 = vector.broadcast %jit3A_758 : f32 to vector<128x256xf32>
    %select_n3A_760 = arith.select %eq3A_757, %broadcast_in_dim3A_759, %select_n3A_744 : vector<128x256xi1>, vector<128x256xf32>
    %reduce_min3A_761 = arith.constant dense<0x7F800000> : vector<128xf32>
    %reduce_min3A_762 = vector.multi_reduction <minimumf>, %select_n3A_760, %reduce_min3A_761 [1] : vector<128x256xf32> to vector<128xf32>
    %broadcast_in_dim3A_763 = vector.shape_cast %reduce_min3A_762 : vector<128xf32> to vector<128x1xf32>
    %eq3A_764 = vector.broadcast %broadcast_in_dim3A_763 : vector<128x1xf32> to vector<128x256xf32>
    %eq3A_765 = arith.cmpf oeq, %select_n3A_760, %eq3A_764 : vector<128x256xf32>
    %jit3A_766 = arith.constant 256 : i32
    %broadcast_in_dim3A_767 = vector.broadcast %jit3A_766 : i32 to vector<128x256xi32>
    %select_n3A_768 = arith.select %eq3A_765, %iota3A_713, %broadcast_in_dim3A_767 : vector<128x256xi1>, vector<128x256xi32>
    %reduce_min3A_769 = arith.constant dense<2147483647> : vector<128xi32>
    %reduce_min3A_770 = vector.multi_reduction <minsi>, %select_n3A_768, %reduce_min3A_769 [1] : vector<128x256xi32> to vector<128xi32>
    %broadcast_in_dim3A_771 = vector.shape_cast %reduce_min3A_770 : vector<128xi32> to vector<128x1xi32>
    %eq3A_772 = vector.broadcast %broadcast_in_dim3A_771 : vector<128x1xi32> to vector<128x256xi32>
    %eq3A_773 = arith.cmpi eq, %iota3A_713, %eq3A_772 : vector<128x256xi32>
    %jit3A_774 = arith.constant 3.000000e+38 : f32
    %broadcast_in_dim3A_775 = vector.broadcast %jit3A_774 : f32 to vector<128x256xf32>
    %select_n3A_776 = arith.select %eq3A_773, %broadcast_in_dim3A_775, %select_n3A_760 : vector<128x256xi1>, vector<128x256xf32>
    %reduce_min3A_777 = arith.constant dense<0x7F800000> : vector<128xf32>
    %reduce_min3A_778 = vector.multi_reduction <minimumf>, %select_n3A_776, %reduce_min3A_777 [1] : vector<128x256xf32> to vector<128xf32>
    %broadcast_in_dim3A_779 = vector.shape_cast %reduce_min3A_778 : vector<128xf32> to vector<128x1xf32>
    %eq3A_780 = vector.broadcast %broadcast_in_dim3A_779 : vector<128x1xf32> to vector<128x256xf32>
    %eq3A_781 = arith.cmpf oeq, %select_n3A_776, %eq3A_780 : vector<128x256xf32>
    %jit3A_782 = arith.constant 256 : i32
    %broadcast_in_dim3A_783 = vector.broadcast %jit3A_782 : i32 to vector<128x256xi32>
    %select_n3A_784 = arith.select %eq3A_781, %iota3A_713, %broadcast_in_dim3A_783 : vector<128x256xi1>, vector<128x256xi32>
    %reduce_min3A_785 = arith.constant dense<2147483647> : vector<128xi32>
    %reduce_min3A_786 = vector.multi_reduction <minsi>, %select_n3A_784, %reduce_min3A_785 [1] : vector<128x256xi32> to vector<128xi32>
    %broadcast_in_dim3A_787 = vector.shape_cast %reduce_min3A_786 : vector<128xi32> to vector<128x1xi32>
    %eq3A_788 = vector.broadcast %broadcast_in_dim3A_787 : vector<128x1xi32> to vector<128x256xi32>
    %eq3A_789 = arith.cmpi eq, %iota3A_713, %eq3A_788 : vector<128x256xi32>
    %jit3A_790 = arith.constant 3.000000e+38 : f32
    %broadcast_in_dim3A_791 = vector.broadcast %jit3A_790 : f32 to vector<128x256xf32>
    %select_n3A_792 = arith.select %eq3A_789, %broadcast_in_dim3A_791, %select_n3A_776 : vector<128x256xi1>, vector<128x256xf32>
    %reduce_min3A_793 = arith.constant dense<0x7F800000> : vector<128xf32>
    %reduce_min3A_794 = vector.multi_reduction <minimumf>, %select_n3A_792, %reduce_min3A_793 [1] : vector<128x256xf32> to vector<128xf32>
    %broadcast_in_dim3A_795 = vector.shape_cast %reduce_min3A_794 : vector<128xf32> to vector<128x1xf32>
    %eq3A_796 = vector.broadcast %broadcast_in_dim3A_795 : vector<128x1xf32> to vector<128x256xf32>
    %eq3A_797 = arith.cmpf oeq, %select_n3A_792, %eq3A_796 : vector<128x256xf32>
    %jit3A_798 = arith.constant 256 : i32
    %broadcast_in_dim3A_799 = vector.broadcast %jit3A_798 : i32 to vector<128x256xi32>
    %select_n3A_800 = arith.select %eq3A_797, %iota3A_713, %broadcast_in_dim3A_799 : vector<128x256xi1>, vector<128x256xi32>
    %reduce_min3A_801 = arith.constant dense<2147483647> : vector<128xi32>
    %reduce_min3A_802 = vector.multi_reduction <minsi>, %select_n3A_800, %reduce_min3A_801 [1] : vector<128x256xi32> to vector<128xi32>
    %broadcast_in_dim3A_803 = vector.shape_cast %reduce_min3A_802 : vector<128xi32> to vector<128x1xi32>
    %eq3A_804 = vector.broadcast %broadcast_in_dim3A_803 : vector<128x1xi32> to vector<128x256xi32>
    %eq3A_805 = arith.cmpi eq, %iota3A_713, %eq3A_804 : vector<128x256xi32>
    %jit3A_806 = arith.constant 3.000000e+38 : f32
    %broadcast_in_dim3A_807 = vector.broadcast %jit3A_806 : f32 to vector<128x256xf32>
    %select_n3A_808 = arith.select %eq3A_805, %broadcast_in_dim3A_807, %select_n3A_792 : vector<128x256xi1>, vector<128x256xf32>
    %reduce_min3A_809 = arith.constant dense<0x7F800000> : vector<128xf32>
    %reduce_min3A_810 = vector.multi_reduction <minimumf>, %select_n3A_808, %reduce_min3A_809 [1] : vector<128x256xf32> to vector<128xf32>
    %broadcast_in_dim3A_811 = vector.shape_cast %reduce_min3A_810 : vector<128xf32> to vector<128x1xf32>
    %eq3A_812 = vector.broadcast %broadcast_in_dim3A_811 : vector<128x1xf32> to vector<128x256xf32>
    %eq3A_813 = arith.cmpf oeq, %select_n3A_808, %eq3A_812 : vector<128x256xf32>
    %jit3A_814 = arith.constant 256 : i32
    %broadcast_in_dim3A_815 = vector.broadcast %jit3A_814 : i32 to vector<128x256xi32>
    %select_n3A_816 = arith.select %eq3A_813, %iota3A_713, %broadcast_in_dim3A_815 : vector<128x256xi1>, vector<128x256xi32>
    %reduce_min3A_817 = arith.constant dense<2147483647> : vector<128xi32>
    %reduce_min3A_818 = vector.multi_reduction <minsi>, %select_n3A_816, %reduce_min3A_817 [1] : vector<128x256xi32> to vector<128xi32>
    %broadcast_in_dim3A_819 = vector.shape_cast %reduce_min3A_818 : vector<128xi32> to vector<128x1xi32>
    %eq3A_820 = vector.broadcast %broadcast_in_dim3A_819 : vector<128x1xi32> to vector<128x256xi32>
    %eq3A_821 = arith.cmpi eq, %iota3A_713, %eq3A_820 : vector<128x256xi32>
    %jit3A_822 = arith.constant 3.000000e+38 : f32
    %broadcast_in_dim3A_823 = vector.broadcast %jit3A_822 : f32 to vector<128x256xf32>
    %select_n3A_824 = arith.select %eq3A_821, %broadcast_in_dim3A_823, %select_n3A_808 : vector<128x256xi1>, vector<128x256xf32>
    %reduce_min3A_825 = arith.constant dense<0x7F800000> : vector<128xf32>
    %reduce_min3A_826 = vector.multi_reduction <minimumf>, %select_n3A_824, %reduce_min3A_825 [1] : vector<128x256xf32> to vector<128xf32>
    %broadcast_in_dim3A_827 = vector.shape_cast %reduce_min3A_826 : vector<128xf32> to vector<128x1xf32>
    %eq3A_828 = vector.broadcast %broadcast_in_dim3A_827 : vector<128x1xf32> to vector<128x256xf32>
    %eq3A_829 = arith.cmpf oeq, %select_n3A_824, %eq3A_828 : vector<128x256xf32>
    %jit3A_830 = arith.constant 256 : i32
    %broadcast_in_dim3A_831 = vector.broadcast %jit3A_830 : i32 to vector<128x256xi32>
    %select_n3A_832 = arith.select %eq3A_829, %iota3A_713, %broadcast_in_dim3A_831 : vector<128x256xi1>, vector<128x256xi32>
    %reduce_min3A_833 = arith.constant dense<2147483647> : vector<128xi32>
    %reduce_min3A_834 = vector.multi_reduction <minsi>, %select_n3A_832, %reduce_min3A_833 [1] : vector<128x256xi32> to vector<128xi32>
    %broadcast_in_dim3A_835 = vector.shape_cast %reduce_min3A_834 : vector<128xi32> to vector<128x1xi32>
    %eq3A_836 = vector.broadcast %broadcast_in_dim3A_835 : vector<128x1xi32> to vector<128x256xi32>
    %eq3A_837 = arith.cmpi eq, %iota3A_713, %eq3A_836 : vector<128x256xi32>
    %jit3A_838 = arith.constant 3.000000e+38 : f32
    %broadcast_in_dim3A_839 = vector.broadcast %jit3A_838 : f32 to vector<128x256xf32>
    %select_n3A_840 = arith.select %eq3A_837, %broadcast_in_dim3A_839, %select_n3A_824 : vector<128x256xi1>, vector<128x256xf32>
    %reduce_min3A_841 = arith.constant dense<0x7F800000> : vector<128xf32>
    %reduce_min3A_842 = vector.multi_reduction <minimumf>, %select_n3A_840, %reduce_min3A_841 [1] : vector<128x256xf32> to vector<128xf32>
    %broadcast_in_dim3A_843 = vector.shape_cast %reduce_min3A_842 : vector<128xf32> to vector<128x1xf32>
    %eq3A_844 = vector.broadcast %broadcast_in_dim3A_843 : vector<128x1xf32> to vector<128x256xf32>
    %eq3A_845 = arith.cmpf oeq, %select_n3A_840, %eq3A_844 : vector<128x256xf32>
    %jit3A_846 = arith.constant 256 : i32
    %broadcast_in_dim3A_847 = vector.broadcast %jit3A_846 : i32 to vector<128x256xi32>
    %select_n3A_848 = arith.select %eq3A_845, %iota3A_713, %broadcast_in_dim3A_847 : vector<128x256xi1>, vector<128x256xi32>
    %reduce_min3A_849 = arith.constant dense<2147483647> : vector<128xi32>
    %reduce_min3A_850 = vector.multi_reduction <minsi>, %select_n3A_848, %reduce_min3A_849 [1] : vector<128x256xi32> to vector<128xi32>
    %broadcast_in_dim3A_851 = vector.shape_cast %reduce_min3A_850 : vector<128xi32> to vector<128x1xi32>
    %eq3A_852 = vector.broadcast %broadcast_in_dim3A_851 : vector<128x1xi32> to vector<128x256xi32>
    %eq3A_853 = arith.cmpi eq, %iota3A_713, %eq3A_852 : vector<128x256xi32>
    %jit3A_854 = arith.constant 3.000000e+38 : f32
    %broadcast_in_dim3A_855 = vector.broadcast %jit3A_854 : f32 to vector<128x256xf32>
    %select_n3A_856 = arith.select %eq3A_853, %broadcast_in_dim3A_855, %select_n3A_840 : vector<128x256xi1>, vector<128x256xf32>
    %reduce_min3A_857 = arith.constant dense<0x7F800000> : vector<128xf32>
    %reduce_min3A_858 = vector.multi_reduction <minimumf>, %select_n3A_856, %reduce_min3A_857 [1] : vector<128x256xf32> to vector<128xf32>
    %broadcast_in_dim3A_859 = vector.shape_cast %reduce_min3A_858 : vector<128xf32> to vector<128x1xf32>
    %eq3A_860 = vector.broadcast %broadcast_in_dim3A_859 : vector<128x1xf32> to vector<128x256xf32>
    %eq3A_861 = arith.cmpf oeq, %select_n3A_856, %eq3A_860 : vector<128x256xf32>
    %jit3A_862 = arith.constant 256 : i32
    %broadcast_in_dim3A_863 = vector.broadcast %jit3A_862 : i32 to vector<128x256xi32>
    %select_n3A_864 = arith.select %eq3A_861, %iota3A_713, %broadcast_in_dim3A_863 : vector<128x256xi1>, vector<128x256xi32>
    %reduce_min3A_865 = arith.constant dense<2147483647> : vector<128xi32>
    %reduce_min3A_866 = vector.multi_reduction <minsi>, %select_n3A_864, %reduce_min3A_865 [1] : vector<128x256xi32> to vector<128xi32>
    %broadcast_in_dim3A_867 = vector.shape_cast %reduce_min3A_866 : vector<128xi32> to vector<128x1xi32>
    %eq3A_868 = vector.broadcast %broadcast_in_dim3A_867 : vector<128x1xi32> to vector<128x256xi32>
    %eq3A_869 = arith.cmpi eq, %iota3A_713, %eq3A_868 : vector<128x256xi32>
    %jit3A_870 = arith.constant 3.000000e+38 : f32
    %broadcast_in_dim3A_871 = vector.broadcast %jit3A_870 : f32 to vector<128x256xf32>
    %select_n3A_872 = arith.select %eq3A_869, %broadcast_in_dim3A_871, %select_n3A_856 : vector<128x256xi1>, vector<128x256xf32>
    %reduce_min3A_873 = arith.constant dense<0x7F800000> : vector<128xf32>
    %reduce_min3A_874 = vector.multi_reduction <minimumf>, %select_n3A_872, %reduce_min3A_873 [1] : vector<128x256xf32> to vector<128xf32>
    %broadcast_in_dim3A_875 = vector.shape_cast %reduce_min3A_874 : vector<128xf32> to vector<128x1xf32>
    %eq3A_876 = vector.broadcast %broadcast_in_dim3A_875 : vector<128x1xf32> to vector<128x256xf32>
    %eq3A_877 = arith.cmpf oeq, %select_n3A_872, %eq3A_876 : vector<128x256xf32>
    %jit3A_878 = arith.constant 256 : i32
    %broadcast_in_dim3A_879 = vector.broadcast %jit3A_878 : i32 to vector<128x256xi32>
    %select_n3A_880 = arith.select %eq3A_877, %iota3A_713, %broadcast_in_dim3A_879 : vector<128x256xi1>, vector<128x256xi32>
    %reduce_min3A_881 = arith.constant dense<2147483647> : vector<128xi32>
    %reduce_min3A_882 = vector.multi_reduction <minsi>, %select_n3A_880, %reduce_min3A_881 [1] : vector<128x256xi32> to vector<128xi32>
    %broadcast_in_dim3A_883 = vector.shape_cast %reduce_min3A_882 : vector<128xi32> to vector<128x1xi32>
    %eq3A_884 = vector.broadcast %broadcast_in_dim3A_883 : vector<128x1xi32> to vector<128x256xi32>
    %eq3A_885 = arith.cmpi eq, %iota3A_713, %eq3A_884 : vector<128x256xi32>
    %jit3A_886 = arith.constant 3.000000e+38 : f32
    %broadcast_in_dim3A_887 = vector.broadcast %jit3A_886 : f32 to vector<128x256xf32>
    %select_n3A_888 = arith.select %eq3A_885, %broadcast_in_dim3A_887, %select_n3A_872 : vector<128x256xi1>, vector<128x256xf32>
    %reduce_min3A_889 = arith.constant dense<0x7F800000> : vector<128xf32>
    %reduce_min3A_890 = vector.multi_reduction <minimumf>, %select_n3A_888, %reduce_min3A_889 [1] : vector<128x256xf32> to vector<128xf32>
    %broadcast_in_dim3A_891 = vector.shape_cast %reduce_min3A_890 : vector<128xf32> to vector<128x1xf32>
    %eq3A_892 = vector.broadcast %broadcast_in_dim3A_891 : vector<128x1xf32> to vector<128x256xf32>
    %eq3A_893 = arith.cmpf oeq, %select_n3A_888, %eq3A_892 : vector<128x256xf32>
    %jit3A_894 = arith.constant 256 : i32
    %broadcast_in_dim3A_895 = vector.broadcast %jit3A_894 : i32 to vector<128x256xi32>
    %select_n3A_896 = arith.select %eq3A_893, %iota3A_713, %broadcast_in_dim3A_895 : vector<128x256xi1>, vector<128x256xi32>
    %reduce_min3A_897 = arith.constant dense<2147483647> : vector<128xi32>
    %reduce_min3A_898 = vector.multi_reduction <minsi>, %select_n3A_896, %reduce_min3A_897 [1] : vector<128x256xi32> to vector<128xi32>
    %broadcast_in_dim3A_899 = vector.shape_cast %reduce_min3A_898 : vector<128xi32> to vector<128x1xi32>
    %eq3A_900 = vector.broadcast %broadcast_in_dim3A_899 : vector<128x1xi32> to vector<128x256xi32>
    %eq3A_901 = arith.cmpi eq, %iota3A_713, %eq3A_900 : vector<128x256xi32>
    %jit3A_902 = arith.constant 3.000000e+38 : f32
    %broadcast_in_dim3A_903 = vector.broadcast %jit3A_902 : f32 to vector<128x256xf32>
    %select_n3A_904 = arith.select %eq3A_901, %broadcast_in_dim3A_903, %select_n3A_888 : vector<128x256xi1>, vector<128x256xf32>
    %reduce_min3A_905 = arith.constant dense<0x7F800000> : vector<128xf32>
    %reduce_min3A_906 = vector.multi_reduction <minimumf>, %select_n3A_904, %reduce_min3A_905 [1] : vector<128x256xf32> to vector<128xf32>
    %broadcast_in_dim3A_907 = vector.shape_cast %reduce_min3A_906 : vector<128xf32> to vector<128x1xf32>
    %eq3A_908 = vector.broadcast %broadcast_in_dim3A_907 : vector<128x1xf32> to vector<128x256xf32>
    %eq3A_909 = arith.cmpf oeq, %select_n3A_904, %eq3A_908 : vector<128x256xf32>
    %jit3A_910 = arith.constant 256 : i32
    %broadcast_in_dim3A_911 = vector.broadcast %jit3A_910 : i32 to vector<128x256xi32>
    %select_n3A_912 = arith.select %eq3A_909, %iota3A_713, %broadcast_in_dim3A_911 : vector<128x256xi1>, vector<128x256xi32>
    %reduce_min3A_913 = arith.constant dense<2147483647> : vector<128xi32>
    %reduce_min3A_914 = vector.multi_reduction <minsi>, %select_n3A_912, %reduce_min3A_913 [1] : vector<128x256xi32> to vector<128xi32>
    %broadcast_in_dim3A_915 = vector.shape_cast %reduce_min3A_914 : vector<128xi32> to vector<128x1xi32>
    %eq3A_916 = vector.broadcast %broadcast_in_dim3A_915 : vector<128x1xi32> to vector<128x256xi32>
    %eq3A_917 = arith.cmpi eq, %iota3A_713, %eq3A_916 : vector<128x256xi32>
    %jit3A_918 = arith.constant 3.000000e+38 : f32
    %broadcast_in_dim3A_919 = vector.broadcast %jit3A_918 : f32 to vector<128x256xf32>
    %select_n3A_920 = arith.select %eq3A_917, %broadcast_in_dim3A_919, %select_n3A_904 : vector<128x256xi1>, vector<128x256xf32>
    %reduce_min3A_921 = arith.constant dense<0x7F800000> : vector<128xf32>
    %reduce_min3A_922 = vector.multi_reduction <minimumf>, %select_n3A_920, %reduce_min3A_921 [1] : vector<128x256xf32> to vector<128xf32>
    %broadcast_in_dim3A_923 = vector.shape_cast %reduce_min3A_922 : vector<128xf32> to vector<128x1xf32>
    %eq3A_924 = vector.broadcast %broadcast_in_dim3A_923 : vector<128x1xf32> to vector<128x256xf32>
    %eq3A_925 = arith.cmpf oeq, %select_n3A_920, %eq3A_924 : vector<128x256xf32>
    %jit3A_926 = arith.constant 256 : i32
    %broadcast_in_dim3A_927 = vector.broadcast %jit3A_926 : i32 to vector<128x256xi32>
    %select_n3A_928 = arith.select %eq3A_925, %iota3A_713, %broadcast_in_dim3A_927 : vector<128x256xi1>, vector<128x256xi32>
    %reduce_min3A_929 = arith.constant dense<2147483647> : vector<128xi32>
    %reduce_min3A_930 = vector.multi_reduction <minsi>, %select_n3A_928, %reduce_min3A_929 [1] : vector<128x256xi32> to vector<128xi32>
    %broadcast_in_dim3A_931 = vector.shape_cast %reduce_min3A_930 : vector<128xi32> to vector<128x1xi32>
    %eq3A_932 = vector.broadcast %broadcast_in_dim3A_931 : vector<128x1xi32> to vector<128x256xi32>
    %eq3A_933 = arith.cmpi eq, %iota3A_713, %eq3A_932 : vector<128x256xi32>
    %jit3A_934 = arith.constant 3.000000e+38 : f32
    %broadcast_in_dim3A_935 = vector.broadcast %jit3A_934 : f32 to vector<128x256xf32>
    %select_n3A_936 = arith.select %eq3A_933, %broadcast_in_dim3A_935, %select_n3A_920 : vector<128x256xi1>, vector<128x256xf32>
    %reduce_min3A_937 = arith.constant dense<0x7F800000> : vector<128xf32>
    %reduce_min3A_938 = vector.multi_reduction <minimumf>, %select_n3A_936, %reduce_min3A_937 [1] : vector<128x256xf32> to vector<128xf32>
    %broadcast_in_dim3A_939 = vector.shape_cast %reduce_min3A_938 : vector<128xf32> to vector<128x1xf32>
    %eq3A_940 = vector.broadcast %broadcast_in_dim3A_939 : vector<128x1xf32> to vector<128x256xf32>
    %eq3A_941 = arith.cmpf oeq, %select_n3A_936, %eq3A_940 : vector<128x256xf32>
    %jit3A_942 = arith.constant 256 : i32
    %broadcast_in_dim3A_943 = vector.broadcast %jit3A_942 : i32 to vector<128x256xi32>
    %select_n3A_944 = arith.select %eq3A_941, %iota3A_713, %broadcast_in_dim3A_943 : vector<128x256xi1>, vector<128x256xi32>
    %reduce_min3A_945 = arith.constant dense<2147483647> : vector<128xi32>
    %reduce_min3A_946 = vector.multi_reduction <minsi>, %select_n3A_944, %reduce_min3A_945 [1] : vector<128x256xi32> to vector<128xi32>
    %broadcast_in_dim3A_947 = vector.shape_cast %reduce_min3A_946 : vector<128xi32> to vector<128x1xi32>
    %eq3A_948 = vector.broadcast %broadcast_in_dim3A_947 : vector<128x1xi32> to vector<128x256xi32>
    %eq3A_949 = arith.cmpi eq, %iota3A_713, %eq3A_948 : vector<128x256xi32>
    %jit3A_950 = arith.constant 3.000000e+38 : f32
    %broadcast_in_dim3A_951 = vector.broadcast %jit3A_950 : f32 to vector<128x256xf32>
    %select_n3A_952 = arith.select %eq3A_949, %broadcast_in_dim3A_951, %select_n3A_936 : vector<128x256xi1>, vector<128x256xf32>
    %reduce_min3A_953 = arith.constant dense<0x7F800000> : vector<128xf32>
    %reduce_min3A_954 = vector.multi_reduction <minimumf>, %select_n3A_952, %reduce_min3A_953 [1] : vector<128x256xf32> to vector<128xf32>
    %broadcast_in_dim3A_955 = vector.shape_cast %reduce_min3A_954 : vector<128xf32> to vector<128x1xf32>
    %eq3A_956 = vector.broadcast %broadcast_in_dim3A_955 : vector<128x1xf32> to vector<128x256xf32>
    %eq3A_957 = arith.cmpf oeq, %select_n3A_952, %eq3A_956 : vector<128x256xf32>
    %jit3A_958 = arith.constant 256 : i32
    %broadcast_in_dim3A_959 = vector.broadcast %jit3A_958 : i32 to vector<128x256xi32>
    %select_n3A_960 = arith.select %eq3A_957, %iota3A_713, %broadcast_in_dim3A_959 : vector<128x256xi1>, vector<128x256xi32>
    %reduce_min3A_961 = arith.constant dense<2147483647> : vector<128xi32>
    %reduce_min3A_962 = vector.multi_reduction <minsi>, %select_n3A_960, %reduce_min3A_961 [1] : vector<128x256xi32> to vector<128xi32>
    %broadcast_in_dim3A_963 = vector.shape_cast %reduce_min3A_962 : vector<128xi32> to vector<128x1xi32>
    %eq3A_964 = vector.broadcast %broadcast_in_dim3A_963 : vector<128x1xi32> to vector<128x256xi32>
    %eq3A_965 = arith.cmpi eq, %iota3A_713, %eq3A_964 : vector<128x256xi32>
    %jit3A_966 = arith.constant 3.000000e+38 : f32
    %broadcast_in_dim3A_967 = vector.broadcast %jit3A_966 : f32 to vector<128x256xf32>
    %select_n3A_968 = arith.select %eq3A_965, %broadcast_in_dim3A_967, %select_n3A_952 : vector<128x256xi1>, vector<128x256xf32>
    %reduce_min3A_969 = arith.constant dense<0x7F800000> : vector<128xf32>
    %reduce_min3A_970 = vector.multi_reduction <minimumf>, %select_n3A_968, %reduce_min3A_969 [1] : vector<128x256xf32> to vector<128xf32>
    %broadcast_in_dim3A_971 = vector.shape_cast %reduce_min3A_970 : vector<128xf32> to vector<128x1xf32>
    %eq3A_972 = vector.broadcast %broadcast_in_dim3A_971 : vector<128x1xf32> to vector<128x256xf32>
    %eq3A_973 = arith.cmpf oeq, %select_n3A_968, %eq3A_972 : vector<128x256xf32>
    %jit3A_974 = arith.constant 256 : i32
    %broadcast_in_dim3A_975 = vector.broadcast %jit3A_974 : i32 to vector<128x256xi32>
    %select_n3A_976 = arith.select %eq3A_973, %iota3A_713, %broadcast_in_dim3A_975 : vector<128x256xi1>, vector<128x256xi32>
    %reduce_min3A_977 = arith.constant dense<2147483647> : vector<128xi32>
    %reduce_min3A_978 = vector.multi_reduction <minsi>, %select_n3A_976, %reduce_min3A_977 [1] : vector<128x256xi32> to vector<128xi32>
    %broadcast_in_dim3A_979 = vector.shape_cast %reduce_min3A_978 : vector<128xi32> to vector<128x1xi32>
    %eq3A_980 = vector.broadcast %broadcast_in_dim3A_979 : vector<128x1xi32> to vector<128x256xi32>
    %eq3A_981 = arith.cmpi eq, %iota3A_713, %eq3A_980 : vector<128x256xi32>
    %jit3A_982 = arith.constant 3.000000e+38 : f32
    %broadcast_in_dim3A_983 = vector.broadcast %jit3A_982 : f32 to vector<128x256xf32>
    %select_n3A_984 = arith.select %eq3A_981, %broadcast_in_dim3A_983, %select_n3A_968 : vector<128x256xi1>, vector<128x256xf32>
    %reduce_min3A_985 = arith.constant dense<0x7F800000> : vector<128xf32>
    %reduce_min3A_986 = vector.multi_reduction <minimumf>, %select_n3A_984, %reduce_min3A_985 [1] : vector<128x256xf32> to vector<128xf32>
    %broadcast_in_dim3A_987 = vector.shape_cast %reduce_min3A_986 : vector<128xf32> to vector<128x1xf32>
    %eq3A_988 = vector.broadcast %broadcast_in_dim3A_987 : vector<128x1xf32> to vector<128x256xf32>
    %eq3A_989 = arith.cmpf oeq, %select_n3A_984, %eq3A_988 : vector<128x256xf32>
    %jit3A_990 = arith.constant 256 : i32
    %broadcast_in_dim3A_991 = vector.broadcast %jit3A_990 : i32 to vector<128x256xi32>
    %select_n3A_992 = arith.select %eq3A_989, %iota3A_713, %broadcast_in_dim3A_991 : vector<128x256xi1>, vector<128x256xi32>
    %reduce_min3A_993 = arith.constant dense<2147483647> : vector<128xi32>
    %reduce_min3A_994 = vector.multi_reduction <minsi>, %select_n3A_992, %reduce_min3A_993 [1] : vector<128x256xi32> to vector<128xi32>
    %broadcast_in_dim3A_995 = vector.shape_cast %reduce_min3A_994 : vector<128xi32> to vector<128x1xi32>
    %eq3A_996 = vector.broadcast %broadcast_in_dim3A_995 : vector<128x1xi32> to vector<128x256xi32>
    %eq3A_997 = arith.cmpi eq, %iota3A_713, %eq3A_996 : vector<128x256xi32>
    %jit3A_998 = arith.constant 3.000000e+38 : f32
    %broadcast_in_dim3A_999 = vector.broadcast %jit3A_998 : f32 to vector<128x256xf32>
    %select_n3A_1000 = arith.select %eq3A_997, %broadcast_in_dim3A_999, %select_n3A_984 : vector<128x256xi1>, vector<128x256xf32>
    %reduce_min3A_1001 = arith.constant dense<0x7F800000> : vector<128xf32>
    %reduce_min3A_1002 = vector.multi_reduction <minimumf>, %select_n3A_1000, %reduce_min3A_1001 [1] : vector<128x256xf32> to vector<128xf32>
    %broadcast_in_dim3A_1003 = vector.shape_cast %reduce_min3A_1002 : vector<128xf32> to vector<128x1xf32>
    %eq3A_1004 = vector.broadcast %broadcast_in_dim3A_1003 : vector<128x1xf32> to vector<128x256xf32>
    %eq3A_1005 = arith.cmpf oeq, %select_n3A_1000, %eq3A_1004 : vector<128x256xf32>
    %jit3A_1006 = arith.constant 256 : i32
    %broadcast_in_dim3A_1007 = vector.broadcast %jit3A_1006 : i32 to vector<128x256xi32>
    %select_n3A_1008 = arith.select %eq3A_1005, %iota3A_713, %broadcast_in_dim3A_1007 : vector<128x256xi1>, vector<128x256xi32>
    %reduce_min3A_1009 = arith.constant dense<2147483647> : vector<128xi32>
    %reduce_min3A_1010 = vector.multi_reduction <minsi>, %select_n3A_1008, %reduce_min3A_1009 [1] : vector<128x256xi32> to vector<128xi32>
    %broadcast_in_dim3A_1011 = vector.shape_cast %reduce_min3A_1010 : vector<128xi32> to vector<128x1xi32>
    %eq3A_1012 = vector.broadcast %broadcast_in_dim3A_1011 : vector<128x1xi32> to vector<128x256xi32>
    %eq3A_1013 = arith.cmpi eq, %iota3A_713, %eq3A_1012 : vector<128x256xi32>
    %jit3A_1014 = arith.constant 3.000000e+38 : f32
    %broadcast_in_dim3A_1015 = vector.broadcast %jit3A_1014 : f32 to vector<128x256xf32>
    %select_n3A_1016 = arith.select %eq3A_1013, %broadcast_in_dim3A_1015, %select_n3A_1000 : vector<128x256xi1>, vector<128x256xf32>
    %reduce_min3A_1017 = arith.constant dense<0x7F800000> : vector<128xf32>
    %reduce_min3A_1018 = vector.multi_reduction <minimumf>, %select_n3A_1016, %reduce_min3A_1017 [1] : vector<128x256xf32> to vector<128xf32>
    %broadcast_in_dim3A_1019 = vector.shape_cast %reduce_min3A_1018 : vector<128xf32> to vector<128x1xf32>
    %eq3A_1020 = vector.broadcast %broadcast_in_dim3A_1019 : vector<128x1xf32> to vector<128x256xf32>
    %eq3A_1021 = arith.cmpf oeq, %select_n3A_1016, %eq3A_1020 : vector<128x256xf32>
    %jit3A_1022 = arith.constant 256 : i32
    %broadcast_in_dim3A_1023 = vector.broadcast %jit3A_1022 : i32 to vector<128x256xi32>
    %select_n3A_1024 = arith.select %eq3A_1021, %iota3A_713, %broadcast_in_dim3A_1023 : vector<128x256xi1>, vector<128x256xi32>
    %reduce_min3A_1025 = arith.constant dense<2147483647> : vector<128xi32>
    %reduce_min3A_1026 = vector.multi_reduction <minsi>, %select_n3A_1024, %reduce_min3A_1025 [1] : vector<128x256xi32> to vector<128xi32>
    %broadcast_in_dim3A_1027 = vector.shape_cast %reduce_min3A_1026 : vector<128xi32> to vector<128x1xi32>
    %eq3A_1028 = vector.broadcast %broadcast_in_dim3A_1027 : vector<128x1xi32> to vector<128x256xi32>
    %eq3A_1029 = arith.cmpi eq, %iota3A_713, %eq3A_1028 : vector<128x256xi32>
    %jit3A_1030 = arith.constant 3.000000e+38 : f32
    %broadcast_in_dim3A_1031 = vector.broadcast %jit3A_1030 : f32 to vector<128x256xf32>
    %select_n3A_1032 = arith.select %eq3A_1029, %broadcast_in_dim3A_1031, %select_n3A_1016 : vector<128x256xi1>, vector<128x256xf32>
    %reduce_min3A_1033 = arith.constant dense<0x7F800000> : vector<128xf32>
    %reduce_min3A_1034 = vector.multi_reduction <minimumf>, %select_n3A_1032, %reduce_min3A_1033 [1] : vector<128x256xf32> to vector<128xf32>
    %broadcast_in_dim3A_1035 = vector.shape_cast %reduce_min3A_1034 : vector<128xf32> to vector<128x1xf32>
    %eq3A_1036 = vector.broadcast %broadcast_in_dim3A_1035 : vector<128x1xf32> to vector<128x256xf32>
    %eq3A_1037 = arith.cmpf oeq, %select_n3A_1032, %eq3A_1036 : vector<128x256xf32>
    %jit3A_1038 = arith.constant 256 : i32
    %broadcast_in_dim3A_1039 = vector.broadcast %jit3A_1038 : i32 to vector<128x256xi32>
    %select_n3A_1040 = arith.select %eq3A_1037, %iota3A_713, %broadcast_in_dim3A_1039 : vector<128x256xi1>, vector<128x256xi32>
    %reduce_min3A_1041 = arith.constant dense<2147483647> : vector<128xi32>
    %reduce_min3A_1042 = vector.multi_reduction <minsi>, %select_n3A_1040, %reduce_min3A_1041 [1] : vector<128x256xi32> to vector<128xi32>
    %broadcast_in_dim3A_1043 = vector.shape_cast %reduce_min3A_1042 : vector<128xi32> to vector<128x1xi32>
    %eq3A_1044 = vector.broadcast %broadcast_in_dim3A_1043 : vector<128x1xi32> to vector<128x256xi32>
    %eq3A_1045 = arith.cmpi eq, %iota3A_713, %eq3A_1044 : vector<128x256xi32>
    %jit3A_1046 = arith.constant 3.000000e+38 : f32
    %broadcast_in_dim3A_1047 = vector.broadcast %jit3A_1046 : f32 to vector<128x256xf32>
    %select_n3A_1048 = arith.select %eq3A_1045, %broadcast_in_dim3A_1047, %select_n3A_1032 : vector<128x256xi1>, vector<128x256xf32>
    %reduce_min3A_1049 = arith.constant dense<0x7F800000> : vector<128xf32>
    %reduce_min3A_1050 = vector.multi_reduction <minimumf>, %select_n3A_1048, %reduce_min3A_1049 [1] : vector<128x256xf32> to vector<128xf32>
    %broadcast_in_dim3A_1051 = vector.shape_cast %reduce_min3A_1050 : vector<128xf32> to vector<128x1xf32>
    %eq3A_1052 = vector.broadcast %broadcast_in_dim3A_1051 : vector<128x1xf32> to vector<128x256xf32>
    %eq3A_1053 = arith.cmpf oeq, %select_n3A_1048, %eq3A_1052 : vector<128x256xf32>
    %jit3A_1054 = arith.constant 256 : i32
    %broadcast_in_dim3A_1055 = vector.broadcast %jit3A_1054 : i32 to vector<128x256xi32>
    %select_n3A_1056 = arith.select %eq3A_1053, %iota3A_713, %broadcast_in_dim3A_1055 : vector<128x256xi1>, vector<128x256xi32>
    %reduce_min3A_1057 = arith.constant dense<2147483647> : vector<128xi32>
    %reduce_min3A_1058 = vector.multi_reduction <minsi>, %select_n3A_1056, %reduce_min3A_1057 [1] : vector<128x256xi32> to vector<128xi32>
    %broadcast_in_dim3A_1059 = vector.shape_cast %reduce_min3A_1058 : vector<128xi32> to vector<128x1xi32>
    %eq3A_1060 = vector.broadcast %broadcast_in_dim3A_1059 : vector<128x1xi32> to vector<128x256xi32>
    %eq3A_1061 = arith.cmpi eq, %iota3A_713, %eq3A_1060 : vector<128x256xi32>
    %jit3A_1062 = arith.constant 3.000000e+38 : f32
    %broadcast_in_dim3A_1063 = vector.broadcast %jit3A_1062 : f32 to vector<128x256xf32>
    %select_n3A_1064 = arith.select %eq3A_1061, %broadcast_in_dim3A_1063, %select_n3A_1048 : vector<128x256xi1>, vector<128x256xf32>
    %reduce_min3A_1065 = arith.constant dense<0x7F800000> : vector<128xf32>
    %reduce_min3A_1066 = vector.multi_reduction <minimumf>, %select_n3A_1064, %reduce_min3A_1065 [1] : vector<128x256xf32> to vector<128xf32>
    %broadcast_in_dim3A_1067 = vector.shape_cast %reduce_min3A_1066 : vector<128xf32> to vector<128x1xf32>
    %eq3A_1068 = vector.broadcast %broadcast_in_dim3A_1067 : vector<128x1xf32> to vector<128x256xf32>
    %eq3A_1069 = arith.cmpf oeq, %select_n3A_1064, %eq3A_1068 : vector<128x256xf32>
    %jit3A_1070 = arith.constant 256 : i32
    %broadcast_in_dim3A_1071 = vector.broadcast %jit3A_1070 : i32 to vector<128x256xi32>
    %select_n3A_1072 = arith.select %eq3A_1069, %iota3A_713, %broadcast_in_dim3A_1071 : vector<128x256xi1>, vector<128x256xi32>
    %reduce_min3A_1073 = arith.constant dense<2147483647> : vector<128xi32>
    %reduce_min3A_1074 = vector.multi_reduction <minsi>, %select_n3A_1072, %reduce_min3A_1073 [1] : vector<128x256xi32> to vector<128xi32>
    %broadcast_in_dim3A_1075 = vector.shape_cast %reduce_min3A_1074 : vector<128xi32> to vector<128x1xi32>
    %eq3A_1076 = vector.broadcast %broadcast_in_dim3A_1075 : vector<128x1xi32> to vector<128x256xi32>
    %eq3A_1077 = arith.cmpi eq, %iota3A_713, %eq3A_1076 : vector<128x256xi32>
    %jit3A_1078 = arith.constant 3.000000e+38 : f32
    %broadcast_in_dim3A_1079 = vector.broadcast %jit3A_1078 : f32 to vector<128x256xf32>
    %select_n3A_1080 = arith.select %eq3A_1077, %broadcast_in_dim3A_1079, %select_n3A_1064 : vector<128x256xi1>, vector<128x256xf32>
    %reduce_min3A_1081 = arith.constant dense<0x7F800000> : vector<128xf32>
    %reduce_min3A_1082 = vector.multi_reduction <minimumf>, %select_n3A_1080, %reduce_min3A_1081 [1] : vector<128x256xf32> to vector<128xf32>
    %broadcast_in_dim3A_1083 = vector.shape_cast %reduce_min3A_1082 : vector<128xf32> to vector<128x1xf32>
    %eq3A_1084 = vector.broadcast %broadcast_in_dim3A_1083 : vector<128x1xf32> to vector<128x256xf32>
    %eq3A_1085 = arith.cmpf oeq, %select_n3A_1080, %eq3A_1084 : vector<128x256xf32>
    %jit3A_1086 = arith.constant 256 : i32
    %broadcast_in_dim3A_1087 = vector.broadcast %jit3A_1086 : i32 to vector<128x256xi32>
    %select_n3A_1088 = arith.select %eq3A_1085, %iota3A_713, %broadcast_in_dim3A_1087 : vector<128x256xi1>, vector<128x256xi32>
    %reduce_min3A_1089 = arith.constant dense<2147483647> : vector<128xi32>
    %reduce_min3A_1090 = vector.multi_reduction <minsi>, %select_n3A_1088, %reduce_min3A_1089 [1] : vector<128x256xi32> to vector<128xi32>
    %broadcast_in_dim3A_1091 = vector.shape_cast %reduce_min3A_1090 : vector<128xi32> to vector<128x1xi32>
    %eq3A_1092 = vector.broadcast %broadcast_in_dim3A_1091 : vector<128x1xi32> to vector<128x256xi32>
    %eq3A_1093 = arith.cmpi eq, %iota3A_713, %eq3A_1092 : vector<128x256xi32>
    %jit3A_1094 = arith.constant 3.000000e+38 : f32
    %broadcast_in_dim3A_1095 = vector.broadcast %jit3A_1094 : f32 to vector<128x256xf32>
    %select_n3A_1096 = arith.select %eq3A_1093, %broadcast_in_dim3A_1095, %select_n3A_1080 : vector<128x256xi1>, vector<128x256xf32>
    %reduce_min3A_1097 = arith.constant dense<0x7F800000> : vector<128xf32>
    %reduce_min3A_1098 = vector.multi_reduction <minimumf>, %select_n3A_1096, %reduce_min3A_1097 [1] : vector<128x256xf32> to vector<128xf32>
    %broadcast_in_dim3A_1099 = vector.shape_cast %reduce_min3A_1098 : vector<128xf32> to vector<128x1xf32>
    %eq3A_1100 = vector.broadcast %broadcast_in_dim3A_1099 : vector<128x1xf32> to vector<128x256xf32>
    %eq3A_1101 = arith.cmpf oeq, %select_n3A_1096, %eq3A_1100 : vector<128x256xf32>
    %jit3A_1102 = arith.constant 256 : i32
    %broadcast_in_dim3A_1103 = vector.broadcast %jit3A_1102 : i32 to vector<128x256xi32>
    %select_n3A_1104 = arith.select %eq3A_1101, %iota3A_713, %broadcast_in_dim3A_1103 : vector<128x256xi1>, vector<128x256xi32>
    %reduce_min3A_1105 = arith.constant dense<2147483647> : vector<128xi32>
    %reduce_min3A_1106 = vector.multi_reduction <minsi>, %select_n3A_1104, %reduce_min3A_1105 [1] : vector<128x256xi32> to vector<128xi32>
    %broadcast_in_dim3A_1107 = vector.shape_cast %reduce_min3A_1106 : vector<128xi32> to vector<128x1xi32>
    %eq3A_1108 = vector.broadcast %broadcast_in_dim3A_1107 : vector<128x1xi32> to vector<128x256xi32>
    %eq3A_1109 = arith.cmpi eq, %iota3A_713, %eq3A_1108 : vector<128x256xi32>
    %jit3A_1110 = arith.constant 3.000000e+38 : f32
    %broadcast_in_dim3A_1111 = vector.broadcast %jit3A_1110 : f32 to vector<128x256xf32>
    %select_n3A_1112 = arith.select %eq3A_1109, %broadcast_in_dim3A_1111, %select_n3A_1096 : vector<128x256xi1>, vector<128x256xf32>
    %reduce_min3A_1113 = arith.constant dense<0x7F800000> : vector<128xf32>
    %reduce_min3A_1114 = vector.multi_reduction <minimumf>, %select_n3A_1112, %reduce_min3A_1113 [1] : vector<128x256xf32> to vector<128xf32>
    %broadcast_in_dim3A_1115 = vector.shape_cast %reduce_min3A_1114 : vector<128xf32> to vector<128x1xf32>
    %eq3A_1116 = vector.broadcast %broadcast_in_dim3A_1115 : vector<128x1xf32> to vector<128x256xf32>
    %eq3A_1117 = arith.cmpf oeq, %select_n3A_1112, %eq3A_1116 : vector<128x256xf32>
    %jit3A_1118 = arith.constant 256 : i32
    %broadcast_in_dim3A_1119 = vector.broadcast %jit3A_1118 : i32 to vector<128x256xi32>
    %select_n3A_1120 = arith.select %eq3A_1117, %iota3A_713, %broadcast_in_dim3A_1119 : vector<128x256xi1>, vector<128x256xi32>
    %reduce_min3A_1121 = arith.constant dense<2147483647> : vector<128xi32>
    %reduce_min3A_1122 = vector.multi_reduction <minsi>, %select_n3A_1120, %reduce_min3A_1121 [1] : vector<128x256xi32> to vector<128xi32>
    %broadcast_in_dim3A_1123 = vector.shape_cast %reduce_min3A_1122 : vector<128xi32> to vector<128x1xi32>
    %eq3A_1124 = vector.broadcast %broadcast_in_dim3A_1123 : vector<128x1xi32> to vector<128x256xi32>
    %eq3A_1125 = arith.cmpi eq, %iota3A_713, %eq3A_1124 : vector<128x256xi32>
    %jit3A_1126 = arith.constant 3.000000e+38 : f32
    %broadcast_in_dim3A_1127 = vector.broadcast %jit3A_1126 : f32 to vector<128x256xf32>
    %select_n3A_1128 = arith.select %eq3A_1125, %broadcast_in_dim3A_1127, %select_n3A_1112 : vector<128x256xi1>, vector<128x256xf32>
    %reduce_min3A_1129 = arith.constant dense<0x7F800000> : vector<128xf32>
    %reduce_min3A_1130 = vector.multi_reduction <minimumf>, %select_n3A_1128, %reduce_min3A_1129 [1] : vector<128x256xf32> to vector<128xf32>
    %broadcast_in_dim3A_1131 = vector.shape_cast %reduce_min3A_1130 : vector<128xf32> to vector<128x1xf32>
    %eq3A_1132 = vector.broadcast %broadcast_in_dim3A_1131 : vector<128x1xf32> to vector<128x256xf32>
    %eq3A_1133 = arith.cmpf oeq, %select_n3A_1128, %eq3A_1132 : vector<128x256xf32>
    %jit3A_1134 = arith.constant 256 : i32
    %broadcast_in_dim3A_1135 = vector.broadcast %jit3A_1134 : i32 to vector<128x256xi32>
    %select_n3A_1136 = arith.select %eq3A_1133, %iota3A_713, %broadcast_in_dim3A_1135 : vector<128x256xi1>, vector<128x256xi32>
    %reduce_min3A_1137 = arith.constant dense<2147483647> : vector<128xi32>
    %reduce_min3A_1138 = vector.multi_reduction <minsi>, %select_n3A_1136, %reduce_min3A_1137 [1] : vector<128x256xi32> to vector<128xi32>
    %broadcast_in_dim3A_1139 = vector.shape_cast %reduce_min3A_1138 : vector<128xi32> to vector<128x1xi32>
    %eq3A_1140 = vector.broadcast %broadcast_in_dim3A_1139 : vector<128x1xi32> to vector<128x256xi32>
    %eq3A_1141 = arith.cmpi eq, %iota3A_713, %eq3A_1140 : vector<128x256xi32>
    %jit3A_1142 = arith.constant 3.000000e+38 : f32
    %broadcast_in_dim3A_1143 = vector.broadcast %jit3A_1142 : f32 to vector<128x256xf32>
    %select_n3A_1144 = arith.select %eq3A_1141, %broadcast_in_dim3A_1143, %select_n3A_1128 : vector<128x256xi1>, vector<128x256xf32>
    %reduce_min3A_1145 = arith.constant dense<0x7F800000> : vector<128xf32>
    %reduce_min3A_1146 = vector.multi_reduction <minimumf>, %select_n3A_1144, %reduce_min3A_1145 [1] : vector<128x256xf32> to vector<128xf32>
    %broadcast_in_dim3A_1147 = vector.shape_cast %reduce_min3A_1146 : vector<128xf32> to vector<128x1xf32>
    %eq3A_1148 = vector.broadcast %broadcast_in_dim3A_1147 : vector<128x1xf32> to vector<128x256xf32>
    %eq3A_1149 = arith.cmpf oeq, %select_n3A_1144, %eq3A_1148 : vector<128x256xf32>
    %jit3A_1150 = arith.constant 256 : i32
    %broadcast_in_dim3A_1151 = vector.broadcast %jit3A_1150 : i32 to vector<128x256xi32>
    %select_n3A_1152 = arith.select %eq3A_1149, %iota3A_713, %broadcast_in_dim3A_1151 : vector<128x256xi1>, vector<128x256xi32>
    %reduce_min3A_1153 = arith.constant dense<2147483647> : vector<128xi32>
    %reduce_min3A_1154 = vector.multi_reduction <minsi>, %select_n3A_1152, %reduce_min3A_1153 [1] : vector<128x256xi32> to vector<128xi32>
    %broadcast_in_dim3A_1155 = vector.shape_cast %reduce_min3A_1154 : vector<128xi32> to vector<128x1xi32>
    %eq3A_1156 = vector.broadcast %broadcast_in_dim3A_1155 : vector<128x1xi32> to vector<128x256xi32>
    %eq3A_1157 = arith.cmpi eq, %iota3A_713, %eq3A_1156 : vector<128x256xi32>
    %jit3A_1158 = arith.constant 3.000000e+38 : f32
    %broadcast_in_dim3A_1159 = vector.broadcast %jit3A_1158 : f32 to vector<128x256xf32>
    %select_n3A_1160 = arith.select %eq3A_1157, %broadcast_in_dim3A_1159, %select_n3A_1144 : vector<128x256xi1>, vector<128x256xf32>
    %reduce_min3A_1161 = arith.constant dense<0x7F800000> : vector<128xf32>
    %reduce_min3A_1162 = vector.multi_reduction <minimumf>, %select_n3A_1160, %reduce_min3A_1161 [1] : vector<128x256xf32> to vector<128xf32>
    %broadcast_in_dim3A_1163 = vector.shape_cast %reduce_min3A_1162 : vector<128xf32> to vector<128x1xf32>
    %eq3A_1164 = vector.broadcast %broadcast_in_dim3A_1163 : vector<128x1xf32> to vector<128x256xf32>
    %eq3A_1165 = arith.cmpf oeq, %select_n3A_1160, %eq3A_1164 : vector<128x256xf32>
    %jit3A_1166 = arith.constant 256 : i32
    %broadcast_in_dim3A_1167 = vector.broadcast %jit3A_1166 : i32 to vector<128x256xi32>
    %select_n3A_1168 = arith.select %eq3A_1165, %iota3A_713, %broadcast_in_dim3A_1167 : vector<128x256xi1>, vector<128x256xi32>
    %reduce_min3A_1169 = arith.constant dense<2147483647> : vector<128xi32>
    %reduce_min3A_1170 = vector.multi_reduction <minsi>, %select_n3A_1168, %reduce_min3A_1169 [1] : vector<128x256xi32> to vector<128xi32>
    %broadcast_in_dim3A_1171 = vector.shape_cast %reduce_min3A_1170 : vector<128xi32> to vector<128x1xi32>
    %eq3A_1172 = vector.broadcast %broadcast_in_dim3A_1171 : vector<128x1xi32> to vector<128x256xi32>
    %eq3A_1173 = arith.cmpi eq, %iota3A_713, %eq3A_1172 : vector<128x256xi32>
    %jit3A_1174 = arith.constant 3.000000e+38 : f32
    %broadcast_in_dim3A_1175 = vector.broadcast %jit3A_1174 : f32 to vector<128x256xf32>
    %select_n3A_1176 = arith.select %eq3A_1173, %broadcast_in_dim3A_1175, %select_n3A_1160 : vector<128x256xi1>, vector<128x256xf32>
    %reduce_min3A_1177 = arith.constant dense<0x7F800000> : vector<128xf32>
    %reduce_min3A_1178 = vector.multi_reduction <minimumf>, %select_n3A_1176, %reduce_min3A_1177 [1] : vector<128x256xf32> to vector<128xf32>
    %broadcast_in_dim3A_1179 = vector.shape_cast %reduce_min3A_1178 : vector<128xf32> to vector<128x1xf32>
    %eq3A_1180 = vector.broadcast %broadcast_in_dim3A_1179 : vector<128x1xf32> to vector<128x256xf32>
    %eq3A_1181 = arith.cmpf oeq, %select_n3A_1176, %eq3A_1180 : vector<128x256xf32>
    %jit3A_1182 = arith.constant 256 : i32
    %broadcast_in_dim3A_1183 = vector.broadcast %jit3A_1182 : i32 to vector<128x256xi32>
    %select_n3A_1184 = arith.select %eq3A_1181, %iota3A_713, %broadcast_in_dim3A_1183 : vector<128x256xi1>, vector<128x256xi32>
    %reduce_min3A_1185 = arith.constant dense<2147483647> : vector<128xi32>
    %reduce_min3A_1186 = vector.multi_reduction <minsi>, %select_n3A_1184, %reduce_min3A_1185 [1] : vector<128x256xi32> to vector<128xi32>
    %broadcast_in_dim3A_1187 = vector.shape_cast %reduce_min3A_1186 : vector<128xi32> to vector<128x1xi32>
    %eq3A_1188 = vector.broadcast %broadcast_in_dim3A_1187 : vector<128x1xi32> to vector<128x256xi32>
    %eq3A_1189 = arith.cmpi eq, %iota3A_713, %eq3A_1188 : vector<128x256xi32>
    %jit3A_1190 = arith.constant 3.000000e+38 : f32
    %broadcast_in_dim3A_1191 = vector.broadcast %jit3A_1190 : f32 to vector<128x256xf32>
    %select_n3A_1192 = arith.select %eq3A_1189, %broadcast_in_dim3A_1191, %select_n3A_1176 : vector<128x256xi1>, vector<128x256xf32>
    %reduce_min3A_1193 = arith.constant dense<0x7F800000> : vector<128xf32>
    %reduce_min3A_1194 = vector.multi_reduction <minimumf>, %select_n3A_1192, %reduce_min3A_1193 [1] : vector<128x256xf32> to vector<128xf32>
    %broadcast_in_dim3A_1195 = vector.shape_cast %reduce_min3A_1194 : vector<128xf32> to vector<128x1xf32>
    %eq3A_1196 = vector.broadcast %broadcast_in_dim3A_1195 : vector<128x1xf32> to vector<128x256xf32>
    %eq3A_1197 = arith.cmpf oeq, %select_n3A_1192, %eq3A_1196 : vector<128x256xf32>
    %jit3A_1198 = arith.constant 256 : i32
    %broadcast_in_dim3A_1199 = vector.broadcast %jit3A_1198 : i32 to vector<128x256xi32>
    %select_n3A_1200 = arith.select %eq3A_1197, %iota3A_713, %broadcast_in_dim3A_1199 : vector<128x256xi1>, vector<128x256xi32>
    %reduce_min3A_1201 = arith.constant dense<2147483647> : vector<128xi32>
    %reduce_min3A_1202 = vector.multi_reduction <minsi>, %select_n3A_1200, %reduce_min3A_1201 [1] : vector<128x256xi32> to vector<128xi32>
    %broadcast_in_dim3A_1203 = vector.shape_cast %reduce_min3A_1202 : vector<128xi32> to vector<128x1xi32>
    %eq3A_1204 = vector.broadcast %broadcast_in_dim3A_1203 : vector<128x1xi32> to vector<128x256xi32>
    %eq3A_1205 = arith.cmpi eq, %iota3A_713, %eq3A_1204 : vector<128x256xi32>
    %jit3A_1206 = arith.constant 3.000000e+38 : f32
    %broadcast_in_dim3A_1207 = vector.broadcast %jit3A_1206 : f32 to vector<128x256xf32>
    %select_n3A_1208 = arith.select %eq3A_1205, %broadcast_in_dim3A_1207, %select_n3A_1192 : vector<128x256xi1>, vector<128x256xf32>
    %reduce_min3A_1209 = arith.constant dense<0x7F800000> : vector<128xf32>
    %reduce_min3A_1210 = vector.multi_reduction <minimumf>, %select_n3A_1208, %reduce_min3A_1209 [1] : vector<128x256xf32> to vector<128xf32>
    %broadcast_in_dim3A_1211 = vector.shape_cast %reduce_min3A_1210 : vector<128xf32> to vector<128x1xf32>
    %eq3A_1212 = vector.broadcast %broadcast_in_dim3A_1211 : vector<128x1xf32> to vector<128x256xf32>
    %eq3A_1213 = arith.cmpf oeq, %select_n3A_1208, %eq3A_1212 : vector<128x256xf32>
    %jit3A_1214 = arith.constant 256 : i32
    %broadcast_in_dim3A_1215 = vector.broadcast %jit3A_1214 : i32 to vector<128x256xi32>
    %select_n3A_1216 = arith.select %eq3A_1213, %iota3A_713, %broadcast_in_dim3A_1215 : vector<128x256xi1>, vector<128x256xi32>
    %reduce_min3A_1217 = arith.constant dense<2147483647> : vector<128xi32>
    %reduce_min3A_1218 = vector.multi_reduction <minsi>, %select_n3A_1216, %reduce_min3A_1217 [1] : vector<128x256xi32> to vector<128xi32>
    %broadcast_in_dim3A_1219 = vector.shape_cast %reduce_min3A_1218 : vector<128xi32> to vector<128x1xi32>
    %concatenate3A_1220 = tpu.concatenate %broadcast_in_dim3A_723, %broadcast_in_dim3A_739, %broadcast_in_dim3A_755, %broadcast_in_dim3A_771, %broadcast_in_dim3A_787, %broadcast_in_dim3A_803, %broadcast_in_dim3A_819, %broadcast_in_dim3A_835, %broadcast_in_dim3A_851, %broadcast_in_dim3A_867, %broadcast_in_dim3A_883, %broadcast_in_dim3A_899, %broadcast_in_dim3A_915, %broadcast_in_dim3A_931, %broadcast_in_dim3A_947, %broadcast_in_dim3A_963, %broadcast_in_dim3A_979, %broadcast_in_dim3A_995, %broadcast_in_dim3A_1011, %broadcast_in_dim3A_1027, %broadcast_in_dim3A_1043, %broadcast_in_dim3A_1059, %broadcast_in_dim3A_1075, %broadcast_in_dim3A_1091, %broadcast_in_dim3A_1107, %broadcast_in_dim3A_1123, %broadcast_in_dim3A_1139, %broadcast_in_dim3A_1155, %broadcast_in_dim3A_1171, %broadcast_in_dim3A_1187, %broadcast_in_dim3A_1203, %broadcast_in_dim3A_1219 in 1 : vector<128x1xi32>, vector<128x1xi32>, vector<128x1xi32>, vector<128x1xi32>, vector<128x1xi32>, vector<128x1xi32>, vector<128x1xi32>, vector<128x1xi32>, vector<128x1xi32>, vector<128x1xi32>, vector<128x1xi32>, vector<128x1xi32>, vector<128x1xi32>, vector<128x1xi32>, vector<128x1xi32>, vector<128x1xi32>, vector<128x1xi32>, vector<128x1xi32>, vector<128x1xi32>, vector<128x1xi32>, vector<128x1xi32>, vector<128x1xi32>, vector<128x1xi32>, vector<128x1xi32>, vector<128x1xi32>, vector<128x1xi32>, vector<128x1xi32>, vector<128x1xi32>, vector<128x1xi32>, vector<128x1xi32>, vector<128x1xi32>, vector<128x1xi32> -> vector<128x32xi32>
    %iota3A_1221 = tpu.iota {dimensions = array<i32: 0>} : vector<256x32xi32>
    %iota3A_1222 = tpu.iota {dimensions = array<i32: 0>} : vector<32x32xi32>
    "tpu.region"() ({
      %run_scoped3A = memref.alloca() : memref<128x32x32xf32, #tpu.memory_space<vmem>>
      %run_scoped3A_1223 = memref.alloca() : memref<128x32x32xi32, #tpu.memory_space<vmem>>
      %run_scoped3A_1224 = memref.alloca() : memref<128x32xi32, #tpu.memory_space<vmem>>
      %swap3A_1225 = arith.constant 0 : index
      %swap3A_1226 = arith.constant 0 : index
      %swap3A_1227 = vector.load %run_scoped3A_1224[%swap3A_1225, %swap3A_1226] : memref<128x32xi32, #tpu.memory_space<vmem>>, vector<128x32xi32>
      tpu.vector_store %run_scoped3A_1224[%swap3A_1225, %swap3A_1226], %concatenate3A_1220 {strides = array<i32>} : memref<128x32xi32, #tpu.memory_space<vmem>>, vector<128x32xi32>,
      %scan3A = arith.constant 0 : i32
      %scan3A_1228 = arith.constant 0 : i32
      %scan3A_1229 = arith.constant 32 : i32
      %scan3A_1230 = arith.addi %scan3A_1228, %scan3A_1229 : i32
      %scan3A_1231 = arith.constant 1 : i32
      %scan3A_1232 = scf.for %scan3A_1762 = %scan3A_1228 to %scan3A_1230 step %scan3A_1231 iter_args(%scan3A_1763 = %scan3A) -> (i32)  : i32 {
        %mul3A_1764 = arith.constant 4 : i32
        %mul3A_1765 = arith.muli %mul3A_1764, %scan3A_1762 : i32
        %add3A_1766 = arith.constant 0 : i32
        %add3A_1767 = arith.addi %mul3A_1765, %add3A_1766 : i32
        %get3A_1768 = arith.index_cast %add3A_1767 : i32 to index
        %get3A_1769 = arith.constant 0 : index
        %get3A_1770 = vector.load %run_scoped3A_1224[%get3A_1768, %get3A_1769] : memref<128x32xi32, #tpu.memory_space<vmem>>, vector<1x32xi32>
        %add3A_1771 = arith.constant 1 : i32
        %add3A_1772 = arith.addi %mul3A_1765, %add3A_1771 : i32
        %get3A_1773 = arith.index_cast %add3A_1772 : i32 to index
        %get3A_1774 = arith.constant 0 : index
        %get3A_1775 = vector.load %run_scoped3A_1224[%get3A_1773, %get3A_1774] : memref<128x32xi32, #tpu.memory_space<vmem>>, vector<1x32xi32>
        %add3A_1776 = arith.constant 2 : i32
        %add3A_1777 = arith.addi %mul3A_1765, %add3A_1776 : i32
        %get3A_1778 = arith.index_cast %add3A_1777 : i32 to index
        %get3A_1779 = arith.constant 0 : index
        %get3A_1780 = vector.load %run_scoped3A_1224[%get3A_1778, %get3A_1779] : memref<128x32xi32, #tpu.memory_space<vmem>>, vector<1x32xi32>
        %add3A_1781 = arith.constant 3 : i32
        %add3A_1782 = arith.addi %mul3A_1765, %add3A_1781 : i32
        %get3A_1783 = arith.index_cast %add3A_1782 : i32 to index
        %get3A_1784 = arith.constant 0 : index
        %get3A_1785 = vector.load %run_scoped3A_1224[%get3A_1783, %get3A_1784] : memref<128x32xi32, #tpu.memory_space<vmem>>, vector<1x32xi32>
        %add3A_1786 = arith.constant 0 : i32
        %add3A_1787 = arith.addi %mul3A_1765, %add3A_1786 : i32
        %get3A_1788 = arith.index_cast %add3A_1787 : i32 to index
        %get3A_1789 = arith.constant 0 : index
        %get3A_1790 = arith.constant 0 : index
        %get3A_1791 = vector.load %arg7[%get3A_1788, %get3A_1789, %get3A_1790] : memref<128x32x256xf32, #tpu.memory_space<vmem>>, vector<1x32x256xf32>
        %get3A_1792 = vector.shape_cast %get3A_1791 : vector<1x32x256xf32> to vector<32x256xf32>
        %add3A_1793 = arith.constant 1 : i32
        %add3A_1794 = arith.addi %mul3A_1765, %add3A_1793 : i32
        %get3A_1795 = arith.index_cast %add3A_1794 : i32 to index
        %get3A_1796 = arith.constant 0 : index
        %get3A_1797 = arith.constant 0 : index
        %get3A_1798 = vector.load %arg7[%get3A_1795, %get3A_1796, %get3A_1797] : memref<128x32x256xf32, #tpu.memory_space<vmem>>, vector<1x32x256xf32>
        %get3A_1799 = vector.shape_cast %get3A_1798 : vector<1x32x256xf32> to vector<32x256xf32>
        %add3A_1800 = arith.constant 2 : i32
        %add3A_1801 = arith.addi %mul3A_1765, %add3A_1800 : i32
        %get3A_1802 = arith.index_cast %add3A_1801 : i32 to index
        %get3A_1803 = arith.constant 0 : index
        %get3A_1804 = arith.constant 0 : index
        %get3A_1805 = vector.load %arg7[%get3A_1802, %get3A_1803, %get3A_1804] : memref<128x32x256xf32, #tpu.memory_space<vmem>>, vector<1x32x256xf32>
        %get3A_1806 = vector.shape_cast %get3A_1805 : vector<1x32x256xf32> to vector<32x256xf32>
        %add3A_1807 = arith.constant 3 : i32
        %add3A_1808 = arith.addi %mul3A_1765, %add3A_1807 : i32
        %get3A_1809 = arith.index_cast %add3A_1808 : i32 to index
        %get3A_1810 = arith.constant 0 : index
        %get3A_1811 = arith.constant 0 : index
        %get3A_1812 = vector.load %arg7[%get3A_1809, %get3A_1810, %get3A_1811] : memref<128x32x256xf32, #tpu.memory_space<vmem>>, vector<1x32x256xf32>
        %get3A_1813 = vector.shape_cast %get3A_1812 : vector<1x32x256xf32> to vector<32x256xf32>
        %concatenate3A_1814 = tpu.concatenate %get3A_1792, %get3A_1799, %get3A_1806, %get3A_1813 in 0 : vector<32x256xf32>, vector<32x256xf32>, vector<32x256xf32>, vector<32x256xf32> -> vector<128x256xf32>
        %eq3A_1815 = vector.broadcast %get3A_1770 : vector<1x32xi32> to vector<256x32xi32>
        %eq3A_1816 = arith.cmpi eq, %iota3A_1221, %eq3A_1815 : vector<256x32xi32>
        %convert_element_type3A = arith.extui %eq3A_1816 : vector<256x32xi1> to vector<256x32xi32>
        %convert_element_type3A_1817 = arith.sitofp %convert_element_type3A : vector<256x32xi32> to vector<256x32xf32>
        %eq3A_1818 = vector.broadcast %get3A_1775 : vector<1x32xi32> to vector<256x32xi32>
        %eq3A_1819 = arith.cmpi eq, %iota3A_1221, %eq3A_1818 : vector<256x32xi32>
        %convert_element_type3A_1820 = arith.extui %eq3A_1819 : vector<256x32xi1> to vector<256x32xi32>
        %convert_element_type3A_1821 = arith.sitofp %convert_element_type3A_1820 : vector<256x32xi32> to vector<256x32xf32>
        %eq3A_1822 = vector.broadcast %get3A_1780 : vector<1x32xi32> to vector<256x32xi32>
        %eq3A_1823 = arith.cmpi eq, %iota3A_1221, %eq3A_1822 : vector<256x32xi32>
        %convert_element_type3A_1824 = arith.extui %eq3A_1823 : vector<256x32xi1> to vector<256x32xi32>
        %convert_element_type3A_1825 = arith.sitofp %convert_element_type3A_1824 : vector<256x32xi32> to vector<256x32xf32>
        %eq3A_1826 = vector.broadcast %get3A_1785 : vector<1x32xi32> to vector<256x32xi32>
        %eq3A_1827 = arith.cmpi eq, %iota3A_1221, %eq3A_1826 : vector<256x32xi32>
        %convert_element_type3A_1828 = arith.extui %eq3A_1827 : vector<256x32xi1> to vector<256x32xi32>
        %convert_element_type3A_1829 = arith.sitofp %convert_element_type3A_1828 : vector<256x32xi32> to vector<256x32xf32>
        %concatenate3A_1830 = tpu.concatenate %convert_element_type3A_1817, %convert_element_type3A_1821, %convert_element_type3A_1825, %convert_element_type3A_1829 in 1 : vector<256x32xf32>, vector<256x32xf32>, vector<256x32xf32>, vector<256x32xf32> -> vector<256x128xf32>
        %dot_general3A_1831 = arith.constant dense<0.000000e+00> : vector<128x128xf32>
        %dot_general3A_1832 = tpu.matmul %concatenate3A_1814, %concatenate3A_1830, %dot_general3A_1831 {dimension_numbers = #tpu.dot_dimension_numbers<[1], [0], [0], [1], [0, 0, 1, 1], [], []>, precision = #tpu.contract_precision<fp32>, transpose_lhs_hint = false} : vector<128x256xf32>, vector<256x128xf32>, vector<128x128xf32> -> vector<128x128xf32>
        %slice3A_1833 = vector.extract_strided_slice %dot_general3A_1832 {offsets = [0, 0], sizes = [32, 32], strides = [1, 1]} : vector<128x128xf32> to vector<32x32xf32>
        %add3A_1834 = arith.constant 0 : i32
        %add3A_1835 = arith.addi %mul3A_1765, %add3A_1834 : i32
        %swap3A_1836 = arith.index_cast %add3A_1835 : i32 to index
        %swap3A_1837 = arith.constant 0 : index
        %swap3A_1838 = arith.constant 0 : index
        %swap3A_1839 = vector.load %run_scoped3A[%swap3A_1836, %swap3A_1837, %swap3A_1838] : memref<128x32x32xf32, #tpu.memory_space<vmem>>, vector<1x32x32xf32>
        %swap3A_1840 = vector.shape_cast %swap3A_1839 : vector<1x32x32xf32> to vector<32x32xf32>
        %swap3A_1841 = vector.shape_cast %slice3A_1833 : vector<32x32xf32> to vector<1x32x32xf32>
        tpu.vector_store %run_scoped3A[%swap3A_1836, %swap3A_1837, %swap3A_1838], %swap3A_1841 {strides = array<i32>} : memref<128x32x32xf32, #tpu.memory_space<vmem>>, vector<1x32x32xf32>,
        %mul3A_1842 = arith.constant 256 : i32
        %mul3A_1843 = vector.broadcast %mul3A_1842 : i32 to vector<32x32xi32>
        %mul3A_1844 = arith.muli %mul3A_1843, %iota3A_1222 : vector<32x32xi32>
        %add3A_1845 = vector.broadcast %get3A_1770 : vector<1x32xi32> to vector<32x32xi32>
        %add3A_1846 = arith.addi %add3A_1845, %mul3A_1844 : vector<32x32xi32>
        %add3A_1847 = arith.constant 0 : i32
        %add3A_1848 = arith.addi %mul3A_1765, %add3A_1847 : i32
        %swap3A_1849 = arith.index_cast %add3A_1848 : i32 to index
        %swap3A_1850 = arith.constant 0 : index
        %swap3A_1851 = arith.constant 0 : index
        %swap3A_1852 = vector.load %run_scoped3A_1223[%swap3A_1849, %swap3A_1850, %swap3A_1851] : memref<128x32x32xi32, #tpu.memory_space<vmem>>, vector<1x32x32xi32>
        %swap3A_1853 = vector.shape_cast %swap3A_1852 : vector<1x32x32xi32> to vector<32x32xi32>
        %swap3A_1854 = vector.shape_cast %add3A_1846 : vector<32x32xi32> to vector<1x32x32xi32>
        tpu.vector_store %run_scoped3A_1223[%swap3A_1849, %swap3A_1850, %swap3A_1851], %swap3A_1854 {strides = array<i32>} : memref<128x32x32xi32, #tpu.memory_space<vmem>>, vector<1x32x32xi32>,
        %slice3A_1855 = vector.extract_strided_slice %dot_general3A_1832 {offsets = [32, 32], sizes = [32, 32], strides = [1, 1]} : vector<128x128xf32> to vector<32x32xf32>
        %add3A_1856 = arith.constant 1 : i32
        %add3A_1857 = arith.addi %mul3A_1765, %add3A_1856 : i32
        %swap3A_1858 = arith.index_cast %add3A_1857 : i32 to index
        %swap3A_1859 = arith.constant 0 : index
        %swap3A_1860 = arith.constant 0 : index
        %swap3A_1861 = vector.load %run_scoped3A[%swap3A_1858, %swap3A_1859, %swap3A_1860] : memref<128x32x32xf32, #tpu.memory_space<vmem>>, vector<1x32x32xf32>
        %swap3A_1862 = vector.shape_cast %swap3A_1861 : vector<1x32x32xf32> to vector<32x32xf32>
        %swap3A_1863 = vector.shape_cast %slice3A_1855 : vector<32x32xf32> to vector<1x32x32xf32>
        tpu.vector_store %run_scoped3A[%swap3A_1858, %swap3A_1859, %swap3A_1860], %swap3A_1863 {strides = array<i32>} : memref<128x32x32xf32, #tpu.memory_space<vmem>>, vector<1x32x32xf32>,
        %mul3A_1864 = arith.constant 256 : i32
        %mul3A_1865 = vector.broadcast %mul3A_1864 : i32 to vector<32x32xi32>
        %mul3A_1866 = arith.muli %mul3A_1865, %iota3A_1222 : vector<32x32xi32>
        %add3A_1867 = vector.broadcast %get3A_1775 : vector<1x32xi32> to vector<32x32xi32>
        %add3A_1868 = arith.addi %add3A_1867, %mul3A_1866 : vector<32x32xi32>
        %add3A_1869 = arith.constant 1 : i32
        %add3A_1870 = arith.addi %mul3A_1765, %add3A_1869 : i32
        %swap3A_1871 = arith.index_cast %add3A_1870 : i32 to index
        %swap3A_1872 = arith.constant 0 : index
        %swap3A_1873 = arith.constant 0 : index
        %swap3A_1874 = vector.load %run_scoped3A_1223[%swap3A_1871, %swap3A_1872, %swap3A_1873] : memref<128x32x32xi32, #tpu.memory_space<vmem>>, vector<1x32x32xi32>
        %swap3A_1875 = vector.shape_cast %swap3A_1874 : vector<1x32x32xi32> to vector<32x32xi32>
        %swap3A_1876 = vector.shape_cast %add3A_1868 : vector<32x32xi32> to vector<1x32x32xi32>
        tpu.vector_store %run_scoped3A_1223[%swap3A_1871, %swap3A_1872, %swap3A_1873], %swap3A_1876 {strides = array<i32>} : memref<128x32x32xi32, #tpu.memory_space<vmem>>, vector<1x32x32xi32>,
        %slice3A_1877 = vector.extract_strided_slice %dot_general3A_1832 {offsets = [64, 64], sizes = [32, 32], strides = [1, 1]} : vector<128x128xf32> to vector<32x32xf32>
        %add3A_1878 = arith.constant 2 : i32
        %add3A_1879 = arith.addi %mul3A_1765, %add3A_1878 : i32
        %swap3A_1880 = arith.index_cast %add3A_1879 : i32 to index
        %swap3A_1881 = arith.constant 0 : index
        %swap3A_1882 = arith.constant 0 : index
        %swap3A_1883 = vector.load %run_scoped3A[%swap3A_1880, %swap3A_1881, %swap3A_1882] : memref<128x32x32xf32, #tpu.memory_space<vmem>>, vector<1x32x32xf32>
        %swap3A_1884 = vector.shape_cast %swap3A_1883 : vector<1x32x32xf32> to vector<32x32xf32>
        %swap3A_1885 = vector.shape_cast %slice3A_1877 : vector<32x32xf32> to vector<1x32x32xf32>
        tpu.vector_store %run_scoped3A[%swap3A_1880, %swap3A_1881, %swap3A_1882], %swap3A_1885 {strides = array<i32>} : memref<128x32x32xf32, #tpu.memory_space<vmem>>, vector<1x32x32xf32>,
        %mul3A_1886 = arith.constant 256 : i32
        %mul3A_1887 = vector.broadcast %mul3A_1886 : i32 to vector<32x32xi32>
        %mul3A_1888 = arith.muli %mul3A_1887, %iota3A_1222 : vector<32x32xi32>
        %add3A_1889 = vector.broadcast %get3A_1780 : vector<1x32xi32> to vector<32x32xi32>
        %add3A_1890 = arith.addi %add3A_1889, %mul3A_1888 : vector<32x32xi32>
        %add3A_1891 = arith.constant 2 : i32
        %add3A_1892 = arith.addi %mul3A_1765, %add3A_1891 : i32
        %swap3A_1893 = arith.index_cast %add3A_1892 : i32 to index
        %swap3A_1894 = arith.constant 0 : index
        %swap3A_1895 = arith.constant 0 : index
        %swap3A_1896 = vector.load %run_scoped3A_1223[%swap3A_1893, %swap3A_1894, %swap3A_1895] : memref<128x32x32xi32, #tpu.memory_space<vmem>>, vector<1x32x32xi32>
        %swap3A_1897 = vector.shape_cast %swap3A_1896 : vector<1x32x32xi32> to vector<32x32xi32>
        %swap3A_1898 = vector.shape_cast %add3A_1890 : vector<32x32xi32> to vector<1x32x32xi32>
        tpu.vector_store %run_scoped3A_1223[%swap3A_1893, %swap3A_1894, %swap3A_1895], %swap3A_1898 {strides = array<i32>} : memref<128x32x32xi32, #tpu.memory_space<vmem>>, vector<1x32x32xi32>,
        %slice3A_1899 = vector.extract_strided_slice %dot_general3A_1832 {offsets = [96, 96], sizes = [32, 32], strides = [1, 1]} : vector<128x128xf32> to vector<32x32xf32>
        %add3A_1900 = arith.constant 3 : i32
        %add3A_1901 = arith.addi %mul3A_1765, %add3A_1900 : i32
        %swap3A_1902 = arith.index_cast %add3A_1901 : i32 to index
        %swap3A_1903 = arith.constant 0 : index
        %swap3A_1904 = arith.constant 0 : index
        %swap3A_1905 = vector.load %run_scoped3A[%swap3A_1902, %swap3A_1903, %swap3A_1904] : memref<128x32x32xf32, #tpu.memory_space<vmem>>, vector<1x32x32xf32>
        %swap3A_1906 = vector.shape_cast %swap3A_1905 : vector<1x32x32xf32> to vector<32x32xf32>
        %swap3A_1907 = vector.shape_cast %slice3A_1899 : vector<32x32xf32> to vector<1x32x32xf32>
        tpu.vector_store %run_scoped3A[%swap3A_1902, %swap3A_1903, %swap3A_1904], %swap3A_1907 {strides = array<i32>} : memref<128x32x32xf32, #tpu.memory_space<vmem>>, vector<1x32x32xf32>,
        %mul3A_1908 = arith.constant 256 : i32
        %mul3A_1909 = vector.broadcast %mul3A_1908 : i32 to vector<32x32xi32>
        %mul3A_1910 = arith.muli %mul3A_1909, %iota3A_1222 : vector<32x32xi32>
        %add3A_1911 = vector.broadcast %get3A_1785 : vector<1x32xi32> to vector<32x32xi32>
        %add3A_1912 = arith.addi %add3A_1911, %mul3A_1910 : vector<32x32xi32>
        %add3A_1913 = arith.constant 3 : i32
        %add3A_1914 = arith.addi %mul3A_1765, %add3A_1913 : i32
        %swap3A_1915 = arith.index_cast %add3A_1914 : i32 to index
        %swap3A_1916 = arith.constant 0 : index
        %swap3A_1917 = arith.constant 0 : index
        %swap3A_1918 = vector.load %run_scoped3A_1223[%swap3A_1915, %swap3A_1916, %swap3A_1917] : memref<128x32x32xi32, #tpu.memory_space<vmem>>, vector<1x32x32xi32>
        %swap3A_1919 = vector.shape_cast %swap3A_1918 : vector<1x32x32xi32> to vector<32x32xi32>
        %swap3A_1920 = vector.shape_cast %add3A_1912 : vector<32x32xi32> to vector<1x32x32xi32>
        tpu.vector_store %run_scoped3A_1223[%swap3A_1915, %swap3A_1916, %swap3A_1917], %swap3A_1920 {strides = array<i32>} : memref<128x32x32xi32, #tpu.memory_space<vmem>>, vector<1x32x32xi32>,
        %scan3A_1921 = arith.constant 0 : i32
        scf.yield %scan3A_1921 : i32
      }
      %scan3A_1233 = arith.constant 32 : i32
      %get3A_1234 = arith.constant 0 : index
      %get3A_1235 = arith.constant 0 : index
      %get3A_1236 = arith.constant 0 : index
      %get3A_1237 = vector.load %run_scoped3A[%get3A_1234, %get3A_1235, %get3A_1236] : memref<128x32x32xf32, #tpu.memory_space<vmem>>, vector<128x32x32xf32>
      %reshape3A = vector.shape_cast %get3A_1237 : vector<128x32x32xf32> to vector<128x1024xf32>
      %get3A_1238 = arith.constant 0 : index
      %get3A_1239 = arith.constant 0 : index
      %get3A_1240 = arith.constant 0 : index
      %get3A_1241 = vector.load %run_scoped3A_1223[%get3A_1238, %get3A_1239, %get3A_1240] : memref<128x32x32xi32, #tpu.memory_space<vmem>>, vector<128x32x32xi32>
      %reshape3A_1242 = vector.shape_cast %get3A_1241 : vector<128x32x32xi32> to vector<128x1024xi32>
      %reduce_min3A_1243 = arith.constant dense<0x7F800000> : vector<128xf32>
      %reduce_min3A_1244 = vector.multi_reduction <minimumf>, %reshape3A, %reduce_min3A_1243 [1] : vector<128x1024xf32> to vector<128xf32>
      %broadcast_in_dim3A_1245 = vector.shape_cast %reduce_min3A_1244 : vector<128xf32> to vector<128x1xf32>
      %eq3A_1246 = vector.broadcast %broadcast_in_dim3A_1245 : vector<128x1xf32> to vector<128x1024xf32>
      %eq3A_1247 = arith.cmpf oeq, %reshape3A, %eq3A_1246 : vector<128x1024xf32>
      %jit3A_1248 = arith.constant 1073741824 : i32
      %broadcast_in_dim3A_1249 = vector.broadcast %jit3A_1248 : i32 to vector<128x1024xi32>
      %select_n3A_1250 = arith.select %eq3A_1247, %reshape3A_1242, %broadcast_in_dim3A_1249 : vector<128x1024xi1>, vector<128x1024xi32>
      %reduce_min3A_1251 = arith.constant dense<2147483647> : vector<128xi32>
      %reduce_min3A_1252 = vector.multi_reduction <minsi>, %select_n3A_1250, %reduce_min3A_1251 [1] : vector<128x1024xi32> to vector<128xi32>
      %broadcast_in_dim3A_1253 = vector.shape_cast %reduce_min3A_1252 : vector<128xi32> to vector<128x1xi32>
      %eq3A_1254 = vector.broadcast %broadcast_in_dim3A_1253 : vector<128x1xi32> to vector<128x1024xi32>
      %eq3A_1255 = arith.cmpi eq, %reshape3A_1242, %eq3A_1254 : vector<128x1024xi32>
      %jit3A_1256 = arith.constant 3.000000e+38 : f32
      %broadcast_in_dim3A_1257 = vector.broadcast %jit3A_1256 : f32 to vector<128x1024xf32>
      %select_n3A_1258 = arith.select %eq3A_1255, %broadcast_in_dim3A_1257, %reshape3A : vector<128x1024xi1>, vector<128x1024xf32>
      %reduce_min3A_1259 = arith.constant dense<0x7F800000> : vector<128xf32>
      %reduce_min3A_1260 = vector.multi_reduction <minimumf>, %select_n3A_1258, %reduce_min3A_1259 [1] : vector<128x1024xf32> to vector<128xf32>
      %broadcast_in_dim3A_1261 = vector.shape_cast %reduce_min3A_1260 : vector<128xf32> to vector<128x1xf32>
      %eq3A_1262 = vector.broadcast %broadcast_in_dim3A_1261 : vector<128x1xf32> to vector<128x1024xf32>
      %eq3A_1263 = arith.cmpf oeq, %select_n3A_1258, %eq3A_1262 : vector<128x1024xf32>
      %jit3A_1264 = arith.constant 1073741824 : i32
      %broadcast_in_dim3A_1265 = vector.broadcast %jit3A_1264 : i32 to vector<128x1024xi32>
      %select_n3A_1266 = arith.select %eq3A_1263, %reshape3A_1242, %broadcast_in_dim3A_1265 : vector<128x1024xi1>, vector<128x1024xi32>
      %reduce_min3A_1267 = arith.constant dense<2147483647> : vector<128xi32>
      %reduce_min3A_1268 = vector.multi_reduction <minsi>, %select_n3A_1266, %reduce_min3A_1267 [1] : vector<128x1024xi32> to vector<128xi32>
      %broadcast_in_dim3A_1269 = vector.shape_cast %reduce_min3A_1268 : vector<128xi32> to vector<128x1xi32>
      %eq3A_1270 = vector.broadcast %broadcast_in_dim3A_1269 : vector<128x1xi32> to vector<128x1024xi32>
      %eq3A_1271 = arith.cmpi eq, %reshape3A_1242, %eq3A_1270 : vector<128x1024xi32>
      %jit3A_1272 = arith.constant 3.000000e+38 : f32
      %broadcast_in_dim3A_1273 = vector.broadcast %jit3A_1272 : f32 to vector<128x1024xf32>
      %select_n3A_1274 = arith.select %eq3A_1271, %broadcast_in_dim3A_1273, %select_n3A_1258 : vector<128x1024xi1>, vector<128x1024xf32>
      %reduce_min3A_1275 = arith.constant dense<0x7F800000> : vector<128xf32>
      %reduce_min3A_1276 = vector.multi_reduction <minimumf>, %select_n3A_1274, %reduce_min3A_1275 [1] : vector<128x1024xf32> to vector<128xf32>
      %broadcast_in_dim3A_1277 = vector.shape_cast %reduce_min3A_1276 : vector<128xf32> to vector<128x1xf32>
      %eq3A_1278 = vector.broadcast %broadcast_in_dim3A_1277 : vector<128x1xf32> to vector<128x1024xf32>
      %eq3A_1279 = arith.cmpf oeq, %select_n3A_1274, %eq3A_1278 : vector<128x1024xf32>
      %jit3A_1280 = arith.constant 1073741824 : i32
      %broadcast_in_dim3A_1281 = vector.broadcast %jit3A_1280 : i32 to vector<128x1024xi32>
      %select_n3A_1282 = arith.select %eq3A_1279, %reshape3A_1242, %broadcast_in_dim3A_1281 : vector<128x1024xi1>, vector<128x1024xi32>
      %reduce_min3A_1283 = arith.constant dense<2147483647> : vector<128xi32>
      %reduce_min3A_1284 = vector.multi_reduction <minsi>, %select_n3A_1282, %reduce_min3A_1283 [1] : vector<128x1024xi32> to vector<128xi32>
      %broadcast_in_dim3A_1285 = vector.shape_cast %reduce_min3A_1284 : vector<128xi32> to vector<128x1xi32>
      %eq3A_1286 = vector.broadcast %broadcast_in_dim3A_1285 : vector<128x1xi32> to vector<128x1024xi32>
      %eq3A_1287 = arith.cmpi eq, %reshape3A_1242, %eq3A_1286 : vector<128x1024xi32>
      %jit3A_1288 = arith.constant 3.000000e+38 : f32
      %broadcast_in_dim3A_1289 = vector.broadcast %jit3A_1288 : f32 to vector<128x1024xf32>
      %select_n3A_1290 = arith.select %eq3A_1287, %broadcast_in_dim3A_1289, %select_n3A_1274 : vector<128x1024xi1>, vector<128x1024xf32>
      %reduce_min3A_1291 = arith.constant dense<0x7F800000> : vector<128xf32>
      %reduce_min3A_1292 = vector.multi_reduction <minimumf>, %select_n3A_1290, %reduce_min3A_1291 [1] : vector<128x1024xf32> to vector<128xf32>
      %broadcast_in_dim3A_1293 = vector.shape_cast %reduce_min3A_1292 : vector<128xf32> to vector<128x1xf32>
      %eq3A_1294 = vector.broadcast %broadcast_in_dim3A_1293 : vector<128x1xf32> to vector<128x1024xf32>
      %eq3A_1295 = arith.cmpf oeq, %select_n3A_1290, %eq3A_1294 : vector<128x1024xf32>
      %jit3A_1296 = arith.constant 1073741824 : i32
      %broadcast_in_dim3A_1297 = vector.broadcast %jit3A_1296 : i32 to vector<128x1024xi32>
      %select_n3A_1298 = arith.select %eq3A_1295, %reshape3A_1242, %broadcast_in_dim3A_1297 : vector<128x1024xi1>, vector<128x1024xi32>
      %reduce_min3A_1299 = arith.constant dense<2147483647> : vector<128xi32>
      %reduce_min3A_1300 = vector.multi_reduction <minsi>, %select_n3A_1298, %reduce_min3A_1299 [1] : vector<128x1024xi32> to vector<128xi32>
      %broadcast_in_dim3A_1301 = vector.shape_cast %reduce_min3A_1300 : vector<128xi32> to vector<128x1xi32>
      %eq3A_1302 = vector.broadcast %broadcast_in_dim3A_1301 : vector<128x1xi32> to vector<128x1024xi32>
      %eq3A_1303 = arith.cmpi eq, %reshape3A_1242, %eq3A_1302 : vector<128x1024xi32>
      %jit3A_1304 = arith.constant 3.000000e+38 : f32
      %broadcast_in_dim3A_1305 = vector.broadcast %jit3A_1304 : f32 to vector<128x1024xf32>
      %select_n3A_1306 = arith.select %eq3A_1303, %broadcast_in_dim3A_1305, %select_n3A_1290 : vector<128x1024xi1>, vector<128x1024xf32>
      %reduce_min3A_1307 = arith.constant dense<0x7F800000> : vector<128xf32>
      %reduce_min3A_1308 = vector.multi_reduction <minimumf>, %select_n3A_1306, %reduce_min3A_1307 [1] : vector<128x1024xf32> to vector<128xf32>
      %broadcast_in_dim3A_1309 = vector.shape_cast %reduce_min3A_1308 : vector<128xf32> to vector<128x1xf32>
      %eq3A_1310 = vector.broadcast %broadcast_in_dim3A_1309 : vector<128x1xf32> to vector<128x1024xf32>
      %eq3A_1311 = arith.cmpf oeq, %select_n3A_1306, %eq3A_1310 : vector<128x1024xf32>
      %jit3A_1312 = arith.constant 1073741824 : i32
      %broadcast_in_dim3A_1313 = vector.broadcast %jit3A_1312 : i32 to vector<128x1024xi32>
      %select_n3A_1314 = arith.select %eq3A_1311, %reshape3A_1242, %broadcast_in_dim3A_1313 : vector<128x1024xi1>, vector<128x1024xi32>
      %reduce_min3A_1315 = arith.constant dense<2147483647> : vector<128xi32>
      %reduce_min3A_1316 = vector.multi_reduction <minsi>, %select_n3A_1314, %reduce_min3A_1315 [1] : vector<128x1024xi32> to vector<128xi32>
      %broadcast_in_dim3A_1317 = vector.shape_cast %reduce_min3A_1316 : vector<128xi32> to vector<128x1xi32>
      %eq3A_1318 = vector.broadcast %broadcast_in_dim3A_1317 : vector<128x1xi32> to vector<128x1024xi32>
      %eq3A_1319 = arith.cmpi eq, %reshape3A_1242, %eq3A_1318 : vector<128x1024xi32>
      %jit3A_1320 = arith.constant 3.000000e+38 : f32
      %broadcast_in_dim3A_1321 = vector.broadcast %jit3A_1320 : f32 to vector<128x1024xf32>
      %select_n3A_1322 = arith.select %eq3A_1319, %broadcast_in_dim3A_1321, %select_n3A_1306 : vector<128x1024xi1>, vector<128x1024xf32>
      %reduce_min3A_1323 = arith.constant dense<0x7F800000> : vector<128xf32>
      %reduce_min3A_1324 = vector.multi_reduction <minimumf>, %select_n3A_1322, %reduce_min3A_1323 [1] : vector<128x1024xf32> to vector<128xf32>
      %broadcast_in_dim3A_1325 = vector.shape_cast %reduce_min3A_1324 : vector<128xf32> to vector<128x1xf32>
      %eq3A_1326 = vector.broadcast %broadcast_in_dim3A_1325 : vector<128x1xf32> to vector<128x1024xf32>
      %eq3A_1327 = arith.cmpf oeq, %select_n3A_1322, %eq3A_1326 : vector<128x1024xf32>
      %jit3A_1328 = arith.constant 1073741824 : i32
      %broadcast_in_dim3A_1329 = vector.broadcast %jit3A_1328 : i32 to vector<128x1024xi32>
      %select_n3A_1330 = arith.select %eq3A_1327, %reshape3A_1242, %broadcast_in_dim3A_1329 : vector<128x1024xi1>, vector<128x1024xi32>
      %reduce_min3A_1331 = arith.constant dense<2147483647> : vector<128xi32>
      %reduce_min3A_1332 = vector.multi_reduction <minsi>, %select_n3A_1330, %reduce_min3A_1331 [1] : vector<128x1024xi32> to vector<128xi32>
      %broadcast_in_dim3A_1333 = vector.shape_cast %reduce_min3A_1332 : vector<128xi32> to vector<128x1xi32>
      %eq3A_1334 = vector.broadcast %broadcast_in_dim3A_1333 : vector<128x1xi32> to vector<128x1024xi32>
      %eq3A_1335 = arith.cmpi eq, %reshape3A_1242, %eq3A_1334 : vector<128x1024xi32>
      %jit3A_1336 = arith.constant 3.000000e+38 : f32
      %broadcast_in_dim3A_1337 = vector.broadcast %jit3A_1336 : f32 to vector<128x1024xf32>
      %select_n3A_1338 = arith.select %eq3A_1335, %broadcast_in_dim3A_1337, %select_n3A_1322 : vector<128x1024xi1>, vector<128x1024xf32>
      %reduce_min3A_1339 = arith.constant dense<0x7F800000> : vector<128xf32>
      %reduce_min3A_1340 = vector.multi_reduction <minimumf>, %select_n3A_1338, %reduce_min3A_1339 [1] : vector<128x1024xf32> to vector<128xf32>
      %broadcast_in_dim3A_1341 = vector.shape_cast %reduce_min3A_1340 : vector<128xf32> to vector<128x1xf32>
      %eq3A_1342 = vector.broadcast %broadcast_in_dim3A_1341 : vector<128x1xf32> to vector<128x1024xf32>
      %eq3A_1343 = arith.cmpf oeq, %select_n3A_1338, %eq3A_1342 : vector<128x1024xf32>
      %jit3A_1344 = arith.constant 1073741824 : i32
      %broadcast_in_dim3A_1345 = vector.broadcast %jit3A_1344 : i32 to vector<128x1024xi32>
      %select_n3A_1346 = arith.select %eq3A_1343, %reshape3A_1242, %broadcast_in_dim3A_1345 : vector<128x1024xi1>, vector<128x1024xi32>
      %reduce_min3A_1347 = arith.constant dense<2147483647> : vector<128xi32>
      %reduce_min3A_1348 = vector.multi_reduction <minsi>, %select_n3A_1346, %reduce_min3A_1347 [1] : vector<128x1024xi32> to vector<128xi32>
      %broadcast_in_dim3A_1349 = vector.shape_cast %reduce_min3A_1348 : vector<128xi32> to vector<128x1xi32>
      %eq3A_1350 = vector.broadcast %broadcast_in_dim3A_1349 : vector<128x1xi32> to vector<128x1024xi32>
      %eq3A_1351 = arith.cmpi eq, %reshape3A_1242, %eq3A_1350 : vector<128x1024xi32>
      %jit3A_1352 = arith.constant 3.000000e+38 : f32
      %broadcast_in_dim3A_1353 = vector.broadcast %jit3A_1352 : f32 to vector<128x1024xf32>
      %select_n3A_1354 = arith.select %eq3A_1351, %broadcast_in_dim3A_1353, %select_n3A_1338 : vector<128x1024xi1>, vector<128x1024xf32>
      %reduce_min3A_1355 = arith.constant dense<0x7F800000> : vector<128xf32>
      %reduce_min3A_1356 = vector.multi_reduction <minimumf>, %select_n3A_1354, %reduce_min3A_1355 [1] : vector<128x1024xf32> to vector<128xf32>
      %broadcast_in_dim3A_1357 = vector.shape_cast %reduce_min3A_1356 : vector<128xf32> to vector<128x1xf32>
      %eq3A_1358 = vector.broadcast %broadcast_in_dim3A_1357 : vector<128x1xf32> to vector<128x1024xf32>
      %eq3A_1359 = arith.cmpf oeq, %select_n3A_1354, %eq3A_1358 : vector<128x1024xf32>
      %jit3A_1360 = arith.constant 1073741824 : i32
      %broadcast_in_dim3A_1361 = vector.broadcast %jit3A_1360 : i32 to vector<128x1024xi32>
      %select_n3A_1362 = arith.select %eq3A_1359, %reshape3A_1242, %broadcast_in_dim3A_1361 : vector<128x1024xi1>, vector<128x1024xi32>
      %reduce_min3A_1363 = arith.constant dense<2147483647> : vector<128xi32>
      %reduce_min3A_1364 = vector.multi_reduction <minsi>, %select_n3A_1362, %reduce_min3A_1363 [1] : vector<128x1024xi32> to vector<128xi32>
      %broadcast_in_dim3A_1365 = vector.shape_cast %reduce_min3A_1364 : vector<128xi32> to vector<128x1xi32>
      %eq3A_1366 = vector.broadcast %broadcast_in_dim3A_1365 : vector<128x1xi32> to vector<128x1024xi32>
      %eq3A_1367 = arith.cmpi eq, %reshape3A_1242, %eq3A_1366 : vector<128x1024xi32>
      %jit3A_1368 = arith.constant 3.000000e+38 : f32
      %broadcast_in_dim3A_1369 = vector.broadcast %jit3A_1368 : f32 to vector<128x1024xf32>
      %select_n3A_1370 = arith.select %eq3A_1367, %broadcast_in_dim3A_1369, %select_n3A_1354 : vector<128x1024xi1>, vector<128x1024xf32>
      %reduce_min3A_1371 = arith.constant dense<0x7F800000> : vector<128xf32>
      %reduce_min3A_1372 = vector.multi_reduction <minimumf>, %select_n3A_1370, %reduce_min3A_1371 [1] : vector<128x1024xf32> to vector<128xf32>
      %broadcast_in_dim3A_1373 = vector.shape_cast %reduce_min3A_1372 : vector<128xf32> to vector<128x1xf32>
      %eq3A_1374 = vector.broadcast %broadcast_in_dim3A_1373 : vector<128x1xf32> to vector<128x1024xf32>
      %eq3A_1375 = arith.cmpf oeq, %select_n3A_1370, %eq3A_1374 : vector<128x1024xf32>
      %jit3A_1376 = arith.constant 1073741824 : i32
      %broadcast_in_dim3A_1377 = vector.broadcast %jit3A_1376 : i32 to vector<128x1024xi32>
      %select_n3A_1378 = arith.select %eq3A_1375, %reshape3A_1242, %broadcast_in_dim3A_1377 : vector<128x1024xi1>, vector<128x1024xi32>
      %reduce_min3A_1379 = arith.constant dense<2147483647> : vector<128xi32>
      %reduce_min3A_1380 = vector.multi_reduction <minsi>, %select_n3A_1378, %reduce_min3A_1379 [1] : vector<128x1024xi32> to vector<128xi32>
      %broadcast_in_dim3A_1381 = vector.shape_cast %reduce_min3A_1380 : vector<128xi32> to vector<128x1xi32>
      %eq3A_1382 = vector.broadcast %broadcast_in_dim3A_1381 : vector<128x1xi32> to vector<128x1024xi32>
      %eq3A_1383 = arith.cmpi eq, %reshape3A_1242, %eq3A_1382 : vector<128x1024xi32>
      %jit3A_1384 = arith.constant 3.000000e+38 : f32
      %broadcast_in_dim3A_1385 = vector.broadcast %jit3A_1384 : f32 to vector<128x1024xf32>
      %select_n3A_1386 = arith.select %eq3A_1383, %broadcast_in_dim3A_1385, %select_n3A_1370 : vector<128x1024xi1>, vector<128x1024xf32>
      %reduce_min3A_1387 = arith.constant dense<0x7F800000> : vector<128xf32>
      %reduce_min3A_1388 = vector.multi_reduction <minimumf>, %select_n3A_1386, %reduce_min3A_1387 [1] : vector<128x1024xf32> to vector<128xf32>
      %broadcast_in_dim3A_1389 = vector.shape_cast %reduce_min3A_1388 : vector<128xf32> to vector<128x1xf32>
      %eq3A_1390 = vector.broadcast %broadcast_in_dim3A_1389 : vector<128x1xf32> to vector<128x1024xf32>
      %eq3A_1391 = arith.cmpf oeq, %select_n3A_1386, %eq3A_1390 : vector<128x1024xf32>
      %jit3A_1392 = arith.constant 1073741824 : i32
      %broadcast_in_dim3A_1393 = vector.broadcast %jit3A_1392 : i32 to vector<128x1024xi32>
      %select_n3A_1394 = arith.select %eq3A_1391, %reshape3A_1242, %broadcast_in_dim3A_1393 : vector<128x1024xi1>, vector<128x1024xi32>
      %reduce_min3A_1395 = arith.constant dense<2147483647> : vector<128xi32>
      %reduce_min3A_1396 = vector.multi_reduction <minsi>, %select_n3A_1394, %reduce_min3A_1395 [1] : vector<128x1024xi32> to vector<128xi32>
      %broadcast_in_dim3A_1397 = vector.shape_cast %reduce_min3A_1396 : vector<128xi32> to vector<128x1xi32>
      %eq3A_1398 = vector.broadcast %broadcast_in_dim3A_1397 : vector<128x1xi32> to vector<128x1024xi32>
      %eq3A_1399 = arith.cmpi eq, %reshape3A_1242, %eq3A_1398 : vector<128x1024xi32>
      %jit3A_1400 = arith.constant 3.000000e+38 : f32
      %broadcast_in_dim3A_1401 = vector.broadcast %jit3A_1400 : f32 to vector<128x1024xf32>
      %select_n3A_1402 = arith.select %eq3A_1399, %broadcast_in_dim3A_1401, %select_n3A_1386 : vector<128x1024xi1>, vector<128x1024xf32>
      %reduce_min3A_1403 = arith.constant dense<0x7F800000> : vector<128xf32>
      %reduce_min3A_1404 = vector.multi_reduction <minimumf>, %select_n3A_1402, %reduce_min3A_1403 [1] : vector<128x1024xf32> to vector<128xf32>
      %broadcast_in_dim3A_1405 = vector.shape_cast %reduce_min3A_1404 : vector<128xf32> to vector<128x1xf32>
      %eq3A_1406 = vector.broadcast %broadcast_in_dim3A_1405 : vector<128x1xf32> to vector<128x1024xf32>
      %eq3A_1407 = arith.cmpf oeq, %select_n3A_1402, %eq3A_1406 : vector<128x1024xf32>
      %jit3A_1408 = arith.constant 1073741824 : i32
      %broadcast_in_dim3A_1409 = vector.broadcast %jit3A_1408 : i32 to vector<128x1024xi32>
      %select_n3A_1410 = arith.select %eq3A_1407, %reshape3A_1242, %broadcast_in_dim3A_1409 : vector<128x1024xi1>, vector<128x1024xi32>
      %reduce_min3A_1411 = arith.constant dense<2147483647> : vector<128xi32>
      %reduce_min3A_1412 = vector.multi_reduction <minsi>, %select_n3A_1410, %reduce_min3A_1411 [1] : vector<128x1024xi32> to vector<128xi32>
      %broadcast_in_dim3A_1413 = vector.shape_cast %reduce_min3A_1412 : vector<128xi32> to vector<128x1xi32>
      %eq3A_1414 = vector.broadcast %broadcast_in_dim3A_1413 : vector<128x1xi32> to vector<128x1024xi32>
      %eq3A_1415 = arith.cmpi eq, %reshape3A_1242, %eq3A_1414 : vector<128x1024xi32>
      %jit3A_1416 = arith.constant 3.000000e+38 : f32
      %broadcast_in_dim3A_1417 = vector.broadcast %jit3A_1416 : f32 to vector<128x1024xf32>
      %select_n3A_1418 = arith.select %eq3A_1415, %broadcast_in_dim3A_1417, %select_n3A_1402 : vector<128x1024xi1>, vector<128x1024xf32>
      %reduce_min3A_1419 = arith.constant dense<0x7F800000> : vector<128xf32>
      %reduce_min3A_1420 = vector.multi_reduction <minimumf>, %select_n3A_1418, %reduce_min3A_1419 [1] : vector<128x1024xf32> to vector<128xf32>
      %broadcast_in_dim3A_1421 = vector.shape_cast %reduce_min3A_1420 : vector<128xf32> to vector<128x1xf32>
      %eq3A_1422 = vector.broadcast %broadcast_in_dim3A_1421 : vector<128x1xf32> to vector<128x1024xf32>
      %eq3A_1423 = arith.cmpf oeq, %select_n3A_1418, %eq3A_1422 : vector<128x1024xf32>
      %jit3A_1424 = arith.constant 1073741824 : i32
      %broadcast_in_dim3A_1425 = vector.broadcast %jit3A_1424 : i32 to vector<128x1024xi32>
      %select_n3A_1426 = arith.select %eq3A_1423, %reshape3A_1242, %broadcast_in_dim3A_1425 : vector<128x1024xi1>, vector<128x1024xi32>
      %reduce_min3A_1427 = arith.constant dense<2147483647> : vector<128xi32>
      %reduce_min3A_1428 = vector.multi_reduction <minsi>, %select_n3A_1426, %reduce_min3A_1427 [1] : vector<128x1024xi32> to vector<128xi32>
      %broadcast_in_dim3A_1429 = vector.shape_cast %reduce_min3A_1428 : vector<128xi32> to vector<128x1xi32>
      %eq3A_1430 = vector.broadcast %broadcast_in_dim3A_1429 : vector<128x1xi32> to vector<128x1024xi32>
      %eq3A_1431 = arith.cmpi eq, %reshape3A_1242, %eq3A_1430 : vector<128x1024xi32>
      %jit3A_1432 = arith.constant 3.000000e+38 : f32
      %broadcast_in_dim3A_1433 = vector.broadcast %jit3A_1432 : f32 to vector<128x1024xf32>
      %select_n3A_1434 = arith.select %eq3A_1431, %broadcast_in_dim3A_1433, %select_n3A_1418 : vector<128x1024xi1>, vector<128x1024xf32>
      %reduce_min3A_1435 = arith.constant dense<0x7F800000> : vector<128xf32>
      %reduce_min3A_1436 = vector.multi_reduction <minimumf>, %select_n3A_1434, %reduce_min3A_1435 [1] : vector<128x1024xf32> to vector<128xf32>
      %broadcast_in_dim3A_1437 = vector.shape_cast %reduce_min3A_1436 : vector<128xf32> to vector<128x1xf32>
      %eq3A_1438 = vector.broadcast %broadcast_in_dim3A_1437 : vector<128x1xf32> to vector<128x1024xf32>
      %eq3A_1439 = arith.cmpf oeq, %select_n3A_1434, %eq3A_1438 : vector<128x1024xf32>
      %jit3A_1440 = arith.constant 1073741824 : i32
      %broadcast_in_dim3A_1441 = vector.broadcast %jit3A_1440 : i32 to vector<128x1024xi32>
      %select_n3A_1442 = arith.select %eq3A_1439, %reshape3A_1242, %broadcast_in_dim3A_1441 : vector<128x1024xi1>, vector<128x1024xi32>
      %reduce_min3A_1443 = arith.constant dense<2147483647> : vector<128xi32>
      %reduce_min3A_1444 = vector.multi_reduction <minsi>, %select_n3A_1442, %reduce_min3A_1443 [1] : vector<128x1024xi32> to vector<128xi32>
      %broadcast_in_dim3A_1445 = vector.shape_cast %reduce_min3A_1444 : vector<128xi32> to vector<128x1xi32>
      %eq3A_1446 = vector.broadcast %broadcast_in_dim3A_1445 : vector<128x1xi32> to vector<128x1024xi32>
      %eq3A_1447 = arith.cmpi eq, %reshape3A_1242, %eq3A_1446 : vector<128x1024xi32>
      %jit3A_1448 = arith.constant 3.000000e+38 : f32
      %broadcast_in_dim3A_1449 = vector.broadcast %jit3A_1448 : f32 to vector<128x1024xf32>
      %select_n3A_1450 = arith.select %eq3A_1447, %broadcast_in_dim3A_1449, %select_n3A_1434 : vector<128x1024xi1>, vector<128x1024xf32>
      %reduce_min3A_1451 = arith.constant dense<0x7F800000> : vector<128xf32>
      %reduce_min3A_1452 = vector.multi_reduction <minimumf>, %select_n3A_1450, %reduce_min3A_1451 [1] : vector<128x1024xf32> to vector<128xf32>
      %broadcast_in_dim3A_1453 = vector.shape_cast %reduce_min3A_1452 : vector<128xf32> to vector<128x1xf32>
      %eq3A_1454 = vector.broadcast %broadcast_in_dim3A_1453 : vector<128x1xf32> to vector<128x1024xf32>
      %eq3A_1455 = arith.cmpf oeq, %select_n3A_1450, %eq3A_1454 : vector<128x1024xf32>
      %jit3A_1456 = arith.constant 1073741824 : i32
      %broadcast_in_dim3A_1457 = vector.broadcast %jit3A_1456 : i32 to vector<128x1024xi32>
      %select_n3A_1458 = arith.select %eq3A_1455, %reshape3A_1242, %broadcast_in_dim3A_1457 : vector<128x1024xi1>, vector<128x1024xi32>
      %reduce_min3A_1459 = arith.constant dense<2147483647> : vector<128xi32>
      %reduce_min3A_1460 = vector.multi_reduction <minsi>, %select_n3A_1458, %reduce_min3A_1459 [1] : vector<128x1024xi32> to vector<128xi32>
      %broadcast_in_dim3A_1461 = vector.shape_cast %reduce_min3A_1460 : vector<128xi32> to vector<128x1xi32>
      %eq3A_1462 = vector.broadcast %broadcast_in_dim3A_1461 : vector<128x1xi32> to vector<128x1024xi32>
      %eq3A_1463 = arith.cmpi eq, %reshape3A_1242, %eq3A_1462 : vector<128x1024xi32>
      %jit3A_1464 = arith.constant 3.000000e+38 : f32
      %broadcast_in_dim3A_1465 = vector.broadcast %jit3A_1464 : f32 to vector<128x1024xf32>
      %select_n3A_1466 = arith.select %eq3A_1463, %broadcast_in_dim3A_1465, %select_n3A_1450 : vector<128x1024xi1>, vector<128x1024xf32>
      %reduce_min3A_1467 = arith.constant dense<0x7F800000> : vector<128xf32>
      %reduce_min3A_1468 = vector.multi_reduction <minimumf>, %select_n3A_1466, %reduce_min3A_1467 [1] : vector<128x1024xf32> to vector<128xf32>
      %broadcast_in_dim3A_1469 = vector.shape_cast %reduce_min3A_1468 : vector<128xf32> to vector<128x1xf32>
      %eq3A_1470 = vector.broadcast %broadcast_in_dim3A_1469 : vector<128x1xf32> to vector<128x1024xf32>
      %eq3A_1471 = arith.cmpf oeq, %select_n3A_1466, %eq3A_1470 : vector<128x1024xf32>
      %jit3A_1472 = arith.constant 1073741824 : i32
      %broadcast_in_dim3A_1473 = vector.broadcast %jit3A_1472 : i32 to vector<128x1024xi32>
      %select_n3A_1474 = arith.select %eq3A_1471, %reshape3A_1242, %broadcast_in_dim3A_1473 : vector<128x1024xi1>, vector<128x1024xi32>
      %reduce_min3A_1475 = arith.constant dense<2147483647> : vector<128xi32>
      %reduce_min3A_1476 = vector.multi_reduction <minsi>, %select_n3A_1474, %reduce_min3A_1475 [1] : vector<128x1024xi32> to vector<128xi32>
      %broadcast_in_dim3A_1477 = vector.shape_cast %reduce_min3A_1476 : vector<128xi32> to vector<128x1xi32>
      %eq3A_1478 = vector.broadcast %broadcast_in_dim3A_1477 : vector<128x1xi32> to vector<128x1024xi32>
      %eq3A_1479 = arith.cmpi eq, %reshape3A_1242, %eq3A_1478 : vector<128x1024xi32>
      %jit3A_1480 = arith.constant 3.000000e+38 : f32
      %broadcast_in_dim3A_1481 = vector.broadcast %jit3A_1480 : f32 to vector<128x1024xf32>
      %select_n3A_1482 = arith.select %eq3A_1479, %broadcast_in_dim3A_1481, %select_n3A_1466 : vector<128x1024xi1>, vector<128x1024xf32>
      %reduce_min3A_1483 = arith.constant dense<0x7F800000> : vector<128xf32>
      %reduce_min3A_1484 = vector.multi_reduction <minimumf>, %select_n3A_1482, %reduce_min3A_1483 [1] : vector<128x1024xf32> to vector<128xf32>
      %broadcast_in_dim3A_1485 = vector.shape_cast %reduce_min3A_1484 : vector<128xf32> to vector<128x1xf32>
      %eq3A_1486 = vector.broadcast %broadcast_in_dim3A_1485 : vector<128x1xf32> to vector<128x1024xf32>
      %eq3A_1487 = arith.cmpf oeq, %select_n3A_1482, %eq3A_1486 : vector<128x1024xf32>
      %jit3A_1488 = arith.constant 1073741824 : i32
      %broadcast_in_dim3A_1489 = vector.broadcast %jit3A_1488 : i32 to vector<128x1024xi32>
      %select_n3A_1490 = arith.select %eq3A_1487, %reshape3A_1242, %broadcast_in_dim3A_1489 : vector<128x1024xi1>, vector<128x1024xi32>
      %reduce_min3A_1491 = arith.constant dense<2147483647> : vector<128xi32>
      %reduce_min3A_1492 = vector.multi_reduction <minsi>, %select_n3A_1490, %reduce_min3A_1491 [1] : vector<128x1024xi32> to vector<128xi32>
      %broadcast_in_dim3A_1493 = vector.shape_cast %reduce_min3A_1492 : vector<128xi32> to vector<128x1xi32>
      %eq3A_1494 = vector.broadcast %broadcast_in_dim3A_1493 : vector<128x1xi32> to vector<128x1024xi32>
      %eq3A_1495 = arith.cmpi eq, %reshape3A_1242, %eq3A_1494 : vector<128x1024xi32>
      %jit3A_1496 = arith.constant 3.000000e+38 : f32
      %broadcast_in_dim3A_1497 = vector.broadcast %jit3A_1496 : f32 to vector<128x1024xf32>
      %select_n3A_1498 = arith.select %eq3A_1495, %broadcast_in_dim3A_1497, %select_n3A_1482 : vector<128x1024xi1>, vector<128x1024xf32>
      %reduce_min3A_1499 = arith.constant dense<0x7F800000> : vector<128xf32>
      %reduce_min3A_1500 = vector.multi_reduction <minimumf>, %select_n3A_1498, %reduce_min3A_1499 [1] : vector<128x1024xf32> to vector<128xf32>
      %broadcast_in_dim3A_1501 = vector.shape_cast %reduce_min3A_1500 : vector<128xf32> to vector<128x1xf32>
      %eq3A_1502 = vector.broadcast %broadcast_in_dim3A_1501 : vector<128x1xf32> to vector<128x1024xf32>
      %eq3A_1503 = arith.cmpf oeq, %select_n3A_1498, %eq3A_1502 : vector<128x1024xf32>
      %jit3A_1504 = arith.constant 1073741824 : i32
      %broadcast_in_dim3A_1505 = vector.broadcast %jit3A_1504 : i32 to vector<128x1024xi32>
      %select_n3A_1506 = arith.select %eq3A_1503, %reshape3A_1242, %broadcast_in_dim3A_1505 : vector<128x1024xi1>, vector<128x1024xi32>
      %reduce_min3A_1507 = arith.constant dense<2147483647> : vector<128xi32>
      %reduce_min3A_1508 = vector.multi_reduction <minsi>, %select_n3A_1506, %reduce_min3A_1507 [1] : vector<128x1024xi32> to vector<128xi32>
      %broadcast_in_dim3A_1509 = vector.shape_cast %reduce_min3A_1508 : vector<128xi32> to vector<128x1xi32>
      %eq3A_1510 = vector.broadcast %broadcast_in_dim3A_1509 : vector<128x1xi32> to vector<128x1024xi32>
      %eq3A_1511 = arith.cmpi eq, %reshape3A_1242, %eq3A_1510 : vector<128x1024xi32>
      %jit3A_1512 = arith.constant 3.000000e+38 : f32
      %broadcast_in_dim3A_1513 = vector.broadcast %jit3A_1512 : f32 to vector<128x1024xf32>
      %select_n3A_1514 = arith.select %eq3A_1511, %broadcast_in_dim3A_1513, %select_n3A_1498 : vector<128x1024xi1>, vector<128x1024xf32>
      %reduce_min3A_1515 = arith.constant dense<0x7F800000> : vector<128xf32>
      %reduce_min3A_1516 = vector.multi_reduction <minimumf>, %select_n3A_1514, %reduce_min3A_1515 [1] : vector<128x1024xf32> to vector<128xf32>
      %broadcast_in_dim3A_1517 = vector.shape_cast %reduce_min3A_1516 : vector<128xf32> to vector<128x1xf32>
      %eq3A_1518 = vector.broadcast %broadcast_in_dim3A_1517 : vector<128x1xf32> to vector<128x1024xf32>
      %eq3A_1519 = arith.cmpf oeq, %select_n3A_1514, %eq3A_1518 : vector<128x1024xf32>
      %jit3A_1520 = arith.constant 1073741824 : i32
      %broadcast_in_dim3A_1521 = vector.broadcast %jit3A_1520 : i32 to vector<128x1024xi32>
      %select_n3A_1522 = arith.select %eq3A_1519, %reshape3A_1242, %broadcast_in_dim3A_1521 : vector<128x1024xi1>, vector<128x1024xi32>
      %reduce_min3A_1523 = arith.constant dense<2147483647> : vector<128xi32>
      %reduce_min3A_1524 = vector.multi_reduction <minsi>, %select_n3A_1522, %reduce_min3A_1523 [1] : vector<128x1024xi32> to vector<128xi32>
      %broadcast_in_dim3A_1525 = vector.shape_cast %reduce_min3A_1524 : vector<128xi32> to vector<128x1xi32>
      %eq3A_1526 = vector.broadcast %broadcast_in_dim3A_1525 : vector<128x1xi32> to vector<128x1024xi32>
      %eq3A_1527 = arith.cmpi eq, %reshape3A_1242, %eq3A_1526 : vector<128x1024xi32>
      %jit3A_1528 = arith.constant 3.000000e+38 : f32
      %broadcast_in_dim3A_1529 = vector.broadcast %jit3A_1528 : f32 to vector<128x1024xf32>
      %select_n3A_1530 = arith.select %eq3A_1527, %broadcast_in_dim3A_1529, %select_n3A_1514 : vector<128x1024xi1>, vector<128x1024xf32>
      %reduce_min3A_1531 = arith.constant dense<0x7F800000> : vector<128xf32>
      %reduce_min3A_1532 = vector.multi_reduction <minimumf>, %select_n3A_1530, %reduce_min3A_1531 [1] : vector<128x1024xf32> to vector<128xf32>
      %broadcast_in_dim3A_1533 = vector.shape_cast %reduce_min3A_1532 : vector<128xf32> to vector<128x1xf32>
      %eq3A_1534 = vector.broadcast %broadcast_in_dim3A_1533 : vector<128x1xf32> to vector<128x1024xf32>
      %eq3A_1535 = arith.cmpf oeq, %select_n3A_1530, %eq3A_1534 : vector<128x1024xf32>
      %jit3A_1536 = arith.constant 1073741824 : i32
      %broadcast_in_dim3A_1537 = vector.broadcast %jit3A_1536 : i32 to vector<128x1024xi32>
      %select_n3A_1538 = arith.select %eq3A_1535, %reshape3A_1242, %broadcast_in_dim3A_1537 : vector<128x1024xi1>, vector<128x1024xi32>
      %reduce_min3A_1539 = arith.constant dense<2147483647> : vector<128xi32>
      %reduce_min3A_1540 = vector.multi_reduction <minsi>, %select_n3A_1538, %reduce_min3A_1539 [1] : vector<128x1024xi32> to vector<128xi32>
      %broadcast_in_dim3A_1541 = vector.shape_cast %reduce_min3A_1540 : vector<128xi32> to vector<128x1xi32>
      %eq3A_1542 = vector.broadcast %broadcast_in_dim3A_1541 : vector<128x1xi32> to vector<128x1024xi32>
      %eq3A_1543 = arith.cmpi eq, %reshape3A_1242, %eq3A_1542 : vector<128x1024xi32>
      %jit3A_1544 = arith.constant 3.000000e+38 : f32
      %broadcast_in_dim3A_1545 = vector.broadcast %jit3A_1544 : f32 to vector<128x1024xf32>
      %select_n3A_1546 = arith.select %eq3A_1543, %broadcast_in_dim3A_1545, %select_n3A_1530 : vector<128x1024xi1>, vector<128x1024xf32>
      %reduce_min3A_1547 = arith.constant dense<0x7F800000> : vector<128xf32>
      %reduce_min3A_1548 = vector.multi_reduction <minimumf>, %select_n3A_1546, %reduce_min3A_1547 [1] : vector<128x1024xf32> to vector<128xf32>
      %broadcast_in_dim3A_1549 = vector.shape_cast %reduce_min3A_1548 : vector<128xf32> to vector<128x1xf32>
      %eq3A_1550 = vector.broadcast %broadcast_in_dim3A_1549 : vector<128x1xf32> to vector<128x1024xf32>
      %eq3A_1551 = arith.cmpf oeq, %select_n3A_1546, %eq3A_1550 : vector<128x1024xf32>
      %jit3A_1552 = arith.constant 1073741824 : i32
      %broadcast_in_dim3A_1553 = vector.broadcast %jit3A_1552 : i32 to vector<128x1024xi32>
      %select_n3A_1554 = arith.select %eq3A_1551, %reshape3A_1242, %broadcast_in_dim3A_1553 : vector<128x1024xi1>, vector<128x1024xi32>
      %reduce_min3A_1555 = arith.constant dense<2147483647> : vector<128xi32>
      %reduce_min3A_1556 = vector.multi_reduction <minsi>, %select_n3A_1554, %reduce_min3A_1555 [1] : vector<128x1024xi32> to vector<128xi32>
      %broadcast_in_dim3A_1557 = vector.shape_cast %reduce_min3A_1556 : vector<128xi32> to vector<128x1xi32>
      %eq3A_1558 = vector.broadcast %broadcast_in_dim3A_1557 : vector<128x1xi32> to vector<128x1024xi32>
      %eq3A_1559 = arith.cmpi eq, %reshape3A_1242, %eq3A_1558 : vector<128x1024xi32>
      %jit3A_1560 = arith.constant 3.000000e+38 : f32
      %broadcast_in_dim3A_1561 = vector.broadcast %jit3A_1560 : f32 to vector<128x1024xf32>
      %select_n3A_1562 = arith.select %eq3A_1559, %broadcast_in_dim3A_1561, %select_n3A_1546 : vector<128x1024xi1>, vector<128x1024xf32>
      %reduce_min3A_1563 = arith.constant dense<0x7F800000> : vector<128xf32>
      %reduce_min3A_1564 = vector.multi_reduction <minimumf>, %select_n3A_1562, %reduce_min3A_1563 [1] : vector<128x1024xf32> to vector<128xf32>
      %broadcast_in_dim3A_1565 = vector.shape_cast %reduce_min3A_1564 : vector<128xf32> to vector<128x1xf32>
      %eq3A_1566 = vector.broadcast %broadcast_in_dim3A_1565 : vector<128x1xf32> to vector<128x1024xf32>
      %eq3A_1567 = arith.cmpf oeq, %select_n3A_1562, %eq3A_1566 : vector<128x1024xf32>
      %jit3A_1568 = arith.constant 1073741824 : i32
      %broadcast_in_dim3A_1569 = vector.broadcast %jit3A_1568 : i32 to vector<128x1024xi32>
      %select_n3A_1570 = arith.select %eq3A_1567, %reshape3A_1242, %broadcast_in_dim3A_1569 : vector<128x1024xi1>, vector<128x1024xi32>
      %reduce_min3A_1571 = arith.constant dense<2147483647> : vector<128xi32>
      %reduce_min3A_1572 = vector.multi_reduction <minsi>, %select_n3A_1570, %reduce_min3A_1571 [1] : vector<128x1024xi32> to vector<128xi32>
      %broadcast_in_dim3A_1573 = vector.shape_cast %reduce_min3A_1572 : vector<128xi32> to vector<128x1xi32>
      %eq3A_1574 = vector.broadcast %broadcast_in_dim3A_1573 : vector<128x1xi32> to vector<128x1024xi32>
      %eq3A_1575 = arith.cmpi eq, %reshape3A_1242, %eq3A_1574 : vector<128x1024xi32>
      %jit3A_1576 = arith.constant 3.000000e+38 : f32
      %broadcast_in_dim3A_1577 = vector.broadcast %jit3A_1576 : f32 to vector<128x1024xf32>
      %select_n3A_1578 = arith.select %eq3A_1575, %broadcast_in_dim3A_1577, %select_n3A_1562 : vector<128x1024xi1>, vector<128x1024xf32>
      %reduce_min3A_1579 = arith.constant dense<0x7F800000> : vector<128xf32>
      %reduce_min3A_1580 = vector.multi_reduction <minimumf>, %select_n3A_1578, %reduce_min3A_1579 [1] : vector<128x1024xf32> to vector<128xf32>
      %broadcast_in_dim3A_1581 = vector.shape_cast %reduce_min3A_1580 : vector<128xf32> to vector<128x1xf32>
      %eq3A_1582 = vector.broadcast %broadcast_in_dim3A_1581 : vector<128x1xf32> to vector<128x1024xf32>
      %eq3A_1583 = arith.cmpf oeq, %select_n3A_1578, %eq3A_1582 : vector<128x1024xf32>
      %jit3A_1584 = arith.constant 1073741824 : i32
      %broadcast_in_dim3A_1585 = vector.broadcast %jit3A_1584 : i32 to vector<128x1024xi32>
      %select_n3A_1586 = arith.select %eq3A_1583, %reshape3A_1242, %broadcast_in_dim3A_1585 : vector<128x1024xi1>, vector<128x1024xi32>
      %reduce_min3A_1587 = arith.constant dense<2147483647> : vector<128xi32>
      %reduce_min3A_1588 = vector.multi_reduction <minsi>, %select_n3A_1586, %reduce_min3A_1587 [1] : vector<128x1024xi32> to vector<128xi32>
      %broadcast_in_dim3A_1589 = vector.shape_cast %reduce_min3A_1588 : vector<128xi32> to vector<128x1xi32>
      %eq3A_1590 = vector.broadcast %broadcast_in_dim3A_1589 : vector<128x1xi32> to vector<128x1024xi32>
      %eq3A_1591 = arith.cmpi eq, %reshape3A_1242, %eq3A_1590 : vector<128x1024xi32>
      %jit3A_1592 = arith.constant 3.000000e+38 : f32
      %broadcast_in_dim3A_1593 = vector.broadcast %jit3A_1592 : f32 to vector<128x1024xf32>
      %select_n3A_1594 = arith.select %eq3A_1591, %broadcast_in_dim3A_1593, %select_n3A_1578 : vector<128x1024xi1>, vector<128x1024xf32>
      %reduce_min3A_1595 = arith.constant dense<0x7F800000> : vector<128xf32>
      %reduce_min3A_1596 = vector.multi_reduction <minimumf>, %select_n3A_1594, %reduce_min3A_1595 [1] : vector<128x1024xf32> to vector<128xf32>
      %broadcast_in_dim3A_1597 = vector.shape_cast %reduce_min3A_1596 : vector<128xf32> to vector<128x1xf32>
      %eq3A_1598 = vector.broadcast %broadcast_in_dim3A_1597 : vector<128x1xf32> to vector<128x1024xf32>
      %eq3A_1599 = arith.cmpf oeq, %select_n3A_1594, %eq3A_1598 : vector<128x1024xf32>
      %jit3A_1600 = arith.constant 1073741824 : i32
      %broadcast_in_dim3A_1601 = vector.broadcast %jit3A_1600 : i32 to vector<128x1024xi32>
      %select_n3A_1602 = arith.select %eq3A_1599, %reshape3A_1242, %broadcast_in_dim3A_1601 : vector<128x1024xi1>, vector<128x1024xi32>
      %reduce_min3A_1603 = arith.constant dense<2147483647> : vector<128xi32>
      %reduce_min3A_1604 = vector.multi_reduction <minsi>, %select_n3A_1602, %reduce_min3A_1603 [1] : vector<128x1024xi32> to vector<128xi32>
      %broadcast_in_dim3A_1605 = vector.shape_cast %reduce_min3A_1604 : vector<128xi32> to vector<128x1xi32>
      %eq3A_1606 = vector.broadcast %broadcast_in_dim3A_1605 : vector<128x1xi32> to vector<128x1024xi32>
      %eq3A_1607 = arith.cmpi eq, %reshape3A_1242, %eq3A_1606 : vector<128x1024xi32>
      %jit3A_1608 = arith.constant 3.000000e+38 : f32
      %broadcast_in_dim3A_1609 = vector.broadcast %jit3A_1608 : f32 to vector<128x1024xf32>
      %select_n3A_1610 = arith.select %eq3A_1607, %broadcast_in_dim3A_1609, %select_n3A_1594 : vector<128x1024xi1>, vector<128x1024xf32>
      %reduce_min3A_1611 = arith.constant dense<0x7F800000> : vector<128xf32>
      %reduce_min3A_1612 = vector.multi_reduction <minimumf>, %select_n3A_1610, %reduce_min3A_1611 [1] : vector<128x1024xf32> to vector<128xf32>
      %broadcast_in_dim3A_1613 = vector.shape_cast %reduce_min3A_1612 : vector<128xf32> to vector<128x1xf32>
      %eq3A_1614 = vector.broadcast %broadcast_in_dim3A_1613 : vector<128x1xf32> to vector<128x1024xf32>
      %eq3A_1615 = arith.cmpf oeq, %select_n3A_1610, %eq3A_1614 : vector<128x1024xf32>
      %jit3A_1616 = arith.constant 1073741824 : i32
      %broadcast_in_dim3A_1617 = vector.broadcast %jit3A_1616 : i32 to vector<128x1024xi32>
      %select_n3A_1618 = arith.select %eq3A_1615, %reshape3A_1242, %broadcast_in_dim3A_1617 : vector<128x1024xi1>, vector<128x1024xi32>
      %reduce_min3A_1619 = arith.constant dense<2147483647> : vector<128xi32>
      %reduce_min3A_1620 = vector.multi_reduction <minsi>, %select_n3A_1618, %reduce_min3A_1619 [1] : vector<128x1024xi32> to vector<128xi32>
      %broadcast_in_dim3A_1621 = vector.shape_cast %reduce_min3A_1620 : vector<128xi32> to vector<128x1xi32>
      %eq3A_1622 = vector.broadcast %broadcast_in_dim3A_1621 : vector<128x1xi32> to vector<128x1024xi32>
      %eq3A_1623 = arith.cmpi eq, %reshape3A_1242, %eq3A_1622 : vector<128x1024xi32>
      %jit3A_1624 = arith.constant 3.000000e+38 : f32
      %broadcast_in_dim3A_1625 = vector.broadcast %jit3A_1624 : f32 to vector<128x1024xf32>
      %select_n3A_1626 = arith.select %eq3A_1623, %broadcast_in_dim3A_1625, %select_n3A_1610 : vector<128x1024xi1>, vector<128x1024xf32>
      %reduce_min3A_1627 = arith.constant dense<0x7F800000> : vector<128xf32>
      %reduce_min3A_1628 = vector.multi_reduction <minimumf>, %select_n3A_1626, %reduce_min3A_1627 [1] : vector<128x1024xf32> to vector<128xf32>
      %broadcast_in_dim3A_1629 = vector.shape_cast %reduce_min3A_1628 : vector<128xf32> to vector<128x1xf32>
      %eq3A_1630 = vector.broadcast %broadcast_in_dim3A_1629 : vector<128x1xf32> to vector<128x1024xf32>
      %eq3A_1631 = arith.cmpf oeq, %select_n3A_1626, %eq3A_1630 : vector<128x1024xf32>
      %jit3A_1632 = arith.constant 1073741824 : i32
      %broadcast_in_dim3A_1633 = vector.broadcast %jit3A_1632 : i32 to vector<128x1024xi32>
      %select_n3A_1634 = arith.select %eq3A_1631, %reshape3A_1242, %broadcast_in_dim3A_1633 : vector<128x1024xi1>, vector<128x1024xi32>
      %reduce_min3A_1635 = arith.constant dense<2147483647> : vector<128xi32>
      %reduce_min3A_1636 = vector.multi_reduction <minsi>, %select_n3A_1634, %reduce_min3A_1635 [1] : vector<128x1024xi32> to vector<128xi32>
      %broadcast_in_dim3A_1637 = vector.shape_cast %reduce_min3A_1636 : vector<128xi32> to vector<128x1xi32>
      %eq3A_1638 = vector.broadcast %broadcast_in_dim3A_1637 : vector<128x1xi32> to vector<128x1024xi32>
      %eq3A_1639 = arith.cmpi eq, %reshape3A_1242, %eq3A_1638 : vector<128x1024xi32>
      %jit3A_1640 = arith.constant 3.000000e+38 : f32
      %broadcast_in_dim3A_1641 = vector.broadcast %jit3A_1640 : f32 to vector<128x1024xf32>
      %select_n3A_1642 = arith.select %eq3A_1639, %broadcast_in_dim3A_1641, %select_n3A_1626 : vector<128x1024xi1>, vector<128x1024xf32>
      %reduce_min3A_1643 = arith.constant dense<0x7F800000> : vector<128xf32>
      %reduce_min3A_1644 = vector.multi_reduction <minimumf>, %select_n3A_1642, %reduce_min3A_1643 [1] : vector<128x1024xf32> to vector<128xf32>
      %broadcast_in_dim3A_1645 = vector.shape_cast %reduce_min3A_1644 : vector<128xf32> to vector<128x1xf32>
      %eq3A_1646 = vector.broadcast %broadcast_in_dim3A_1645 : vector<128x1xf32> to vector<128x1024xf32>
      %eq3A_1647 = arith.cmpf oeq, %select_n3A_1642, %eq3A_1646 : vector<128x1024xf32>
      %jit3A_1648 = arith.constant 1073741824 : i32
      %broadcast_in_dim3A_1649 = vector.broadcast %jit3A_1648 : i32 to vector<128x1024xi32>
      %select_n3A_1650 = arith.select %eq3A_1647, %reshape3A_1242, %broadcast_in_dim3A_1649 : vector<128x1024xi1>, vector<128x1024xi32>
      %reduce_min3A_1651 = arith.constant dense<2147483647> : vector<128xi32>
      %reduce_min3A_1652 = vector.multi_reduction <minsi>, %select_n3A_1650, %reduce_min3A_1651 [1] : vector<128x1024xi32> to vector<128xi32>
      %broadcast_in_dim3A_1653 = vector.shape_cast %reduce_min3A_1652 : vector<128xi32> to vector<128x1xi32>
      %eq3A_1654 = vector.broadcast %broadcast_in_dim3A_1653 : vector<128x1xi32> to vector<128x1024xi32>
      %eq3A_1655 = arith.cmpi eq, %reshape3A_1242, %eq3A_1654 : vector<128x1024xi32>
      %jit3A_1656 = arith.constant 3.000000e+38 : f32
      %broadcast_in_dim3A_1657 = vector.broadcast %jit3A_1656 : f32 to vector<128x1024xf32>
      %select_n3A_1658 = arith.select %eq3A_1655, %broadcast_in_dim3A_1657, %select_n3A_1642 : vector<128x1024xi1>, vector<128x1024xf32>
      %reduce_min3A_1659 = arith.constant dense<0x7F800000> : vector<128xf32>
      %reduce_min3A_1660 = vector.multi_reduction <minimumf>, %select_n3A_1658, %reduce_min3A_1659 [1] : vector<128x1024xf32> to vector<128xf32>
      %broadcast_in_dim3A_1661 = vector.shape_cast %reduce_min3A_1660 : vector<128xf32> to vector<128x1xf32>
      %eq3A_1662 = vector.broadcast %broadcast_in_dim3A_1661 : vector<128x1xf32> to vector<128x1024xf32>
      %eq3A_1663 = arith.cmpf oeq, %select_n3A_1658, %eq3A_1662 : vector<128x1024xf32>
      %jit3A_1664 = arith.constant 1073741824 : i32
      %broadcast_in_dim3A_1665 = vector.broadcast %jit3A_1664 : i32 to vector<128x1024xi32>
      %select_n3A_1666 = arith.select %eq3A_1663, %reshape3A_1242, %broadcast_in_dim3A_1665 : vector<128x1024xi1>, vector<128x1024xi32>
      %reduce_min3A_1667 = arith.constant dense<2147483647> : vector<128xi32>
      %reduce_min3A_1668 = vector.multi_reduction <minsi>, %select_n3A_1666, %reduce_min3A_1667 [1] : vector<128x1024xi32> to vector<128xi32>
      %broadcast_in_dim3A_1669 = vector.shape_cast %reduce_min3A_1668 : vector<128xi32> to vector<128x1xi32>
      %eq3A_1670 = vector.broadcast %broadcast_in_dim3A_1669 : vector<128x1xi32> to vector<128x1024xi32>
      %eq3A_1671 = arith.cmpi eq, %reshape3A_1242, %eq3A_1670 : vector<128x1024xi32>
      %jit3A_1672 = arith.constant 3.000000e+38 : f32
      %broadcast_in_dim3A_1673 = vector.broadcast %jit3A_1672 : f32 to vector<128x1024xf32>
      %select_n3A_1674 = arith.select %eq3A_1671, %broadcast_in_dim3A_1673, %select_n3A_1658 : vector<128x1024xi1>, vector<128x1024xf32>
      %reduce_min3A_1675 = arith.constant dense<0x7F800000> : vector<128xf32>
      %reduce_min3A_1676 = vector.multi_reduction <minimumf>, %select_n3A_1674, %reduce_min3A_1675 [1] : vector<128x1024xf32> to vector<128xf32>
      %broadcast_in_dim3A_1677 = vector.shape_cast %reduce_min3A_1676 : vector<128xf32> to vector<128x1xf32>
      %eq3A_1678 = vector.broadcast %broadcast_in_dim3A_1677 : vector<128x1xf32> to vector<128x1024xf32>
      %eq3A_1679 = arith.cmpf oeq, %select_n3A_1674, %eq3A_1678 : vector<128x1024xf32>
      %jit3A_1680 = arith.constant 1073741824 : i32
      %broadcast_in_dim3A_1681 = vector.broadcast %jit3A_1680 : i32 to vector<128x1024xi32>
      %select_n3A_1682 = arith.select %eq3A_1679, %reshape3A_1242, %broadcast_in_dim3A_1681 : vector<128x1024xi1>, vector<128x1024xi32>
      %reduce_min3A_1683 = arith.constant dense<2147483647> : vector<128xi32>
      %reduce_min3A_1684 = vector.multi_reduction <minsi>, %select_n3A_1682, %reduce_min3A_1683 [1] : vector<128x1024xi32> to vector<128xi32>
      %broadcast_in_dim3A_1685 = vector.shape_cast %reduce_min3A_1684 : vector<128xi32> to vector<128x1xi32>
      %eq3A_1686 = vector.broadcast %broadcast_in_dim3A_1685 : vector<128x1xi32> to vector<128x1024xi32>
      %eq3A_1687 = arith.cmpi eq, %reshape3A_1242, %eq3A_1686 : vector<128x1024xi32>
      %jit3A_1688 = arith.constant 3.000000e+38 : f32
      %broadcast_in_dim3A_1689 = vector.broadcast %jit3A_1688 : f32 to vector<128x1024xf32>
      %select_n3A_1690 = arith.select %eq3A_1687, %broadcast_in_dim3A_1689, %select_n3A_1674 : vector<128x1024xi1>, vector<128x1024xf32>
      %reduce_min3A_1691 = arith.constant dense<0x7F800000> : vector<128xf32>
      %reduce_min3A_1692 = vector.multi_reduction <minimumf>, %select_n3A_1690, %reduce_min3A_1691 [1] : vector<128x1024xf32> to vector<128xf32>
      %broadcast_in_dim3A_1693 = vector.shape_cast %reduce_min3A_1692 : vector<128xf32> to vector<128x1xf32>
      %eq3A_1694 = vector.broadcast %broadcast_in_dim3A_1693 : vector<128x1xf32> to vector<128x1024xf32>
      %eq3A_1695 = arith.cmpf oeq, %select_n3A_1690, %eq3A_1694 : vector<128x1024xf32>
      %jit3A_1696 = arith.constant 1073741824 : i32
      %broadcast_in_dim3A_1697 = vector.broadcast %jit3A_1696 : i32 to vector<128x1024xi32>
      %select_n3A_1698 = arith.select %eq3A_1695, %reshape3A_1242, %broadcast_in_dim3A_1697 : vector<128x1024xi1>, vector<128x1024xi32>
      %reduce_min3A_1699 = arith.constant dense<2147483647> : vector<128xi32>
      %reduce_min3A_1700 = vector.multi_reduction <minsi>, %select_n3A_1698, %reduce_min3A_1699 [1] : vector<128x1024xi32> to vector<128xi32>
      %broadcast_in_dim3A_1701 = vector.shape_cast %reduce_min3A_1700 : vector<128xi32> to vector<128x1xi32>
      %eq3A_1702 = vector.broadcast %broadcast_in_dim3A_1701 : vector<128x1xi32> to vector<128x1024xi32>
      %eq3A_1703 = arith.cmpi eq, %reshape3A_1242, %eq3A_1702 : vector<128x1024xi32>
      %jit3A_1704 = arith.constant 3.000000e+38 : f32
      %broadcast_in_dim3A_1705 = vector.broadcast %jit3A_1704 : f32 to vector<128x1024xf32>
      %select_n3A_1706 = arith.select %eq3A_1703, %broadcast_in_dim3A_1705, %select_n3A_1690 : vector<128x1024xi1>, vector<128x1024xf32>
      %reduce_min3A_1707 = arith.constant dense<0x7F800000> : vector<128xf32>
      %reduce_min3A_1708 = vector.multi_reduction <minimumf>, %select_n3A_1706, %reduce_min3A_1707 [1] : vector<128x1024xf32> to vector<128xf32>
      %broadcast_in_dim3A_1709 = vector.shape_cast %reduce_min3A_1708 : vector<128xf32> to vector<128x1xf32>
      %eq3A_1710 = vector.broadcast %broadcast_in_dim3A_1709 : vector<128x1xf32> to vector<128x1024xf32>
      %eq3A_1711 = arith.cmpf oeq, %select_n3A_1706, %eq3A_1710 : vector<128x1024xf32>
      %jit3A_1712 = arith.constant 1073741824 : i32
      %broadcast_in_dim3A_1713 = vector.broadcast %jit3A_1712 : i32 to vector<128x1024xi32>
      %select_n3A_1714 = arith.select %eq3A_1711, %reshape3A_1242, %broadcast_in_dim3A_1713 : vector<128x1024xi1>, vector<128x1024xi32>
      %reduce_min3A_1715 = arith.constant dense<2147483647> : vector<128xi32>
      %reduce_min3A_1716 = vector.multi_reduction <minsi>, %select_n3A_1714, %reduce_min3A_1715 [1] : vector<128x1024xi32> to vector<128xi32>
      %broadcast_in_dim3A_1717 = vector.shape_cast %reduce_min3A_1716 : vector<128xi32> to vector<128x1xi32>
      %eq3A_1718 = vector.broadcast %broadcast_in_dim3A_1717 : vector<128x1xi32> to vector<128x1024xi32>
      %eq3A_1719 = arith.cmpi eq, %reshape3A_1242, %eq3A_1718 : vector<128x1024xi32>
      %jit3A_1720 = arith.constant 3.000000e+38 : f32
      %broadcast_in_dim3A_1721 = vector.broadcast %jit3A_1720 : f32 to vector<128x1024xf32>
      %select_n3A_1722 = arith.select %eq3A_1719, %broadcast_in_dim3A_1721, %select_n3A_1706 : vector<128x1024xi1>, vector<128x1024xf32>
      %reduce_min3A_1723 = arith.constant dense<0x7F800000> : vector<128xf32>
      %reduce_min3A_1724 = vector.multi_reduction <minimumf>, %select_n3A_1722, %reduce_min3A_1723 [1] : vector<128x1024xf32> to vector<128xf32>
      %broadcast_in_dim3A_1725 = vector.shape_cast %reduce_min3A_1724 : vector<128xf32> to vector<128x1xf32>
      %eq3A_1726 = vector.broadcast %broadcast_in_dim3A_1725 : vector<128x1xf32> to vector<128x1024xf32>
      %eq3A_1727 = arith.cmpf oeq, %select_n3A_1722, %eq3A_1726 : vector<128x1024xf32>
      %jit3A_1728 = arith.constant 1073741824 : i32
      %broadcast_in_dim3A_1729 = vector.broadcast %jit3A_1728 : i32 to vector<128x1024xi32>
      %select_n3A_1730 = arith.select %eq3A_1727, %reshape3A_1242, %broadcast_in_dim3A_1729 : vector<128x1024xi1>, vector<128x1024xi32>
      %reduce_min3A_1731 = arith.constant dense<2147483647> : vector<128xi32>
      %reduce_min3A_1732 = vector.multi_reduction <minsi>, %select_n3A_1730, %reduce_min3A_1731 [1] : vector<128x1024xi32> to vector<128xi32>
      %broadcast_in_dim3A_1733 = vector.shape_cast %reduce_min3A_1732 : vector<128xi32> to vector<128x1xi32>
      %eq3A_1734 = vector.broadcast %broadcast_in_dim3A_1733 : vector<128x1xi32> to vector<128x1024xi32>
      %eq3A_1735 = arith.cmpi eq, %reshape3A_1242, %eq3A_1734 : vector<128x1024xi32>
      %jit3A_1736 = arith.constant 3.000000e+38 : f32
      %broadcast_in_dim3A_1737 = vector.broadcast %jit3A_1736 : f32 to vector<128x1024xf32>
      %select_n3A_1738 = arith.select %eq3A_1735, %broadcast_in_dim3A_1737, %select_n3A_1722 : vector<128x1024xi1>, vector<128x1024xf32>
      %reduce_min3A_1739 = arith.constant dense<0x7F800000> : vector<128xf32>
      %reduce_min3A_1740 = vector.multi_reduction <minimumf>, %select_n3A_1738, %reduce_min3A_1739 [1] : vector<128x1024xf32> to vector<128xf32>
      %broadcast_in_dim3A_1741 = vector.shape_cast %reduce_min3A_1740 : vector<128xf32> to vector<128x1xf32>
      %eq3A_1742 = vector.broadcast %broadcast_in_dim3A_1741 : vector<128x1xf32> to vector<128x1024xf32>
      %eq3A_1743 = arith.cmpf oeq, %select_n3A_1738, %eq3A_1742 : vector<128x1024xf32>
      %jit3A_1744 = arith.constant 1073741824 : i32
      %broadcast_in_dim3A_1745 = vector.broadcast %jit3A_1744 : i32 to vector<128x1024xi32>
      %select_n3A_1746 = arith.select %eq3A_1743, %reshape3A_1242, %broadcast_in_dim3A_1745 : vector<128x1024xi1>, vector<128x1024xi32>
      %reduce_min3A_1747 = arith.constant dense<2147483647> : vector<128xi32>
      %reduce_min3A_1748 = vector.multi_reduction <minsi>, %select_n3A_1746, %reduce_min3A_1747 [1] : vector<128x1024xi32> to vector<128xi32>
      %broadcast_in_dim3A_1749 = vector.shape_cast %reduce_min3A_1748 : vector<128xi32> to vector<128x1xi32>
      %eq3A_1750 = vector.broadcast %broadcast_in_dim3A_1749 : vector<128x1xi32> to vector<128x1024xi32>
      %eq3A_1751 = arith.cmpi eq, %reshape3A_1242, %eq3A_1750 : vector<128x1024xi32>
      %jit3A_1752 = arith.constant 3.000000e+38 : f32
      %broadcast_in_dim3A_1753 = vector.broadcast %jit3A_1752 : f32 to vector<128x1024xf32>
      %select_n3A_1754 = arith.select %eq3A_1751, %broadcast_in_dim3A_1753, %select_n3A_1738 : vector<128x1024xi1>, vector<128x1024xf32>
      %concatenate3A_1755 = tpu.concatenate %broadcast_in_dim3A_1253, %broadcast_in_dim3A_1269, %broadcast_in_dim3A_1285, %broadcast_in_dim3A_1301, %broadcast_in_dim3A_1317, %broadcast_in_dim3A_1333, %broadcast_in_dim3A_1349, %broadcast_in_dim3A_1365, %broadcast_in_dim3A_1381, %broadcast_in_dim3A_1397, %broadcast_in_dim3A_1413, %broadcast_in_dim3A_1429, %broadcast_in_dim3A_1445, %broadcast_in_dim3A_1461, %broadcast_in_dim3A_1477, %broadcast_in_dim3A_1493, %broadcast_in_dim3A_1509, %broadcast_in_dim3A_1525, %broadcast_in_dim3A_1541, %broadcast_in_dim3A_1557, %broadcast_in_dim3A_1573, %broadcast_in_dim3A_1589, %broadcast_in_dim3A_1605, %broadcast_in_dim3A_1621, %broadcast_in_dim3A_1637, %broadcast_in_dim3A_1653, %broadcast_in_dim3A_1669, %broadcast_in_dim3A_1685, %broadcast_in_dim3A_1701, %broadcast_in_dim3A_1717, %broadcast_in_dim3A_1733, %broadcast_in_dim3A_1749 in 1 : vector<128x1xi32>, vector<128x1xi32>, vector<128x1xi32>, vector<128x1xi32>, vector<128x1xi32>, vector<128x1xi32>, vector<128x1xi32>, vector<128x1xi32>, vector<128x1xi32>, vector<128x1xi32>, vector<128x1xi32>, vector<128x1xi32>, vector<128x1xi32>, vector<128x1xi32>, vector<128x1xi32>, vector<128x1xi32>, vector<128x1xi32>, vector<128x1xi32>, vector<128x1xi32>, vector<128x1xi32>, vector<128x1xi32>, vector<128x1xi32>, vector<128x1xi32>, vector<128x1xi32>, vector<128x1xi32>, vector<128x1xi32>, vector<128x1xi32>, vector<128x1xi32>, vector<128x1xi32>, vector<128x1xi32>, vector<128x1xi32>, vector<128x1xi32> -> vector<128x32xi32>
      %swap3A_1756 = arith.constant 0 : index
      %swap3A_1757 = arith.constant 0 : index
      %swap3A_1758 = arith.constant 0 : index
      %swap3A_1759 = vector.load %arg6[%swap3A_1756, %swap3A_1757, %swap3A_1758] : memref<1x128x32xi32, #tpu.memory_space<vmem>>, vector<1x128x32xi32>
      %swap3A_1760 = vector.shape_cast %swap3A_1759 : vector<1x128x32xi32> to vector<128x32xi32>
      %swap3A_1761 = vector.shape_cast %concatenate3A_1755 : vector<128x32xi32> to vector<1x128x32xi32>
      tpu.vector_store %arg6[%swap3A_1756, %swap3A_1757, %swap3A_1758], %swap3A_1761 {strides = array<i32>} : memref<1x128x32xi32, #tpu.memory_space<vmem>>, vector<1x128x32xi32>,
      tpu.yield
    }) : () -> ()
    return
  }
  func.func @transform_0(%arg0: i32, %arg1: i32) -> (i32, i32, i32) {
    %c0_i32 = arith.constant 0 : i32
    %c0_i32_0 = arith.constant 0 : i32
    %c0_i32_1 = arith.constant 0 : i32
    return %arg0, %c0_i32, %c0_i32_0 : i32, i32, i32
  }
  func.func @transform_1(%arg0: i32, %arg1: i32) -> (i32, i32, i32) {
    %c0_i32 = arith.constant 0 : i32
    %c0_i32_0 = arith.constant 0 : i32
    %c0_i32_1 = arith.constant 0 : i32
    return %arg1, %c0_i32, %c0_i32_0 : i32, i32, i32
  }
  func.func @transform_2(%arg0: i32, %arg1: i32) -> (i32, i32, i32) {
    %c0_i32 = arith.constant 0 : i32
    %c0_i32_0 = arith.constant 0 : i32
    %c0_i32_1 = arith.constant 0 : i32
    return %arg1, %c0_i32, %c0_i32_0 : i32, i32, i32
  }
  func.func @transform_3(%arg0: i32, %arg1: i32) -> (i32, i32, i32) {
    %c0_i32 = arith.constant 0 : i32
    %c0_i32_0 = arith.constant 0 : i32
    %c0_i32_1 = arith.constant 0 : i32
    return %arg1, %c0_i32, %c0_i32_0 : i32, i32, i32
  }
  func.func @transform_4(%arg0: i32, %arg1: i32) -> (i32, i32, i32) {
    %c0_i32 = arith.constant 0 : i32
    %c0_i32_0 = arith.constant 0 : i32
    return %arg0, %arg1, %c0_i32 : i32, i32, i32
  }
}

</mosaic_0001>

<sc_bundles>
// kernel: kernel.5.cloned.1.call-start
scs
__scs_entry_jumppad:
0x0: {  	(pc) =	sbr.rel $0x88, $3  }
0x1: {  	(tag) =	ssettag $0x0;
	lr =	simm.s32 $0x1  }
0x2: {  	[smem:$0x3FA0] =	sst lr;
	_ =	strace $0xD0000000  }
0x3: {  	_ = 	snop  }
0x4: {  	_ = 	snop  }
0x5: {  	_ = 	snop  }
0x6: {  	_ = 	snop  }
0x7: {  	_ = 	snop  }
__scs_overlays_trampoline_lowered:
0x8: {  	[smem:$0x3FAF] =	sst s0  }
0x9: {  	[smem:$0x3FB0] =	sst s1  }
0xa: {  	[smem:$0x3FB1] =	sst s2  }
0xb: {  	[smem:$0x3FB2] =	sst s3  }
0xc: {  	[smem:$0x3FB3] =	sst s4  }
0xd: {  	[smem:$0x3FB4] =	sst s5  }
0xe: {  	[smem:$0x3FB5] =	sst s6  }
0xf: {  	[smem:$0x3FB6] =	sst s7  }
0x10: {  	[smem:$0x3FB7] =	sst s8  }
0x11: {  	[smem:$0x3FB8] =	sst s9;
	s0 =	simm.s32 @!p0 $0x0  }
0x12: {  	s1 =	sld [smem:$0x3F9E];
	s0 =	simm.s32 @p0 $0x1  }
0x13: {  	[smem:$0x3FB9] =	sst s0;
	s0 =	simm.s32 @!p1 $0x0  }
0x14: {  	s2 =	sld [smem:$0x3F9D];
	s0 =	simm.s32 @p1 $0x1  }
0x15: {  	[smem:$0x3FBA] =	sst s0;
	s0 =	simm.s32 @!p2 $0x0  }
0x16: {  	s3 =	sld [smem:$0x3FDB];
	s0 =	simm.s32 @p2 $0x1  }
0x17: {  	s4 =	simm.s32 $0x1BF5;
	[smem:$0x3FBC] =	sst s0  }
0x18: {  	s0 =	sld [smem:$0x3F9F];
	_ =	swait.ge [sflag:s4], $0x0  }
0x19: {  	s7 =	sld [smem:$0x3FA0]  }
0x1a: {  	s8 =	sadd.s32 $0xFFFFE003, lr  }
0x1b: {  	s9 =	sadd.s32 $0xFFFFFEF7, lr;
	s5 =	simm.s32 $0xFFFFFFFF;
	p2 =	slt.u32 s8, $0xFFFFF086  }
0x1c: {  	p1 =	slt.u32 s9, $0xF7A;
	s5 =	simm.s32 @!p2 $0x0  }
0x1d: {  	s5 =	simm.s32 @p1 $0x1;
	p0 =	seq.s32 s7, s2  }
0x1e: {  	s7 =	smul.u32 @!p0 $0xF7A, s2;
	p2 =	seq.s32 @!p0 s5, $0x0  }
0x1f: {  	s9 =	smul.u32 $0xF7A, s1;
	s8 =	simm.s32 @!p0 $0x1BF5;
	p2 =	por !p2, p0  }
0x20: {  	[sflag:s8] =	ssyncset.s32 @!p0 $0xFFFFF086;
	s6 =	sadd.s32 @!p0 s3, s7;
	s7 =	simm.s32 @!p0 $0x108  }
0x21: {  	s3 =	sadd.s32 s3, s9;
	s6 =	sadd.s32 @!p0 $0x88, s6;
	s7 =	simm.s32 @p2 $0x1082  }
0x22: {  	[simem:s7], [sflag:s8] =	dma.local @!p0 [hbm:s6], $0xF7A  }
0x23: {  	s9 =	sor.u32 $0xD0000000, s2;
	s6 =	simm.s32 $0x108;
	_ =	swait.ge @!p0 [sflag:s8], $0x0  }
0x24: {  	s3 =	sadd.s32 $0x88, s3;
	s6 =	simm.s32 @!p1 $0x1082;
	[sflag:s4] =	ssyncset.s32 $0xFFFFF086  }
0x25: {  	[simem:s6], [sflag:s4] =	dma.local [hbm:s3], $0xF7A  }
0x26: {  	[smem:$0x3FA0] =	sst s1;
	(tag) =	ssettag s2;
	_ =	strace s9  }
0x27: {  	s1 =	sld [smem:$0x3FB0]  }
0x28: {  	s2 =	sld [smem:$0x3FB1]  }
0x29: {  	s4 =	sld [smem:$0x3FB3]  }
0x2a: {  	p0 =	seq.s32 s5, $0x0;
	s5 =	sld [smem:$0x3FB4]  }
0x2b: {  	s6 =	sld [smem:$0x3FB5]  }
0x2c: {  	s7 =	sld [smem:$0x3FB6]  }
0x2d: {  	s3 =	simm.s32 $0x108;
	s8 =	sld [smem:$0x3FB7]  }
0x2e: {  	s3 =	simm.s32 @!p0 $0x1082;
	s9 =	sld [smem:$0x3FB8]  }
0x2f: {  	lr =	sadd.s32 s0, s3;
	s0 =	sld [smem:$0x3FAF]  }
0x30: {  	s3 =	sld [smem:$0x3FB2]  }
0x31: {  	[smem:$0x3FBB] =	sst s10  }
0x32: {  	s10 =	sld [smem:$0x3FB9];
	_ =	sdelay $0x3  }
0x33: {  	p0 =	seq.s32 s10, $0x1;
	s10 =	sld [smem:$0x3FBB];
	_ =	sdelay $0x3  }
0x34: {  	[smem:$0x3FBB] =	sst s10  }
0x35: {  	s10 =	sld [smem:$0x3FBA];
	_ =	sdelay $0x3  }
0x36: {  	p1 =	seq.s32 s10, $0x1;
	s10 =	sld [smem:$0x3FBB];
	_ =	sdelay $0x3  }
0x37: {  	[smem:$0x3FBB] =	sst s10  }
0x38: {  	s10 =	sld [smem:$0x3FBC]  }
0x39: {  	_ = 	snop;
	(pc) =	sbr.ind lr, $3  }
0x3a: {  	_ = 	snop  }
0x3b: {  	_ = 	snop  }
0x3c: {  	p2 =	seq.s32 s10, $0x1;
	s10 =	sld [smem:$0x3FBB]  }
0x3d: {  	_ =	shalt  }
0x3e: {  	_ =	shalt  }
0x3f: {  	_ =	shalt  }
0x40: {  	_ =	shalt  }
0x41: {  	_ =	shalt  }
0x42: {  	_ =	shalt  }
0x43: {  	_ =	shalt  }
0x44: {  	_ =	shalt  }
0x45: {  	_ =	shalt  }
0x46: {  	_ =	shalt  }
0x47: {  	_ =	shalt  }
0x48: {  	_ =	shalt  }
0x49: {  	_ =	shalt  }
0x4a: {  	_ =	shalt  }
0x4b: {  	_ =	shalt  }
0x4c: {  	_ =	shalt  }
0x4d: {  	_ =	shalt  }
0x4e: {  	_ =	shalt  }
0x4f: {  	_ =	shalt  }
0x50: {  	_ =	shalt  }
0x51: {  	_ =	shalt  }
0x52: {  	_ =	shalt  }
0x53: {  	_ =	shalt  }
0x54: {  	_ =	shalt  }
0x55: {  	_ =	shalt  }
0x56: {  	_ =	shalt  }
0x57: {  	_ =	shalt  }
0x58: {  	_ =	shalt  }
0x59: {  	_ =	shalt  }
0x5a: {  	_ =	shalt  }
0x5b: {  	_ =	shalt  }
0x5c: {  	_ =	shalt  }
0x5d: {  	_ =	shalt  }
0x5e: {  	_ =	shalt  }
0x5f: {  	_ =	shalt  }
0x60: {  	_ =	shalt  }
0x61: {  	_ =	shalt  }
0x62: {  	_ =	shalt  }
0x63: {  	_ =	shalt  }
0x64: {  	_ =	shalt  }
0x65: {  	_ =	shalt  }
0x66: {  	_ =	shalt  }
0x67: {  	_ =	shalt  }
0x68: {  	_ =	shalt  }
0x69: {  	_ =	shalt  }
0x6a: {  	_ =	shalt  }
0x6b: {  	_ =	shalt  }
0x6c: {  	_ =	shalt  }
0x6d: {  	_ =	shalt  }
0x6e: {  	_ =	shalt  }
0x6f: {  	_ =	shalt  }
0x70: {  	_ =	shalt  }
0x71: {  	_ =	shalt  }
0x72: {  	_ =	shalt  }
0x73: {  	_ =	shalt  }
0x74: {  	_ =	shalt  }
0x75: {  	_ =	shalt  }
0x76: {  	_ =	shalt  }
0x77: {  	_ =	shalt  }
0x78: {  	_ =	shalt  }
0x79: {  	_ =	shalt  }
0x7a: {  	_ =	shalt  }
0x7b: {  	_ =	shalt  }
0x7c: {  	_ =	shalt  }
0x7d: {  	_ =	shalt  }
0x7e: {  	_ =	shalt  }
0x7f: {  	_ =	shalt  }
0x80: {  	_ =	shalt  }
0x81: {  	_ =	shalt  }
0x82: {  	_ =	shalt  }
0x83: {  	_ =	shalt  }
0x84: {  	_ =	shalt  }
0x85: {  	_ =	shalt  }
0x86: {  	_ =	shalt  }
0x87: {  	_ =	shalt  }
.Lfunc_end0:
.L_simem_size_0:
called_computation_lowered:
.L_overlay_start_0:
0x88: {  	s2 =	sld [smem:$0x3FD9]  }
0x89: {  	s3 =	sld [smem:$0x3FFE];
	_ =	sdelay $0x1  }
0x8a: {  	s1 =	srdreg.scid  }
0x8b: {  	s0 =	sand.u32 $0x1, s1  }
0x8c: {  	s14 =	sshll.u32 s0, $0xA;
	s2 =	sadd.s32 s3, s2  }
0x8d: {  	s2 =	sadd.s32 s2, s14  }
0x8e: {  	[smem:$0x3FC7] =	sst s2  }
0x8f: {  	_ = 	snop  }
0x90: {  	s2 =	sld [smem:$0x3FD0];
	_ =	sdelay $0x2  }
0x91: {  	s15 =	simm.s32 $0xA;
	s4 =	simm.s32 $0x10  }
0x92: {  	[smem:s4], [sflag:s15] =	dma.local [hbm:s2], $0x1  }
0x93: {  	_ =	swait.eq [sflag:s15], $0x1  }
0x94: {  	[sflag:s15] =	ssyncset.done $0x0  }
0x95: {  	[sflag:s15] =	ssyncadd.s32 $0xFFFFFFFF  }
0x96: {  	s16 =	sld [smem:$0x10];
	(tm) =	ssettm $0x1  }
0x97: {  	s17 =	sld [smem:$0x3FFB];
	_ =	sdelay $0x3  }
0x98: {  	_ =	strace s17  }
0x99: {  	s3 =	sld [smem:$0x3FFC];
	_ =	sdelay $0x3  }
0x9a: {  	_ =	strace s3  }
0x9b: {  	s3 =	sld [smem:$0x3FFD];
	_ =	sdelay $0x3  }
0x9c: {  	_ =	strace s3  }
0x9d: {  	_ =	strace $0x8FFFFFFF  }
0x9e: {  	s18 =	sld [smem:$0x3FDB];
	_ =	sdelay $0x1  }
0x9f: {  	s19 =	simm.s32 $_scs_section_size  }
0xa0: {  	s5 =	simm.s32 $_size__tile_overlayer_lowered;
	s6 =	simm.s32 $_tile_overlayer_lowered  }
0xa1: {  	s22 =	simm.s32 $0x1BFF;
	s21 =	sshll.u32 s6, $0x1;
	s3 =	sadd.s32 s19, s18  }
0xa2: {  	s7 =	simm.s32 $0x0;
	s20 =	sshll.u32 s5, $0x1;
	s5 =	sadd.s32 s21, s3  }
0xa3: {  	[timem:s7], [sflag:s22] =	dma.local [hbm:s5], s20  }
0xa4: {  	_ =	swait.ge [sflag:s22], s20  }
0xa5: {  	s4 =	ssub.s32 $0x0, s20;
	[sflag:s22] =	ssyncset.done $0x0  }
0xa6: {  	[sflag:s22] =	ssyncadd.s32 s4;
	_ =	sdelay $0x1  }
0xa7: {  	s23 =	simm.s32 $0x1B8B  }
0xa8: {  	_ =	swait.ge [sflag:s23], $0x1  }
0xa9: {  	[sflag:s23] =	ssyncset.done $0x0  }
0xaa: {  	s25 =	simm.s32 $0x1B8E;
	s24 =	sld [smem:$0x3FFE];
	[sflag:s23] =	ssyncadd.s32 $0xFFFFFFFF  }
0xab: {  	s26 =	simm.s32 $execute0_lowered;
	[smem:$0x3FD2] =	sst s25  }
0xac: {  	s5 =	sshll.u32 s26, $0x1;
	_ =	strace $0x80000046;
	[dreg:$0x1] =	wrdreg $0xFFFFFFFF  }
0xad: {  	s28 =	simm.s32 $_size_execute0_lowered;
	s3 =	sadd.s32 s3, s5;
	[dreg:$0x0] =	wrdreg $0x0  }
0xae: {  	s5 =	sshll.u32 s28, $0x1;
	[dreg:$0x2] =	wrdreg s3  }
0xaf: {  	[dreg:$0x3] =	wrdreg s5  }
0xb0: {  	[dreg:$0x4] =	wrdreg $0xC0  }
0xb1: {  	_ =	task [dreg:s7], $0x5FFFF  }
0xb2: {  	[dreg:$0x1] =	wrdreg $0xFFFFFFFF  }
0xb3: {  	[dreg:$0x0] =	wrdreg $0x60  }
0xb4: {  	[dreg:$0x2] =	wrdreg s24  }
0xb5: {  	[dreg:$0x3] =	wrdreg s16  }
0xb6: {  	[dreg:$0x4] =	wrdreg $0x9  }
0xb7: {  	_ =	task.clear_ibuf [dreg:s7], $0x5FFFF;
	_ =	strace $0x90000046  }
0xb8: {  	s29 =	simm.s32 $0x9;
	_ =	strace $0x80000048  }
0xb9: {  	_ =	swait.ge [sflag:s29], $0x1  }
0xba: {  	[sflag:s29] =	ssyncadd.s32 $0xFFFFFFFF  }
0xbb: {  	_ =	strace $0x90000048  }
0xbc: {  	_ =	sfence  }
0xbd: {  	s30 =	sld [smem:$0x0];
	_ =	sdelay $0x2  }
0xbe: {  	s31 =	sshll.u32 s1, $0xD;
	s1 =	sshrl.u32 s1, $0x2  }
0xbf: {  	s3 =	sand.u32 $0x4000, s31;
	s1 =	sadd.s32 s1, s30  }
0xc0: {  	s0 =	sor.u32 s3, s0;
	s1 =	sshll.u32 s1, $0x11  }
0xc1: {  	s0 =	sor.u32 s1, s0  }
0xc2: {  	s0 =	sadd.s32 $0x8F2B, s0  }
0xc3: {  	[sflag:s0] =	ssyncadd.remote.s32 $0x1  }
0xc4: {  	_ =	sfence.sel $0xFFFF  }
0xc5: {  	[dreg:$0x0] =	wrdreg $0xFFFFFFFF;
	(pc) =	sbr.abs _section_cstart, $3  }
0xc6: {  	[dreg:$0x1] =	wrdreg $0xFFFFFFFF  }
0xc7: {  	_ =	task.clear_ibuf [dreg:s7], $0x2FFFF;
	_ =	strace $0x9FFFFFFF  }
0xc8: {  	(tm) =	ssettm $0x7FFFFFFF  }
0xc9: {  	_ =	shalt  }
tec
execute0_lowered:
.L_overlay_start_1:
0x0: {  	(tag) =	ssettag $0x1  }
0x1: {  	v0 =	vimm.s32 $0xFEA540;
	v1 =	vimm.s32 $0x24924924;
	v2 =	vimm.s32 $0x77766655  }
0x2: {  	vm0 =	vcmask $0x2F00;
	vm12 =	vcmask $0x3B30;
	v3 =	vimm.s32 $0xDCCCBBBA  }
0x3: {  	v4 =	vimm.s32 $0x9080808;
	vm2 =	vcmask $0x1F00;
	vm1 =	vcmask $0x2F20  }
0x4: {  	v5 =	vimm.s32 $0xE0E0D0D;
	v6 =	vimm.s32 $0x11101010;
	vm13 =	vcmask $0xF00  }
0x5: {  	v7 =	vimm.s32 $0x13131312;
	vm3 =	vcmask $0x1F10;
	v8 =	vimm.s32 $0x16161515  }
0x6: {  	v9 =	vimm.s32 $0x92492492;
	vm14 =	vcmask $0x3730;
	v3 =	vunpack.c.l.s4.s8 v3  }
0x7: {  	s1 =	srdreg.scid;
	s5 =	rddreg [dreg:$0x0];
	vm15 =	vcmask $0x3330;
	v0 =	vunpack.c.l.s2.s4 v0;
	v1 =	vunpack.c.l.s2.s4 v1  }
0x8: {  	s0 =	stileid.u32;
	s7 =	rddreg [dreg:$0x1];
	v2 =	vunpack.c.l.s4.s8 v2;
	v4 =	vunpack.c.0.s8.s32 v4;
	v3 =	vunpack.c.0.s8.s32 v3  }
0x9: {  	s3 =	simm.s32 $0x1;
	s4 =	sand.u32 $0x1, s1;
	s26 =	sshll.u32 s0, $0x1;
	v5 =	vunpack.c.0.s8.s32 v5;
	v6 =	vunpack.c.0.s8.s32 v6;
	v7 =	vunpack.c.0.s8.s32 v7  }
0xa: {  	s2 =	simm.s32 $0x0;
	s13 =	simm.s32 $0x8300;
	v9 =	vunpack.c.l.s2.s4 v9;
	s6 =	sor.u32 s4, s26;
	v2 =	vunpack.c.0.s8.s32 v2;
	v3 =	vand.u32 $0xF, v3  }
0xb: {  	s1 =	rddreg [dreg:$0x2];
	p1 =	seq.s32 s4, $0x1;
	v0 =	vunpack.c.l.s4.s8 v0;
	v1 =	vunpack.c.l.s4.s8 v1;
	p0 =	seq.s32 s6, $0x0;
	v3 =	vnsel vm2, $0xF, v3  }
0xc: {  	s14 =	simm.s32 $0x0;
	[smem:$0x7FF] =	sst s2;
	p0 =	por !p0, !p1;
	v2 =	vand.u32 $0xF, v2;
	v5 =	vsel vm1, v5, v3;
	v3 =	vimm.s32 $0x12121111  }
0xd: {  	s30 =	sshrl.u32 s0, $0x2;
	_ =	strace $0x80000047;
	v6 =	vnsel vm13, $0x15, v6;
	p0 =	por !p0, !p0;
	v2 =	vnsel vm2, $0xA, v2;
	v3 =	vunpack.c.0.s8.s32 v3  }
0xe: {  	s11 =	sshll.u32 s4, $0x10;
	s29 =	smul.u32 $0x1800, s4;
	v9 =	vunpack.c.l.s4.s8 v9;
	v0 =	vunpack.c.0.s8.s32 v0;
	s3 =	simm.s32 @!p0 $0x0;
	v2 =	vsel vm1, v4, v2  }
0xf: {  	s4 =	ssub.s32 $0x2, s4;
	s6 =	sshll.u32 s6, $0x7;
	s3 =	ssub.s32 s0, s3;
	v3 =	vsel vm3, v3, v6;
	v6 =	vunpack.c.0.s8.s32 v8;
	v8 =	vimm.s32 $0x17171716  }
0x10: {  	s31 =	sshrl.u32 s4, $0x1;
	s8 =	sshrl.u32 s3, $0x3;
	s3 =	sshll.u32 s3, $0x7;
	v7 =	vsel vm1, v7, v3;
	v3 =	vunpack.c.0.s8.s32 v8;
	v8 =	vimm.s32 $0x19181818  }
0x11: {  	s6 =	sand.u32 $0x380, s6;
	v4 =	vimm.s32 $0x49249249;
	s9 =	sand.u32 $0x380, s3;
	s28 =	smul.u32 $0x30000, s8;
	v6 =	vnsel vm13, $0x1A, v6;
	v8 =	vunpack.c.0.s8.s32 v8  }
0x12: {  	v4 =	vunpack.c.l.s2.s4 v4;
	s10 =	sshll.u32 s8, $0x11;
	s8 =	smul.u32 $0x3000, s8;
	s3 =	simm.s32 $0x1;
	v3 =	vsel vm3, v3, v6;
	v6 =	vimm.s32 $0x1B1B1B1A  }
0x13: {  	s10 =	sor.u32 s11, s10;
	s11 =	ssub.s32 s4, s31;
	s12 =	sor.u32 s9, s28;
	v8 =	vsel vm1, v8, v3;
	v3 =	vunpack.c.0.s8.s32 v6;
	v6 =	vimm.s32 $0x1D1C1C1C  }
0x14: {  	v1 =	vunpack.c.0.s8.s32 v1;
	v4 =	vunpack.c.l.s4.s8 v4;
	s10 =	sor.u32 s9, s10;
	s8 =	sadd.s32 s29, s8;
	s12 =	sshrl.u32 s12, $0x3;
	v6 =	vunpack.c.0.s8.s32 v6  }
0x15: {  	v9 =	vunpack.c.0.s8.s32 v9;
	v0 =	vand.u32 $0x3, v0;
	s10 =	sshrl.u32 s10, $0x3;
	s8 =	sor.u32 s9, s8;
	s9 =	smul.u32 $0x30000, s30;
	v3 =	vnsel vm13, $0x1F, v3  }
0x16: {  	v4 =	vunpack.c.0.s8.s32 v4;
	s12 =	sadd.s32 s12, s5;
	s10 =	sadd.s32 s10, s5;
	s8 =	sshrl.u32 s8, $0x3;
	v6 =	vsel vm3, v6, v3;
	v3 =	vimm.s32 $0x1E1E1D1D  }
0x17: {  	v1 =	vand.u32 $0x3, v1;
	v0 =	vnsel vm0, $0x5, v0;
	s8 =	sadd.s32 s8, s5;
	s6 =	sor.u32 s9, s6;
	s4 =	sadd.s32 $0x9800, s12;
	v10 =	vunpack.c.0.s8.s32 v3  }
0x18: {  	v2 =	vsel vm14, $0x9, v2;
	v0 =	vsel vm12, $0x4, v0;
	s5 =	sadd.s32 $0x1800, s10;
	s10 =	simm.s32 $0x400;
	s12 =	simm.s32 $0x8000;
	v3 =	vand.u32 $0x3, v4  }
0x19: {  	s9 =	sshrl.u32 s6, $0x3;
	s6 =	sadd.s32 $0xC00, s8;
	s8 =	smax.u32 s11, $0x1;
	v4 =	vsel vm15, $0xE, v5;
	v5 =	vand.u32 $0x3, v9;
	v9 =	vsel vm1, v10, v6  }
0x1a: {  	s11 =	simm.s32 $0x6000;
	s7 =	sadd.s32 s7, s9;
	s9 =	simm.s32 $0x80;
	v6 =	vsel vm12, $0x14, v7;
	v7 =	vsel vm14, $0x19, v8;
	v8 =	vsel vm15, $0x1E, v9  }
.LBB2_1:
0x1b: {  	[tilespmem:s2], [sflag:$0x1] =	stream.strided.gather [hbm4b:s4+s9], $0x6000, s10, s9, $0x38;
	[tilespmem:$0xE300] =	vst v63  }
0x1c: {  	_ =	swait.ge [sflag:s3], $0x6000  }
0x1d: {  	[sflag:s3] =	ssyncset.done $0x0  }
0x1e: {  	[sflag:s3] =	ssyncadd.s32 $0xFFFFA000  }
0x1f: {  	[tilespmem:s11], [sflag:$0x1] =	stream.strided.gather [hbm4b:s5+s9], $0x2000, s10, s9, $0x38;
	[tilespmem:$0xE300] =	vst v63  }
0x20: {  	_ =	swait.ge [sflag:s3], $0x2000  }
0x21: {  	[sflag:s3] =	ssyncset.done $0x0  }
0x22: {  	[sflag:s3] =	ssyncadd.s32 $0xFFFFE000  }
0x23: {  	[tilespmem:s12], [sflag:$0x1] =	stream.strided.gather [hbm4b:s6+s9], $0x300, s10, s9, $0x38;
	[tilespmem:$0xE300] =	vst v63  }
0x24: {  	_ =	swait.ge [sflag:s3], $0x300  }
0x25: {  	s15 =	simm.s32 $0x8330;
	[sflag:s3] =	ssyncset.done $0x0  }
0x26: {  	s16 =	simm.s32 $0x0;
	s17 =	simm.s32 $0x0;
	[sflag:s3] =	ssyncadd.s32 $0xFFFFFD00  }
.LBB2_2:
0x27: {  	v9 =	vor.u32 s17, v0;
	_ =	sdelay $0x4  }
0x28: {  	v9 =	vld.idx.msk [tilespmem:v9+s11+$0x0], $0xffff;
	_ =	sdelay $0x4  }
0x29: {  	v9 =	vmul.u32 $0x3, v9  }
0x2a: {  	v10 =	vadd.s32 s16, v1  }
0x2b: {  	v9 =	vadd.s32 v1, v9;
	_ =	sdelay $0x3  }
0x2c: {  	v11 =	vld.idx.msk [tilespmem:v10+s12+$0x0], $0xffff  }
0x2d: {  	v9 =	vld.idx.msk [tilespmem:v9+s2+$0x0], $0xffff;
	_ =	sdelay $0x2  }
0x2e: {  	v12 =	vor.u32 s17, v2;
	_ =	sdelay $0x1  }
0x2f: {  	v9 =	vsub.f32 v9, v11;
	_ =	sdelay $0x1  }
0x30: {  	[tilespmem:s15+$0xFFFFFFD0] =	vst v9  }
0x31: {  	v9 =	vld.idx.msk [tilespmem:v12+s11+$0x0], $0xffff;
	_ =	sdelay $0x4  }
0x32: {  	v9 =	vmul.u32 $0x3, v9  }
0x33: {  	v11 =	vadd.s32 s16, v3  }
0x34: {  	v9 =	vadd.s32 v3, v9;
	_ =	sdelay $0x3  }
0x35: {  	v60 =	vld.idx.msk [tilespmem:v11+s12+$0x0], $0xffff  }
0x36: {  	v9 =	vld.idx.msk [tilespmem:v9+s2+$0x0], $0xffff;
	_ =	sdelay $0x2  }
0x37: {  	v13 =	vor.u32 s17, v4;
	_ =	sdelay $0x1  }
0x38: {  	v9 =	vsub.f32 v9, v60;
	_ =	sdelay $0x1  }
0x39: {  	[tilespmem:s15+$0xFFFFFFE0] =	vst v9  }
0x3a: {  	v9 =	vld.idx.msk [tilespmem:v13+s11+$0x0], $0xffff;
	_ =	sdelay $0x4  }
0x3b: {  	v9 =	vmul.u32 $0x3, v9  }
0x3c: {  	v61 =	vadd.s32 s16, v5  }
0x3d: {  	v9 =	vadd.s32 v5, v9;
	_ =	sdelay $0x3  }
0x3e: {  	v62 =	vld.idx.msk [tilespmem:v61+s12+$0x0], $0xffff  }
0x3f: {  	v9 =	vld.idx.msk [tilespmem:v9+s2+$0x0], $0xffff;
	_ =	sdelay $0x2  }
0x40: {  	v14 =	vor.u32 s17, v6;
	_ =	sdelay $0x1  }
0x41: {  	v9 =	vsub.f32 v9, v62;
	_ =	sdelay $0x1  }
0x42: {  	[tilespmem:s15+$0xFFFFFFF0] =	vst v9  }
0x43: {  	v9 =	vld.idx.msk [tilespmem:v14+s11+$0x0], $0xffff;
	_ =	sdelay $0x4  }
0x44: {  	v9 =	vmul.u32 $0x3, v9;
	_ =	sdelay $0x1  }
0x45: {  	v9 =	vadd.s32 v1, v9;
	_ =	sdelay $0x3  }
0x46: {  	v10 =	vld.idx.msk [tilespmem:v10+s12+$0x0], $0xffff  }
0x47: {  	v9 =	vld.idx.msk [tilespmem:v9+s2+$0x0], $0xffff;
	_ =	sdelay $0x2  }
0x48: {  	v63 =	vor.u32 s17, v7;
	_ =	sdelay $0x1  }
0x49: {  	v9 =	vsub.f32 v9, v10;
	_ =	sdelay $0x1  }
0x4a: {  	[tilespmem:s15+$0x0] =	vst v9  }
0x4b: {  	v9 =	vld.idx.msk [tilespmem:v63+s11+$0x0], $0xffff;
	_ =	sdelay $0x4  }
0x4c: {  	v9 =	vmul.u32 $0x3, v9;
	_ =	sdelay $0x1  }
0x4d: {  	v9 =	vadd.s32 v3, v9;
	_ =	sdelay $0x3  }
0x4e: {  	v10 =	vld.idx.msk [tilespmem:v11+s12+$0x0], $0xffff  }
0x4f: {  	v9 =	vld.idx.msk [tilespmem:v9+s2+$0x0], $0xffff;
	_ =	sdelay $0x2  }
0x50: {  	v11 =	vor.u32 s17, v8;
	_ =	sdelay $0x1  }
0x51: {  	v9 =	vsub.f32 v9, v10;
	_ =	sdelay $0x1  }
0x52: {  	[tilespmem:s15+$0x10] =	vst v9  }
0x53: {  	v9 =	vld.idx.msk [tilespmem:v11+s11+$0x0], $0xffff;
	_ =	sdelay $0x4  }
0x54: {  	v9 =	vmul.u32 $0x3, v9;
	_ =	sdelay $0x1  }
0x55: {  	v9 =	vadd.s32 v5, v9;
	_ =	sdelay $0x3  }
0x56: {  	v10 =	vld.idx.msk [tilespmem:v61+s12+$0x0], $0xffff  }
0x57: {  	v9 =	vld.idx.msk [tilespmem:v9+s2+$0x0], $0xffff;
	_ =	sdelay $0x1  }
0x58: {  	p0 =	sne.s32 s17, $0x1FE0  }
.Ltmp0:
0x59: {  	_ = 	snop;
	(pc) =	sbr.rel @p0 .LBB2_2-.Ltmp0, $3  }
0x5a: {  	_ = 	snop  }
0x5b: {  	v9 =	vsub.f32 v9, v10;
	_ =	sdelay $0x1  }
0x5c: {  	s16 =	sadd.s32 $0x3, s16;
	s17 =	sadd.s32 $0x20, s17;
	[tilespmem:s15+$0x20] =	vst v9;
	s15 =	sadd.s32 $0x60, s15  }
0x5d: {  	s14 =	sadd.s32 $0x1, s14  }
0x5e: {  	p0 =	sne.s32 s14, s8  }
.Ltmp1:
0x5f: {  	_ = 	snop;
	(pc) =	sbr.rel @p0 .LBB2_1-.Ltmp1, $4  }
0x60: {  	[hbm4b:s7+s9] =	stream.strided.scatter [tilespmem:s13], [sflag:$0x1], $0x6000, s10, s9, $0x38;
	[tilespmem:$0xE300] =	vst v63  }
0x61: {  	_ =	swait.ge [sflag:s3], $0x6000  }
0x62: {  	[sflag:s3] =	ssyncset.done $0x0  }
0x63: {  	[sflag:s3] =	ssyncadd.s32 $0xFFFFA000  }
0x64: {  	_ =	sfence.sel $0x180000  }
0x65: {  	[bflag:$0x0] =	sbarrier.arrive $0xFFFF  }
0x66: {  	p0 =	sne.s32 s0, $0x0;
	_ =	strace $0x90000047  }
0x67: {  	s0 =	sadd.s32 @!p0 $0x100000, s1;
	[bflag:$0x2] =	sbarrier.arrive $0xFFFF  }
0x68: {  	[sflag:s0] =	ssyncadd.tile.s32 @!p0 $0x1;
	_ =	shalt  }
.Lfunc_end2:
_tile_overlayer_lowered:
.L_overlay_start_2:
0x69: {  	(tag) =	ssettag $0x2  }
0x6a: {  	s0 =	rddreg [dreg:$0x0];
	s2 =	stileid.u32  }
0x6b: {  	s1 =	rddreg [dreg:$0x1];
	p0 =	sne.s32 s2, $0x0  }
0x6c: {  	s3 =	rddreg [dreg:$0x2];
	[bflag:$0x3] =	sbarrier.arrive $0xFFFF;
	s2 =	simm.s32 @!p0 $0x1C01  }
0x6d: {  	[timem:s3], [sflag:s2] =	dma.local @!p0 [hbm:s0], s1  }
0x6e: {  	s0 =	simm.s32 @!p0 $0x1  }
0x6f: {  	_ =	swait.ge @!p0 [sflag:s0], s1  }
0x70: {  	s1 =	ssub.s32 @!p0 $0x0, s1;
	[sflag:s0] =	ssyncset.done @!p0 $0x0  }
0x71: {  	[sflag:s0] =	ssyncadd.s32 @!p0 s1  }
0x72: {  	[bflag:$0x3] =	sbarrier.arrive $0xFFFF  }
0x73: {  	_ =	shalt  }

</sc_bundles>
